<compile_context>
chip_gen: v7x
topology: tpu7x:2x2x1
jax: 0.10.2.dev20260603
libtpu: 0.0.44.dev20260713+nightly
codegen_flags: <defaults>
</compile_context>

<pallas_src>
import functools
import math

import jax
import jax.numpy as jnp
from jax import lax
from jax.experimental import pallas as pl
from jax.experimental.pallas import tpu as pltpu
from jax.experimental.pallas import tpu_sc as plsc

N = 10000
D = 128
E = 320000
G = 16

MIN_NORM = 1e-15
MAXNORM = 1.0 - 1e-5

NC = 2
NS = 16
NW = NC * NS
CHUNK = 112
NCH0 = 156
NCH1 = 24
PER_PAIR = (NCH0 + NCH1) * CHUNK
E_PAD = PER_PAIR * NS
ACC_ROWS = 10112
ROWS_PER_TILE = ACC_ROWS // NS
ZROWS = 8

R_TC = 2000
NBLK = N // R_TC


def _norm(x):
    return jnp.clip(jnp.sqrt(jnp.sum(x * x, axis=-1, keepdims=True)), MIN_NORM, None)


def _proj(x):
    n = _norm(x)
    return jnp.where(n > MAXNORM, x / n * MAXNORM, x)


def _expmap0(u):
    n = _norm(u)
    return jnp.tanh(n) * u / n


_A = math.atanh(1.0 - 1e-5)


def _hyplinear_t(x, x_norm, x_log, w):
    mx = lax.dot_general(x, w, (((1,), (1,)), ((), ())),
                         preferred_element_type=jnp.float32)
    mx_norm = _norm(mx)
    targ = mx_norm / x_norm * x_log
    t = jnp.minimum(targ, _A) * mx / mx_norm
    return jnp.where(jnp.all(mx == 0.0, axis=-1, keepdims=True),
                     jnp.zeros_like(t), t)


def _post_agg(agg):
    n_a = _norm(agg)
    xt = jnp.tanh(jnp.minimum(n_a, _A) * agg / n_a)
    n_x = _norm(xt)
    s = jnp.minimum(jnp.tanh(n_x), MAXNORM)
    return s * xt / n_x, s, jnp.minimum(n_x, _A)



def _tc1_body(h_ref, w_ref, o_ref):
    h = h_ref[...]
    n_h = _norm(h)
    s = jnp.minimum(jnp.tanh(n_h), MAXNORM)
    inp = s * h / n_h
    o_ref[...] = _hyplinear_t(inp, s, jnp.minimum(n_h, _A), w_ref[...])


def _tc2_body(p_ref, w_ref, o_ref):
    x1, s, x_log = _post_agg(p_ref[0] + p_ref[1])
    o_ref[...] = _hyplinear_t(x1, s, x_log, w_ref[...])


def _tc3_body(p_ref, gid_ref, o_ref, sum_scr, cnt_scr):
    i = pl.program_id(0)
    agg = p_ref[0] + p_ref[1]
    n_a = _norm(agg)
    xt = jnp.tanh(jnp.minimum(n_a, _A) * agg / n_a)
    n_x = _norm(xt)
    ht = jnp.minimum(n_x, _A) * xt / n_x
    gid = gid_ref[...]
    onehot = (gid == lax.broadcasted_iota(jnp.int32, (R_TC, G), 1)
              ).astype(jnp.float32)
    psum = lax.dot_general(onehot, ht, (((0,), (0,)), ((), ())),
                           preferred_element_type=jnp.float32)
    pcnt = lax.dot_general(onehot, jnp.ones_like(ht), (((0,), (0,)), ((), ())),
                           preferred_element_type=jnp.float32)

    @pl.when(i == 0)
    def _():
        sum_scr[...] = psum
        cnt_scr[...] = pcnt

    @pl.when(i > 0)
    def _():
        sum_scr[...] += psum
        cnt_scr[...] += pcnt

    @pl.when(i == NBLK - 1)
    def _():
        mean = sum_scr[...] / jnp.clip(cnt_scr[...], 1.0, None)
        o_ref[...] = _proj(_expmap0(mean))


_ARB = pltpu.CompilerParams(dimension_semantics=("arbitrary",))


def _tc1(h, w):
    return pl.pallas_call(
        _tc1_body,
        grid=(NBLK,),
        in_specs=[
            pl.BlockSpec((R_TC, D), lambda i: (i, 0)),
            pl.BlockSpec((D, D), lambda i: (0, 0)),
        ],
        out_specs=pl.BlockSpec((R_TC, D), lambda i: (i, 0)),
        out_shape=jax.ShapeDtypeStruct((N, D), jnp.float32),
        compiler_params=_ARB,
    )(h, w)


def _tc2(p, w):
    return pl.pallas_call(
        _tc2_body,
        grid=(NBLK,),
        in_specs=[
            pl.BlockSpec((2, R_TC, D), lambda i: (0, i, 0)),
            pl.BlockSpec((D, D), lambda i: (0, 0)),
        ],
        out_specs=pl.BlockSpec((R_TC, D), lambda i: (i, 0)),
        out_shape=jax.ShapeDtypeStruct((N, D), jnp.float32),
        compiler_params=_ARB,
    )(p, w)


def _tc3(p, gid2):
    return pl.pallas_call(
        _tc3_body,
        grid=(NBLK,),
        in_specs=[
            pl.BlockSpec((2, R_TC, D), lambda i: (0, i, 0)),
            pl.BlockSpec((R_TC, 1), lambda i: (i, 0)),
        ],
        out_specs=pl.BlockSpec((G, D), lambda i: (0, 0)),
        out_shape=jax.ShapeDtypeStruct((G, D), jnp.float32),
        scratch_shapes=[
            pltpu.VMEM((G, D), jnp.float32),
            pltpu.VMEM((G, D), jnp.float32),
        ],
        compiler_params=_ARB,
    )(p, gid2)



NBUF = 3
NIDX = 4


def _sc_body(t_hbm, src_hbm, dst_hbm, out_hbm, src_v, dst_v, rows_v, zero_v,
             acc_sh, isem, gsem, zsem):
    cid = lax.axis_index("c")
    sid = lax.axis_index("s")

    @pl.loop(0, ZROWS * (D // 16))
    def _(t):
        r = t // (D // 16)
        l = t % (D // 16)
        zero_v[r, pl.ds(l * 16, 16)] = jnp.zeros((16,), jnp.float32)

    def _zcopy(k):
        return pltpu.make_async_copy(
            zero_v, acc_sh.at[pl.ds(sid * ROWS_PER_TILE + k * ZROWS, ZROWS)],
            zsem)

    @pl.loop(0, ROWS_PER_TILE // ZROWS)
    def _(k):
        _zcopy(k).start()

    @pl.loop(0, ROWS_PER_TILE // ZROWS)
    def _(k):
        _zcopy(k).wait()

    nch = jnp.where(cid == 0, NCH0, NCH1)
    base = jnp.where(cid == 0, sid * (NCH0 * CHUNK),
                     NS * (NCH0 * CHUNK) + sid * (NCH1 * CHUNK))

    plsc.subcore_barrier()

    def _idx_pair(j):
        q = j % NIDX
        off = base + j * CHUNK
        return (
            pltpu.make_async_copy(src_hbm.at[pl.ds(off, CHUNK)], src_v.at[q],
                                  isem.at[q]),
            pltpu.make_async_copy(dst_hbm.at[pl.ds(off, CHUNK)], dst_v.at[q],
                                  isem.at[q]),
        )

    def _idx_start(j):
        a, b = _idx_pair(j)
        a.start()
        b.start()

    def _idx_wait(j):
        a, b = _idx_pair(j)
        a.wait()
        b.wait()

    def _gather(j):
        return pltpu.make_async_copy(t_hbm.at[src_v.at[j % NIDX]],
                                     rows_v.at[j % NBUF], gsem.at[j % NBUF])

    _idx_start(0)
    _idx_start(1)
    _idx_start(2)
    _idx_wait(0)
    _gather(0).start()
    _idx_wait(1)
    _gather(1).start()

    @pl.loop(0, nch)
    def _(j):
        _gather(j).wait()

        @pl.when(j + 2 < nch)
        def _():
            _idx_wait(j + 2)
            _gather(j + 2).start()

        pltpu.sync_copy(rows_v.at[j % NBUF], acc_sh.at[dst_v.at[j % NIDX]],
                        add=True)

        @pl.when(j + 3 < nch)
        def _():
            _idx_start(j + 3)

    plsc.subcore_barrier()

    r0 = sid * ROWS_PER_TILE
    pltpu.sync_copy(acc_sh.at[pl.ds(r0, ROWS_PER_TILE)],
                    out_hbm.at[cid].at[pl.ds(r0, ROWS_PER_TILE)])


@functools.cache
def _sc_segsum_fn():
    return pl.kernel(
        _sc_body,
        out_type=jax.ShapeDtypeStruct((NC, ACC_ROWS, D), jnp.float32),
        mesh=plsc.VectorSubcoreMesh(core_axis_name="c", subcore_axis_name="s",
                                    num_cores=NC, num_subcores=NS),
        scratch_types=[
            pltpu.VMEM((NIDX, CHUNK), jnp.int32),
            pltpu.VMEM((NIDX, CHUNK), jnp.int32),
            pltpu.VMEM((NBUF, CHUNK, D), jnp.float32),
            pltpu.VMEM((ZROWS, D), jnp.float32),
            pltpu.VMEM_SHARED((ACC_ROWS, D), jnp.float32),
            pltpu.SemaphoreType.DMA((NIDX,)),
            pltpu.SemaphoreType.DMA((NBUF,)),
            pltpu.SemaphoreType.DMA,
        ],
    )


def _sc_segsum(t, srcp, dstp):
    return _sc_segsum_fn()(t, srcp, dstp)


def kernel(h, edge_index, graph_ids, W1, b1, W2, b2):
    del b1, b2
    src = edge_index[0]
    dst = edge_index[1]
    pad = E_PAD - E
    srcp = jnp.concatenate([src, jnp.zeros((pad,), jnp.int32)])
    dstp = jnp.concatenate([dst, jnp.full((pad,), N, jnp.int32)])
    gid2 = graph_ids.reshape(N, 1)

    t1 = _tc1(h, W1)
    p1 = _sc_segsum(t1, srcp, dstp)
    t2 = _tc2(p1, W2)
    p2 = _sc_segsum(t2, srcp, dstp)
    return _tc3(p2, gid2)

# --- scband reference (transcript-rebuilt; emitter-appended) ---
"""Pipeline reference for scband-hyp-com-enc-37838661878282 (READ-ONLY COPY).

The authoritative reference and input builder live on the scoring server;
editing this copy changes nothing except your own understanding.
"""

import jax, jax.numpy as jnp
import numpy as np

C = 1.0
N_NODES = 10000
N_EDGES = 320000
N_GRAPHS = 16
IN_DIM = 128
HIDDEN = 128
MIN_NORM = 1e-15
EPS = 1e-5


def artanh(x):
    x = jnp.clip(x, -1.0 + 1e-7, 1.0 - 1e-7)
    return 0.5 * (jnp.log1p(x) - jnp.log1p(-x))


def _norm(x):
    return jnp.clip(jnp.linalg.norm(x, axis=-1, keepdims=True), MIN_NORM, None)


def proj(x, c):
    norm = _norm(x)
    maxnorm = (1.0 - EPS) / jnp.sqrt(c)
    return jnp.where(norm > maxnorm, x / norm * maxnorm, x)


def expmap0(u, c):
    sqrt_c = jnp.sqrt(c)
    u_norm = _norm(u)
    return jnp.tanh(sqrt_c * u_norm) * u / (sqrt_c * u_norm)


def logmap0(p, c):
    sqrt_c = jnp.sqrt(c)
    p_norm = _norm(p)
    return p / p_norm / sqrt_c * artanh(sqrt_c * p_norm)


def mobius_add(x, y, c):
    x2 = jnp.sum(x * x, axis=-1, keepdims=True)
    y2 = jnp.sum(y * y, axis=-1, keepdims=True)
    xy = jnp.sum(x * y, axis=-1, keepdims=True)
    num = (1.0 + 2.0 * c * xy + c * y2) * x + (1.0 - c * x2) * y
    denom = 1.0 + 2.0 * c * xy + c * c * x2 * y2
    return num / jnp.clip(denom, MIN_NORM, None)


def mobius_matvec(m, x, c):
    sqrt_c = jnp.sqrt(c)
    x_norm = _norm(x)
    mx = x @ m.T
    mx_norm = _norm(mx)
    res = jnp.tanh(mx_norm / x_norm * artanh(sqrt_c * x_norm)) * mx / (mx_norm * sqrt_c)
    zero = jnp.all(mx == 0.0, axis=-1, keepdims=True)
    return jnp.where(zero, jnp.zeros_like(res), res)


def hgcn_layer(x, edge_index, W, b, c, n):
    # HypLinear (dropout inactive at eval)
    mv = mobius_matvec(W, x, c)
    res = proj(mv, c)
    hyp_bias = proj(expmap0(b[None, :], c), c)  # proj_tan0 is identity for PoincareBall
    res = proj(mobius_add(res, hyp_bias, c), c)
    # HypAgg: spmm(adj, logmap0(x)) with unnormalized binary adjacency from g.adj()
    x_t = logmap0(res, c)
    src = edge_index[0]
    dst = edge_index[1]
    agg = jax.ops.segment_sum(x_t[src], dst, num_segments=n)
    out = proj(expmap0(agg, c), c)
    # HypAct with act=tanh, c_in == c_out
    xt = jnp.tanh(logmap0(out, c))
    return proj(expmap0(xt, c), c)


def setup_inputs(seed: int = 0):
    key = jax.random.key(seed)
    k1, k2, k3, k4, k5 = jax.random.split(key, 5)
    h = jax.random.normal(k1, (N_NODES, IN_DIM), dtype=jnp.float32)
    edge_index = jax.random.randint(k2, (2, N_EDGES), 0, N_NODES, dtype=jnp.int32)
    graph_ids = jnp.sort(jax.random.randint(k3, (N_NODES,), 0, N_GRAPHS, dtype=jnp.int32))
    W1 = jax.random.normal(k4, (HIDDEN, IN_DIM), dtype=jnp.float32) * 0.05
    b1 = jnp.zeros((HIDDEN,), dtype=jnp.float32)
    W2 = jax.random.normal(k5, (HIDDEN, HIDDEN), dtype=jnp.float32) * 0.05
    b2 = jnp.zeros((HIDDEN,), dtype=jnp.float32)
    return {"h": h, "edge_index": edge_index, "graph_ids": graph_ids,
            "W1": W1, "b1": b1, "W2": W2, "b2": b2}


def reference(h, edge_index, graph_ids, W1, b1, W2, b2):
    c = C
    n = h.shape[0]
    # PoincareBall input lift: proj(expmap0(proj_tan0(h)))
    inp = proj(expmap0(h, c), c)
    out = hgcn_layer(inp, edge_index, W1, b1, c, n)
    out = hgcn_layer(out, edge_index, W2, b2, c, n)
    ht = logmap0(proj(out, c), c)
    # content_module=False branch: dgl.mean_nodes over batched graphs
    sums = jax.ops.segment_sum(ht, graph_ids, num_segments=N_GRAPHS)
    counts = jax.ops.segment_sum(jnp.ones((n, 1), ht.dtype), graph_ids, num_segments=N_GRAPHS)
    mean = sums / jnp.clip(counts, 1.0, None)
    return proj(expmap0(mean, c), c)

if __name__ == "__main__":
    import jax
    _d = setup_inputs()
    print(jax.jit(kernel)(*tuple(_d.values())))

</pallas_src>

<mosaic_0001>
#map = affine_map<(d0, d1) -> (0, 0)>
#map1 = affine_map<(d0, d1) -> (0)>
#map2 = affine_map<(d0, d1) -> (0, 0, 0)>
module attributes {stable_mosaic.version = 14 : i64} {
  func.func @_sc_body(%arg0: i32, %arg1: i32, %arg2: memref<10000x128xf32, #tpu.memory_space<hbm>>, %arg3: memref<322560xi32, #tpu.memory_space<hbm>>, %arg4: memref<322560xi32, #tpu.memory_space<hbm>>, %arg5: memref<2x10112x128xf32, #tpu.memory_space<hbm>>, %arg6: memref<4x112xi32, #tpu.memory_space<vmem>>, %arg7: memref<4x112xi32, #tpu.memory_space<vmem>>, %arg8: memref<3x112x128xf32, #tpu.memory_space<vmem>>, %arg9: memref<8x128xf32, #tpu.memory_space<vmem>>, %arg10: memref<10112x128xf32, #tpu.memory_space<vmem_shared>>, %arg11: memref<4x!tpu.dma_semaphore, #tpu.memory_space<semaphore_mem>>, %arg12: memref<3x!tpu.dma_semaphore, #tpu.memory_space<semaphore_mem>>, %arg13: memref<!tpu.dma_semaphore, #tpu.memory_space<semaphore_mem>>) attributes {dimension_semantics = [#tpu.dimension_semantics<core_parallel>, #tpu.dimension_semantics<subcore_parallel>], iteration_bounds = array<i64: 2, 16>, scalar_prefetch = 0 : i64, scratch_operands = 8 : i64, tpu.core_type = #tpu.core_type<sc_vector_subcore>, window_params = [{transform_indices = #map}, {transform_indices = #map1}, {transform_indices = #map1}, {transform_indices = #map2}]} {
    %scan3A = arith.constant 0 : i32
    %scan3A_0 = arith.constant 64 : i32
    %scan3A_1 = arith.addi %scan3A, %scan3A_0 : i32
    %scan3A_2 = arith.constant 1 : i32
    scf.for %scan3A_200 = %scan3A to %scan3A_1 step %scan3A_2  : i32 {
      %mul3A_201 = arith.constant 1 : i32
      %mul3A_202 = arith.muli %scan3A_200, %mul3A_201 : i32
      %add3A_203 = arith.constant 0 : i32
      %add3A_204 = arith.addi %add3A_203, %mul3A_202 : i32
      %jit3A_205 = arith.constant 8 : i32
      %div3A_206 = arith.divsi %add3A_204, %jit3A_205 : i32
      %sign3A = arith.constant 0 : i32
      %sign3A_207 = arith.cmpi sgt, %add3A_204, %sign3A : i32
      %sign3A_208 = arith.extui %sign3A_207 : i1 to i32
      %sign3A_209 = arith.constant 0 : i32
      %sign3A_210 = arith.cmpi slt, %add3A_204, %sign3A_209 : i32
      %sign3A_211 = arith.extui %sign3A_210 : i1 to i32
      %sign3A_212 = arith.subi %sign3A_208, %sign3A_211 : i32
      %sign3A_213 = arith.constant 0 : i32
      %sign3A_214 = arith.cmpi sgt, %jit3A_205, %sign3A_213 : i32
      %sign3A_215 = arith.extui %sign3A_214 : i1 to i32
      %sign3A_216 = arith.constant 0 : i32
      %sign3A_217 = arith.cmpi slt, %jit3A_205, %sign3A_216 : i32
      %sign3A_218 = arith.extui %sign3A_217 : i1 to i32
      %sign3A_219 = arith.subi %sign3A_215, %sign3A_218 : i32
      %ne3A = arith.cmpi ne, %sign3A_212, %sign3A_219 : i32
      %rem3A = arith.remsi %add3A_204, %jit3A_205 : i32
      %ne3A_220 = arith.constant 0 : i32
      %ne3A_221 = arith.cmpi ne, %rem3A, %ne3A_220 : i32
      %and3A = arith.andi %ne3A, %ne3A_221 : i1
      %sub3A_222 = arith.constant 1 : i32
      %sub3A_223 = arith.subi %div3A_206, %sub3A_222 : i32
      %select_n3A_224 = arith.select %and3A, %sub3A_223, %div3A_206 : i32
      %jit3A_225 = arith.constant 8 : i32
      %eq3A_226 = arith.constant 0 : i32
      %eq3A_227 = arith.cmpi eq, %jit3A_225, %eq3A_226 : i32
      %jit3A_228 = arith.constant 1 : i32
      %select_n3A_229 = arith.select %eq3A_227, %jit3A_228, %jit3A_225 : i32
      %rem3A_230 = arith.remsi %add3A_204, %select_n3A_229 : i32
      %ne3A_231 = arith.constant 0 : i32
      %ne3A_232 = arith.cmpi ne, %rem3A_230, %ne3A_231 : i32
      %lt3A = arith.constant 0 : i32
      %lt3A_233 = arith.cmpi slt, %rem3A_230, %lt3A : i32
      %lt3A_234 = arith.constant 0 : i32
      %lt3A_235 = arith.cmpi slt, %select_n3A_229, %lt3A_234 : i32
      %ne3A_236 = arith.xori %lt3A_233, %lt3A_235 : i1
      %and3A_237 = arith.andi %ne3A_236, %ne3A_232 : i1
      %add3A_238 = arith.addi %rem3A_230, %select_n3A_229 : i32
      %select_n3A_239 = arith.select %and3A_237, %add3A_238, %rem3A_230 : i32
      %broadcast_in_dim3A = arith.constant 0.000000e+00 : f32
      %broadcast_in_dim3A_240 = vector.broadcast %broadcast_in_dim3A : f32 to vector<16xf32>
      %mul3A_241 = arith.constant 16 : i32
      %mul3A_242 = arith.muli %select_n3A_239, %mul3A_241 : i32
      %swap3A = arith.index_cast %select_n3A_224 : i32 to index
      %swap3A_243 = arith.index_cast %mul3A_242 : i32 to index
      %swap3A_244 = tpu.vector_load %arg9[%swap3A, %swap3A_243] {strides = array<i32>} : memref<8x128xf32, #tpu.memory_space<vmem>>, vector<1x16xf32>,
      %swap3A_245 = vector.shape_cast %swap3A_244 : vector<1x16xf32> to vector<16xf32>
      %swap3A_246 = vector.shape_cast %broadcast_in_dim3A_240 : vector<16xf32> to vector<1x16xf32>
      tpu.vector_store %arg9[%swap3A, %swap3A_243], %swap3A_246 {strides = array<i32>} : memref<8x128xf32, #tpu.memory_space<vmem>>, vector<1x16xf32>,
    }
    %scan3A_3 = arith.constant 64 : i32
    %scan3A_4 = arith.constant 0 : i32
    %scan3A_5 = arith.constant 79 : i32
    %scan3A_6 = arith.addi %scan3A_4, %scan3A_5 : i32
    %scan3A_7 = arith.constant 1 : i32
    scf.for %scan3A_200 = %scan3A_4 to %scan3A_6 step %scan3A_7  : i32 {
      %mul3A_201 = arith.constant 1 : i32
      %mul3A_202 = arith.muli %scan3A_200, %mul3A_201 : i32
      %add3A_203 = arith.constant 0 : i32
      %add3A_204 = arith.addi %add3A_203, %mul3A_202 : i32
      %mul3A_205 = arith.constant 632 : i32
      %mul3A_206 = arith.muli %arg1, %mul3A_205 : i32
      %mul3A_207 = arith.constant 8 : i32
      %mul3A_208 = arith.muli %add3A_204, %mul3A_207 : i32
      %add3A_209 = arith.addi %mul3A_206, %mul3A_208 : i32
      %dma_start3A_210 = arith.constant 0 : i32
      %dma_start3A_211 = tpu.memref_slice %arg10[%add3A_209, %dma_start3A_210] : memref<10112x128xf32, #tpu.memory_space<vmem_shared>> -> memref<8x128xf32, #tpu.memory_space<vmem_shared>>
      %dma_start3A_212 = arith.constant 0 : i32
      %dma_start3A_213 = tpu.memref_slice %arg10[%add3A_209, %dma_start3A_212] : memref<10112x128xf32, #tpu.memory_space<vmem_shared>> -> memref<8x128xf32, #tpu.memory_space<vmem_shared>>
      tpu.enqueue_dma source(%arg9 : memref<8x128xf32, #tpu.memory_space<vmem>>) target(%dma_start3A_213 : memref<8x128xf32, #tpu.memory_space<vmem_shared>>) target_semaphore(%arg13 : memref<!tpu.dma_semaphore, #tpu.memory_space<semaphore_mem>>)
    }
    %scan3A_8 = arith.constant 79 : i32
    %scan3A_9 = arith.constant 0 : i32
    %scan3A_10 = arith.constant 79 : i32
    %scan3A_11 = arith.addi %scan3A_9, %scan3A_10 : i32
    %scan3A_12 = arith.constant 1 : i32
    scf.for %scan3A_200 = %scan3A_9 to %scan3A_11 step %scan3A_12  : i32 {
      %mul3A_201 = arith.constant 1 : i32
      %mul3A_202 = arith.muli %scan3A_200, %mul3A_201 : i32
      %add3A_203 = arith.constant 0 : i32
      %add3A_204 = arith.addi %add3A_203, %mul3A_202 : i32
      %mul3A_205 = arith.constant 632 : i32
      %mul3A_206 = arith.muli %arg1, %mul3A_205 : i32
      %mul3A_207 = arith.constant 8 : i32
      %mul3A_208 = arith.muli %add3A_204, %mul3A_207 : i32
      %add3A_209 = arith.addi %mul3A_206, %mul3A_208 : i32
      %dma_wait3A_210 = arith.constant 0 : i32
      %dma_wait3A_211 = tpu.memref_slice %arg10[%add3A_209, %dma_wait3A_210] : memref<10112x128xf32, #tpu.memory_space<vmem_shared>> -> memref<8x128xf32, #tpu.memory_space<vmem_shared>>
      %dma_wait3A_212 = arith.constant 0 : i32
      %dma_wait3A_213 = tpu.memref_slice %arg10[%add3A_209, %dma_wait3A_212] : memref<10112x128xf32, #tpu.memory_space<vmem_shared>> -> memref<8x128xf32, #tpu.memory_space<vmem_shared>>
      tpu.wait_dma2 semaphore(%arg13 : memref<!tpu.dma_semaphore, #tpu.memory_space<semaphore_mem>>) src(%arg9 : memref<8x128xf32, #tpu.memory_space<vmem>>) dst(%dma_wait3A_213 : memref<8x128xf32, #tpu.memory_space<vmem_shared>>)
    }
    %scan3A_13 = arith.constant 79 : i32
    %eq3A = arith.constant 0 : i32
    %eq3A_14 = arith.cmpi eq, %arg0, %eq3A : i32
    %jit3A = arith.constant 156 : i32
    %jit3A_15 = arith.constant 24 : i32
    %select_n3A = arith.select %eq3A_14, %jit3A, %jit3A_15 : i32
    %eq3A_16 = arith.constant 0 : i32
    %eq3A_17 = arith.cmpi eq, %arg0, %eq3A_16 : i32
    %mul3A = arith.constant 17472 : i32
    %mul3A_18 = arith.muli %arg1, %mul3A : i32
    %mul3A_19 = arith.constant 2688 : i32
    %mul3A_20 = arith.muli %arg1, %mul3A_19 : i32
    %add3A = arith.constant 279552 : i32
    %add3A_21 = arith.addi %add3A, %mul3A_20 : i32
    %select_n3A_22 = arith.select %eq3A_17, %mul3A_18, %add3A_21 : i32
    %barrier3A = arith.constant 0 : index
    tpu.barrier barrier_id(%barrier3A)
    %add3A_23 = arith.constant 0 : i32
    %add3A_24 = arith.addi %select_n3A_22, %add3A_23 : i32
    %dma_start3A = arith.constant 0 : i32
    %dma_start3A_25 = arith.constant 0 : i32
    %dma_start3A_26 = arith.constant 0 : i32
    %dma_start3A_27 = tpu.memref_slice %arg6[%dma_start3A, %dma_start3A_26] : memref<4x112xi32, #tpu.memory_space<vmem>> -> memref<1x112xi32, #tpu.memory_space<vmem>>
    %dma_start3A_28 = tpu.memref_squeeze %dma_start3A_27 : memref<1x112xi32, #tpu.memory_space<vmem>> -> memref<112xi32, #tpu.memory_space<vmem>>
    %dma_start3A_29 = tpu.memref_slice %arg3[%add3A_24] : memref<322560xi32, #tpu.memory_space<hbm>> -> memref<112xi32, #tpu.memory_space<hbm>>
    %dma_start3A_30 = tpu.memref_slice %arg11[%dma_start3A_25] : memref<4x!tpu.dma_semaphore, #tpu.memory_space<semaphore_mem>> -> memref<1x!tpu.dma_semaphore, #tpu.memory_space<semaphore_mem>>
    %dma_start3A_31 = tpu.memref_squeeze %dma_start3A_30 : memref<1x!tpu.dma_semaphore, #tpu.memory_space<semaphore_mem>> -> memref<!tpu.dma_semaphore, #tpu.memory_space<semaphore_mem>>
    %dma_start3A_32 = arith.constant 0 : i32
    %dma_start3A_33 = tpu.memref_slice %arg6[%dma_start3A, %dma_start3A_32] : memref<4x112xi32, #tpu.memory_space<vmem>> -> memref<1x112xi32, #tpu.memory_space<vmem>>
    %dma_start3A_34 = tpu.memref_squeeze %dma_start3A_33 : memref<1x112xi32, #tpu.memory_space<vmem>> -> memref<112xi32, #tpu.memory_space<vmem>>
    %dma_start3A_35 = tpu.memref_slice %arg3[%add3A_24] : memref<322560xi32, #tpu.memory_space<hbm>> -> memref<112xi32, #tpu.memory_space<hbm>>
    tpu.enqueue_dma source(%dma_start3A_35 : memref<112xi32, #tpu.memory_space<hbm>>) target(%dma_start3A_34 : memref<112xi32, #tpu.memory_space<vmem>>) target_semaphore(%dma_start3A_31 : memref<!tpu.dma_semaphore, #tpu.memory_space<semaphore_mem>>)
    %dma_start3A_36 = arith.constant 0 : i32
    %dma_start3A_37 = arith.constant 0 : i32
    %dma_start3A_38 = arith.constant 0 : i32
    %dma_start3A_39 = tpu.memref_slice %arg7[%dma_start3A_36, %dma_start3A_38] : memref<4x112xi32, #tpu.memory_space<vmem>> -> memref<1x112xi32, #tpu.memory_space<vmem>>
    %dma_start3A_40 = tpu.memref_squeeze %dma_start3A_39 : memref<1x112xi32, #tpu.memory_space<vmem>> -> memref<112xi32, #tpu.memory_space<vmem>>
    %dma_start3A_41 = tpu.memref_slice %arg4[%add3A_24] : memref<322560xi32, #tpu.memory_space<hbm>> -> memref<112xi32, #tpu.memory_space<hbm>>
    %dma_start3A_42 = tpu.memref_slice %arg11[%dma_start3A_37] : memref<4x!tpu.dma_semaphore, #tpu.memory_space<semaphore_mem>> -> memref<1x!tpu.dma_semaphore, #tpu.memory_space<semaphore_mem>>
    %dma_start3A_43 = tpu.memref_squeeze %dma_start3A_42 : memref<1x!tpu.dma_semaphore, #tpu.memory_space<semaphore_mem>> -> memref<!tpu.dma_semaphore, #tpu.memory_space<semaphore_mem>>
    %dma_start3A_44 = arith.constant 0 : i32
    %dma_start3A_45 = tpu.memref_slice %arg7[%dma_start3A_36, %dma_start3A_44] : memref<4x112xi32, #tpu.memory_space<vmem>> -> memref<1x112xi32, #tpu.memory_space<vmem>>
    %dma_start3A_46 = tpu.memref_squeeze %dma_start3A_45 : memref<1x112xi32, #tpu.memory_space<vmem>> -> memref<112xi32, #tpu.memory_space<vmem>>
    %dma_start3A_47 = tpu.memref_slice %arg4[%add3A_24] : memref<322560xi32, #tpu.memory_space<hbm>> -> memref<112xi32, #tpu.memory_space<hbm>>
    tpu.enqueue_dma source(%dma_start3A_47 : memref<112xi32, #tpu.memory_space<hbm>>) target(%dma_start3A_46 : memref<112xi32, #tpu.memory_space<vmem>>) target_semaphore(%dma_start3A_43 : memref<!tpu.dma_semaphore, #tpu.memory_space<semaphore_mem>>)
    %add3A_48 = arith.constant 112 : i32
    %add3A_49 = arith.addi %select_n3A_22, %add3A_48 : i32
    %dma_start3A_50 = arith.constant 1 : i32
    %dma_start3A_51 = arith.constant 1 : i32
    %dma_start3A_52 = arith.constant 0 : i32
    %dma_start3A_53 = tpu.memref_slice %arg6[%dma_start3A_50, %dma_start3A_52] : memref<4x112xi32, #tpu.memory_space<vmem>> -> memref<1x112xi32, #tpu.memory_space<vmem>>
    %dma_start3A_54 = tpu.memref_squeeze %dma_start3A_53 : memref<1x112xi32, #tpu.memory_space<vmem>> -> memref<112xi32, #tpu.memory_space<vmem>>
    %dma_start3A_55 = tpu.memref_slice %arg3[%add3A_49] : memref<322560xi32, #tpu.memory_space<hbm>> -> memref<112xi32, #tpu.memory_space<hbm>>
    %dma_start3A_56 = tpu.memref_slice %arg11[%dma_start3A_51] : memref<4x!tpu.dma_semaphore, #tpu.memory_space<semaphore_mem>> -> memref<1x!tpu.dma_semaphore, #tpu.memory_space<semaphore_mem>>
    %dma_start3A_57 = tpu.memref_squeeze %dma_start3A_56 : memref<1x!tpu.dma_semaphore, #tpu.memory_space<semaphore_mem>> -> memref<!tpu.dma_semaphore, #tpu.memory_space<semaphore_mem>>
    %dma_start3A_58 = arith.constant 0 : i32
    %dma_start3A_59 = tpu.memref_slice %arg6[%dma_start3A_50, %dma_start3A_58] : memref<4x112xi32, #tpu.memory_space<vmem>> -> memref<1x112xi32, #tpu.memory_space<vmem>>
    %dma_start3A_60 = tpu.memref_squeeze %dma_start3A_59 : memref<1x112xi32, #tpu.memory_space<vmem>> -> memref<112xi32, #tpu.memory_space<vmem>>
    %dma_start3A_61 = tpu.memref_slice %arg3[%add3A_49] : memref<322560xi32, #tpu.memory_space<hbm>> -> memref<112xi32, #tpu.memory_space<hbm>>
    tpu.enqueue_dma source(%dma_start3A_61 : memref<112xi32, #tpu.memory_space<hbm>>) target(%dma_start3A_60 : memref<112xi32, #tpu.memory_space<vmem>>) target_semaphore(%dma_start3A_57 : memref<!tpu.dma_semaphore, #tpu.memory_space<semaphore_mem>>)
    %dma_start3A_62 = arith.constant 1 : i32
    %dma_start3A_63 = arith.constant 1 : i32
    %dma_start3A_64 = arith.constant 0 : i32
    %dma_start3A_65 = tpu.memref_slice %arg7[%dma_start3A_62, %dma_start3A_64] : memref<4x112xi32, #tpu.memory_space<vmem>> -> memref<1x112xi32, #tpu.memory_space<vmem>>
    %dma_start3A_66 = tpu.memref_squeeze %dma_start3A_65 : memref<1x112xi32, #tpu.memory_space<vmem>> -> memref<112xi32, #tpu.memory_space<vmem>>
    %dma_start3A_67 = tpu.memref_slice %arg4[%add3A_49] : memref<322560xi32, #tpu.memory_space<hbm>> -> memref<112xi32, #tpu.memory_space<hbm>>
    %dma_start3A_68 = tpu.memref_slice %arg11[%dma_start3A_63] : memref<4x!tpu.dma_semaphore, #tpu.memory_space<semaphore_mem>> -> memref<1x!tpu.dma_semaphore, #tpu.memory_space<semaphore_mem>>
    %dma_start3A_69 = tpu.memref_squeeze %dma_start3A_68 : memref<1x!tpu.dma_semaphore, #tpu.memory_space<semaphore_mem>> -> memref<!tpu.dma_semaphore, #tpu.memory_space<semaphore_mem>>
    %dma_start3A_70 = arith.constant 0 : i32
    %dma_start3A_71 = tpu.memref_slice %arg7[%dma_start3A_62, %dma_start3A_70] : memref<4x112xi32, #tpu.memory_space<vmem>> -> memref<1x112xi32, #tpu.memory_space<vmem>>
    %dma_start3A_72 = tpu.memref_squeeze %dma_start3A_71 : memref<1x112xi32, #tpu.memory_space<vmem>> -> memref<112xi32, #tpu.memory_space<vmem>>
    %dma_start3A_73 = tpu.memref_slice %arg4[%add3A_49] : memref<322560xi32, #tpu.memory_space<hbm>> -> memref<112xi32, #tpu.memory_space<hbm>>
    tpu.enqueue_dma source(%dma_start3A_73 : memref<112xi32, #tpu.memory_space<hbm>>) target(%dma_start3A_72 : memref<112xi32, #tpu.memory_space<vmem>>) target_semaphore(%dma_start3A_69 : memref<!tpu.dma_semaphore, #tpu.memory_space<semaphore_mem>>)
    %add3A_74 = arith.constant 224 : i32
    %add3A_75 = arith.addi %select_n3A_22, %add3A_74 : i32
    %dma_start3A_76 = arith.constant 2 : i32
    %dma_start3A_77 = arith.constant 2 : i32
    %dma_start3A_78 = arith.constant 0 : i32
    %dma_start3A_79 = tpu.memref_slice %arg6[%dma_start3A_76, %dma_start3A_78] : memref<4x112xi32, #tpu.memory_space<vmem>> -> memref<1x112xi32, #tpu.memory_space<vmem>>
    %dma_start3A_80 = tpu.memref_squeeze %dma_start3A_79 : memref<1x112xi32, #tpu.memory_space<vmem>> -> memref<112xi32, #tpu.memory_space<vmem>>
    %dma_start3A_81 = tpu.memref_slice %arg3[%add3A_75] : memref<322560xi32, #tpu.memory_space<hbm>> -> memref<112xi32, #tpu.memory_space<hbm>>
    %dma_start3A_82 = tpu.memref_slice %arg11[%dma_start3A_77] : memref<4x!tpu.dma_semaphore, #tpu.memory_space<semaphore_mem>> -> memref<1x!tpu.dma_semaphore, #tpu.memory_space<semaphore_mem>>
    %dma_start3A_83 = tpu.memref_squeeze %dma_start3A_82 : memref<1x!tpu.dma_semaphore, #tpu.memory_space<semaphore_mem>> -> memref<!tpu.dma_semaphore, #tpu.memory_space<semaphore_mem>>
    %dma_start3A_84 = arith.constant 0 : i32
    %dma_start3A_85 = tpu.memref_slice %arg6[%dma_start3A_76, %dma_start3A_84] : memref<4x112xi32, #tpu.memory_space<vmem>> -> memref<1x112xi32, #tpu.memory_space<vmem>>
    %dma_start3A_86 = tpu.memref_squeeze %dma_start3A_85 : memref<1x112xi32, #tpu.memory_space<vmem>> -> memref<112xi32, #tpu.memory_space<vmem>>
    %dma_start3A_87 = tpu.memref_slice %arg3[%add3A_75] : memref<322560xi32, #tpu.memory_space<hbm>> -> memref<112xi32, #tpu.memory_space<hbm>>
    tpu.enqueue_dma source(%dma_start3A_87 : memref<112xi32, #tpu.memory_space<hbm>>) target(%dma_start3A_86 : memref<112xi32, #tpu.memory_space<vmem>>) target_semaphore(%dma_start3A_83 : memref<!tpu.dma_semaphore, #tpu.memory_space<semaphore_mem>>)
    %dma_start3A_88 = arith.constant 2 : i32
    %dma_start3A_89 = arith.constant 2 : i32
    %dma_start3A_90 = arith.constant 0 : i32
    %dma_start3A_91 = tpu.memref_slice %arg7[%dma_start3A_88, %dma_start3A_90] : memref<4x112xi32, #tpu.memory_space<vmem>> -> memref<1x112xi32, #tpu.memory_space<vmem>>
    %dma_start3A_92 = tpu.memref_squeeze %dma_start3A_91 : memref<1x112xi32, #tpu.memory_space<vmem>> -> memref<112xi32, #tpu.memory_space<vmem>>
    %dma_start3A_93 = tpu.memref_slice %arg4[%add3A_75] : memref<322560xi32, #tpu.memory_space<hbm>> -> memref<112xi32, #tpu.memory_space<hbm>>
    %dma_start3A_94 = tpu.memref_slice %arg11[%dma_start3A_89] : memref<4x!tpu.dma_semaphore, #tpu.memory_space<semaphore_mem>> -> memref<1x!tpu.dma_semaphore, #tpu.memory_space<semaphore_mem>>
    %dma_start3A_95 = tpu.memref_squeeze %dma_start3A_94 : memref<1x!tpu.dma_semaphore, #tpu.memory_space<semaphore_mem>> -> memref<!tpu.dma_semaphore, #tpu.memory_space<semaphore_mem>>
    %dma_start3A_96 = arith.constant 0 : i32
    %dma_start3A_97 = tpu.memref_slice %arg7[%dma_start3A_88, %dma_start3A_96] : memref<4x112xi32, #tpu.memory_space<vmem>> -> memref<1x112xi32, #tpu.memory_space<vmem>>
    %dma_start3A_98 = tpu.memref_squeeze %dma_start3A_97 : memref<1x112xi32, #tpu.memory_space<vmem>> -> memref<112xi32, #tpu.memory_space<vmem>>
    %dma_start3A_99 = tpu.memref_slice %arg4[%add3A_75] : memref<322560xi32, #tpu.memory_space<hbm>> -> memref<112xi32, #tpu.memory_space<hbm>>
    tpu.enqueue_dma source(%dma_start3A_99 : memref<112xi32, #tpu.memory_space<hbm>>) target(%dma_start3A_98 : memref<112xi32, #tpu.memory_space<vmem>>) target_semaphore(%dma_start3A_95 : memref<!tpu.dma_semaphore, #tpu.memory_space<semaphore_mem>>)
    %add3A_100 = arith.constant 0 : i32
    %add3A_101 = arith.addi %select_n3A_22, %add3A_100 : i32
    %dma_wait3A = arith.constant 0 : i32
    %dma_wait3A_102 = arith.constant 0 : i32
    %dma_wait3A_103 = arith.constant 0 : i32
    %dma_wait3A_104 = tpu.memref_slice %arg6[%dma_wait3A, %dma_wait3A_103] : memref<4x112xi32, #tpu.memory_space<vmem>> -> memref<1x112xi32, #tpu.memory_space<vmem>>
    %dma_wait3A_105 = tpu.memref_squeeze %dma_wait3A_104 : memref<1x112xi32, #tpu.memory_space<vmem>> -> memref<112xi32, #tpu.memory_space<vmem>>
    %dma_wait3A_106 = tpu.memref_slice %arg3[%add3A_101] : memref<322560xi32, #tpu.memory_space<hbm>> -> memref<112xi32, #tpu.memory_space<hbm>>
    %dma_wait3A_107 = tpu.memref_slice %arg11[%dma_wait3A_102] : memref<4x!tpu.dma_semaphore, #tpu.memory_space<semaphore_mem>> -> memref<1x!tpu.dma_semaphore, #tpu.memory_space<semaphore_mem>>
    %dma_wait3A_108 = tpu.memref_squeeze %dma_wait3A_107 : memref<1x!tpu.dma_semaphore, #tpu.memory_space<semaphore_mem>> -> memref<!tpu.dma_semaphore, #tpu.memory_space<semaphore_mem>>
    %dma_wait3A_109 = arith.constant 0 : i32
    %dma_wait3A_110 = tpu.memref_slice %arg6[%dma_wait3A, %dma_wait3A_109] : memref<4x112xi32, #tpu.memory_space<vmem>> -> memref<1x112xi32, #tpu.memory_space<vmem>>
    %dma_wait3A_111 = tpu.memref_squeeze %dma_wait3A_110 : memref<1x112xi32, #tpu.memory_space<vmem>> -> memref<112xi32, #tpu.memory_space<vmem>>
    %dma_wait3A_112 = tpu.memref_slice %arg3[%add3A_101] : memref<322560xi32, #tpu.memory_space<hbm>> -> memref<112xi32, #tpu.memory_space<hbm>>
    tpu.wait_dma2 semaphore(%dma_wait3A_108 : memref<!tpu.dma_semaphore, #tpu.memory_space<semaphore_mem>>) src(%dma_wait3A_112 : memref<112xi32, #tpu.memory_space<hbm>>) dst(%dma_wait3A_111 : memref<112xi32, #tpu.memory_space<vmem>>)
    %dma_wait3A_113 = arith.constant 0 : i32
    %dma_wait3A_114 = arith.constant 0 : i32
    %dma_wait3A_115 = arith.constant 0 : i32
    %dma_wait3A_116 = tpu.memref_slice %arg7[%dma_wait3A_113, %dma_wait3A_115] : memref<4x112xi32, #tpu.memory_space<vmem>> -> memref<1x112xi32, #tpu.memory_space<vmem>>
    %dma_wait3A_117 = tpu.memref_squeeze %dma_wait3A_116 : memref<1x112xi32, #tpu.memory_space<vmem>> -> memref<112xi32, #tpu.memory_space<vmem>>
    %dma_wait3A_118 = tpu.memref_slice %arg4[%add3A_101] : memref<322560xi32, #tpu.memory_space<hbm>> -> memref<112xi32, #tpu.memory_space<hbm>>
    %dma_wait3A_119 = tpu.memref_slice %arg11[%dma_wait3A_114] : memref<4x!tpu.dma_semaphore, #tpu.memory_space<semaphore_mem>> -> memref<1x!tpu.dma_semaphore, #tpu.memory_space<semaphore_mem>>
    %dma_wait3A_120 = tpu.memref_squeeze %dma_wait3A_119 : memref<1x!tpu.dma_semaphore, #tpu.memory_space<semaphore_mem>> -> memref<!tpu.dma_semaphore, #tpu.memory_space<semaphore_mem>>
    %dma_wait3A_121 = arith.constant 0 : i32
    %dma_wait3A_122 = tpu.memref_slice %arg7[%dma_wait3A_113, %dma_wait3A_121] : memref<4x112xi32, #tpu.memory_space<vmem>> -> memref<1x112xi32, #tpu.memory_space<vmem>>
    %dma_wait3A_123 = tpu.memref_squeeze %dma_wait3A_122 : memref<1x112xi32, #tpu.memory_space<vmem>> -> memref<112xi32, #tpu.memory_space<vmem>>
    %dma_wait3A_124 = tpu.memref_slice %arg4[%add3A_101] : memref<322560xi32, #tpu.memory_space<hbm>> -> memref<112xi32, #tpu.memory_space<hbm>>
    tpu.wait_dma2 semaphore(%dma_wait3A_120 : memref<!tpu.dma_semaphore, #tpu.memory_space<semaphore_mem>>) src(%dma_wait3A_124 : memref<112xi32, #tpu.memory_space<hbm>>) dst(%dma_wait3A_123 : memref<112xi32, #tpu.memory_space<vmem>>)
    %dma_start3A_125 = arith.constant 0 : i32
    %dma_start3A_126 = arith.constant 0 : i32
    %dma_start3A_127 = arith.constant 0 : i32
    %dma_start3A_128 = arith.constant 0 : i32
    %dma_start3A_129 = arith.constant 0 : i32
    %dma_start3A_130 = tpu.memref_slice %arg8[%dma_start3A_126, %dma_start3A_128, %dma_start3A_129] : memref<3x112x128xf32, #tpu.memory_space<vmem>> -> memref<1x112x128xf32, #tpu.memory_space<vmem>>
    %dma_start3A_131 = tpu.memref_squeeze %dma_start3A_130 : memref<1x112x128xf32, #tpu.memory_space<vmem>> -> memref<112x128xf32, #tpu.memory_space<vmem>>
    %dma_start3A_132 = arith.constant 0 : i32
    %dma_start3A_133 = tpu.memref_slice %arg6[%dma_start3A_125, %dma_start3A_132] : memref<4x112xi32, #tpu.memory_space<vmem>> -> memref<1x112xi32, #tpu.memory_space<vmem>>
    %dma_start3A_134 = tpu.memref_squeeze %dma_start3A_133 : memref<1x112xi32, #tpu.memory_space<vmem>> -> memref<112xi32, #tpu.memory_space<vmem>>
    %dma_start3A_135 = arith.constant 0 : i32
    %dma_start3A_136 = arith.constant 0 : i32
    %dma_start3A_137 = tpu.memref_slice %arg2[%dma_start3A_135, %dma_start3A_136] : memref<10000x128xf32, #tpu.memory_space<hbm>> -> memref<10000x128xf32, #tpu.memory_space<hbm>>
    %dma_start3A_138 = tpu.memref_slice %arg12[%dma_start3A_127] : memref<3x!tpu.dma_semaphore, #tpu.memory_space<semaphore_mem>> -> memref<1x!tpu.dma_semaphore, #tpu.memory_space<semaphore_mem>>
    %dma_start3A_139 = tpu.memref_squeeze %dma_start3A_138 : memref<1x!tpu.dma_semaphore, #tpu.memory_space<semaphore_mem>> -> memref<!tpu.dma_semaphore, #tpu.memory_space<semaphore_mem>>
    tpu.enqueue_indirect_dma source(%dma_start3A_137 : memref<10000x128xf32, #tpu.memory_space<hbm>>) target(%dma_start3A_131 : memref<112x128xf32, #tpu.memory_space<vmem>>) offsets(%dma_start3A_134 : memref<112xi32, #tpu.memory_space<vmem>>) semaphore(%dma_start3A_139 : memref<!tpu.dma_semaphore, #tpu.memory_space<semaphore_mem>>)
    %add3A_140 = arith.constant 112 : i32
    %add3A_141 = arith.addi %select_n3A_22, %add3A_140 : i32
    %dma_wait3A_142 = arith.constant 1 : i32
    %dma_wait3A_143 = arith.constant 1 : i32
    %dma_wait3A_144 = arith.constant 0 : i32
    %dma_wait3A_145 = tpu.memref_slice %arg6[%dma_wait3A_142, %dma_wait3A_144] : memref<4x112xi32, #tpu.memory_space<vmem>> -> memref<1x112xi32, #tpu.memory_space<vmem>>
    %dma_wait3A_146 = tpu.memref_squeeze %dma_wait3A_145 : memref<1x112xi32, #tpu.memory_space<vmem>> -> memref<112xi32, #tpu.memory_space<vmem>>
    %dma_wait3A_147 = tpu.memref_slice %arg3[%add3A_141] : memref<322560xi32, #tpu.memory_space<hbm>> -> memref<112xi32, #tpu.memory_space<hbm>>
    %dma_wait3A_148 = tpu.memref_slice %arg11[%dma_wait3A_143] : memref<4x!tpu.dma_semaphore, #tpu.memory_space<semaphore_mem>> -> memref<1x!tpu.dma_semaphore, #tpu.memory_space<semaphore_mem>>
    %dma_wait3A_149 = tpu.memref_squeeze %dma_wait3A_148 : memref<1x!tpu.dma_semaphore, #tpu.memory_space<semaphore_mem>> -> memref<!tpu.dma_semaphore, #tpu.memory_space<semaphore_mem>>
    %dma_wait3A_150 = arith.constant 0 : i32
    %dma_wait3A_151 = tpu.memref_slice %arg6[%dma_wait3A_142, %dma_wait3A_150] : memref<4x112xi32, #tpu.memory_space<vmem>> -> memref<1x112xi32, #tpu.memory_space<vmem>>
    %dma_wait3A_152 = tpu.memref_squeeze %dma_wait3A_151 : memref<1x112xi32, #tpu.memory_space<vmem>> -> memref<112xi32, #tpu.memory_space<vmem>>
    %dma_wait3A_153 = tpu.memref_slice %arg3[%add3A_141] : memref<322560xi32, #tpu.memory_space<hbm>> -> memref<112xi32, #tpu.memory_space<hbm>>
    tpu.wait_dma2 semaphore(%dma_wait3A_149 : memref<!tpu.dma_semaphore, #tpu.memory_space<semaphore_mem>>) src(%dma_wait3A_153 : memref<112xi32, #tpu.memory_space<hbm>>) dst(%dma_wait3A_152 : memref<112xi32, #tpu.memory_space<vmem>>)
    %dma_wait3A_154 = arith.constant 1 : i32
    %dma_wait3A_155 = arith.constant 1 : i32
    %dma_wait3A_156 = arith.constant 0 : i32
    %dma_wait3A_157 = tpu.memref_slice %arg7[%dma_wait3A_154, %dma_wait3A_156] : memref<4x112xi32, #tpu.memory_space<vmem>> -> memref<1x112xi32, #tpu.memory_space<vmem>>
    %dma_wait3A_158 = tpu.memref_squeeze %dma_wait3A_157 : memref<1x112xi32, #tpu.memory_space<vmem>> -> memref<112xi32, #tpu.memory_space<vmem>>
    %dma_wait3A_159 = tpu.memref_slice %arg4[%add3A_141] : memref<322560xi32, #tpu.memory_space<hbm>> -> memref<112xi32, #tpu.memory_space<hbm>>
    %dma_wait3A_160 = tpu.memref_slice %arg11[%dma_wait3A_155] : memref<4x!tpu.dma_semaphore, #tpu.memory_space<semaphore_mem>> -> memref<1x!tpu.dma_semaphore, #tpu.memory_space<semaphore_mem>>
    %dma_wait3A_161 = tpu.memref_squeeze %dma_wait3A_160 : memref<1x!tpu.dma_semaphore, #tpu.memory_space<semaphore_mem>> -> memref<!tpu.dma_semaphore, #tpu.memory_space<semaphore_mem>>
    %dma_wait3A_162 = arith.constant 0 : i32
    %dma_wait3A_163 = tpu.memref_slice %arg7[%dma_wait3A_154, %dma_wait3A_162] : memref<4x112xi32, #tpu.memory_space<vmem>> -> memref<1x112xi32, #tpu.memory_space<vmem>>
    %dma_wait3A_164 = tpu.memref_squeeze %dma_wait3A_163 : memref<1x112xi32, #tpu.memory_space<vmem>> -> memref<112xi32, #tpu.memory_space<vmem>>
    %dma_wait3A_165 = tpu.memref_slice %arg4[%add3A_141] : memref<322560xi32, #tpu.memory_space<hbm>> -> memref<112xi32, #tpu.memory_space<hbm>>
    tpu.wait_dma2 semaphore(%dma_wait3A_161 : memref<!tpu.dma_semaphore, #tpu.memory_space<semaphore_mem>>) src(%dma_wait3A_165 : memref<112xi32, #tpu.memory_space<hbm>>) dst(%dma_wait3A_164 : memref<112xi32, #tpu.memory_space<vmem>>)
    %dma_start3A_166 = arith.constant 1 : i32
    %dma_start3A_167 = arith.constant 1 : i32
    %dma_start3A_168 = arith.constant 1 : i32
    %dma_start3A_169 = arith.constant 0 : i32
    %dma_start3A_170 = arith.constant 0 : i32
    %dma_start3A_171 = tpu.memref_slice %arg8[%dma_start3A_167, %dma_start3A_169, %dma_start3A_170] : memref<3x112x128xf32, #tpu.memory_space<vmem>> -> memref<1x112x128xf32, #tpu.memory_space<vmem>>
    %dma_start3A_172 = tpu.memref_squeeze %dma_start3A_171 : memref<1x112x128xf32, #tpu.memory_space<vmem>> -> memref<112x128xf32, #tpu.memory_space<vmem>>
    %dma_start3A_173 = arith.constant 0 : i32
    %dma_start3A_174 = tpu.memref_slice %arg6[%dma_start3A_166, %dma_start3A_173] : memref<4x112xi32, #tpu.memory_space<vmem>> -> memref<1x112xi32, #tpu.memory_space<vmem>>
    %dma_start3A_175 = tpu.memref_squeeze %dma_start3A_174 : memref<1x112xi32, #tpu.memory_space<vmem>> -> memref<112xi32, #tpu.memory_space<vmem>>
    %dma_start3A_176 = arith.constant 0 : i32
    %dma_start3A_177 = arith.constant 0 : i32
    %dma_start3A_178 = tpu.memref_slice %arg2[%dma_start3A_176, %dma_start3A_177] : memref<10000x128xf32, #tpu.memory_space<hbm>> -> memref<10000x128xf32, #tpu.memory_space<hbm>>
    %dma_start3A_179 = tpu.memref_slice %arg12[%dma_start3A_168] : memref<3x!tpu.dma_semaphore, #tpu.memory_space<semaphore_mem>> -> memref<1x!tpu.dma_semaphore, #tpu.memory_space<semaphore_mem>>
    %dma_start3A_180 = tpu.memref_squeeze %dma_start3A_179 : memref<1x!tpu.dma_semaphore, #tpu.memory_space<semaphore_mem>> -> memref<!tpu.dma_semaphore, #tpu.memory_space<semaphore_mem>>
    tpu.enqueue_indirect_dma source(%dma_start3A_178 : memref<10000x128xf32, #tpu.memory_space<hbm>>) target(%dma_start3A_172 : memref<112x128xf32, #tpu.memory_space<vmem>>) offsets(%dma_start3A_175 : memref<112xi32, #tpu.memory_space<vmem>>) semaphore(%dma_start3A_180 : memref<!tpu.dma_semaphore, #tpu.memory_space<semaphore_mem>>)
    %sub3A = arith.constant 0 : i32
    %sub3A_181 = arith.subi %select_n3A, %sub3A : i32
    %sub3A_182 = arith.constant 1 : i32
    %sub3A_183 = arith.constant 1 : i32
    %sub3A_184 = arith.subi %sub3A_182, %sub3A_183 : i32
    %add3A_185 = arith.addi %sub3A_181, %sub3A_184 : i32
    %div3A = arith.constant 1 : i32
    %div3A_186 = arith.divsi %add3A_185, %div3A : i32
    %while3A = arith.constant 1 : i32
    %while3A_187 = arith.constant 0 : i32
    %while3A_188 = arith.constant 0 : i32
    %while3A_189 = arith.subi %div3A_186, %while3A_188 : i32
    %while3A_190 = arith.addi %while3A_188, %while3A_189 : i32
    %while3A_191 = arith.constant 1 : i32
    %while3A_192 = arith.divsi %while3A_189, %while3A_191 : i32
    %while3A_193 = arith.muli %while3A_192, %while3A_191 : i32
    %while3A_194 = arith.addi %while3A_188, %while3A_193 : i32
    %while3A_195 = arith.constant 1 : i32
    scf.for %while3A_200 = %while3A_188 to %while3A_194 step %while3A_195  : i32 {
      %mul3A_201 = arith.muli %while3A_200, %while3A : i32
      %add3A_202 = arith.addi %while3A_187, %mul3A_201 : i32
      %jit3A_203 = arith.constant 4 : i32
      %eq3A_204 = arith.constant 0 : i32
      %eq3A_205 = arith.cmpi eq, %jit3A_203, %eq3A_204 : i32
      %jit3A_206 = arith.constant 1 : i32
      %select_n3A_207 = arith.select %eq3A_205, %jit3A_206, %jit3A_203 : i32
      %rem3A = arith.remsi %add3A_202, %select_n3A_207 : i32
      %ne3A = arith.constant 0 : i32
      %ne3A_208 = arith.cmpi ne, %rem3A, %ne3A : i32
      %lt3A = arith.constant 0 : i32
      %lt3A_209 = arith.cmpi slt, %rem3A, %lt3A : i32
      %lt3A_210 = arith.constant 0 : i32
      %lt3A_211 = arith.cmpi slt, %select_n3A_207, %lt3A_210 : i32
      %ne3A_212 = arith.xori %lt3A_209, %lt3A_211 : i1
      %and3A = arith.andi %ne3A_212, %ne3A_208 : i1
      %add3A_213 = arith.addi %rem3A, %select_n3A_207 : i32
      %select_n3A_214 = arith.select %and3A, %add3A_213, %rem3A : i32
      %jit3A_215 = arith.constant 3 : i32
      %eq3A_216 = arith.constant 0 : i32
      %eq3A_217 = arith.cmpi eq, %jit3A_215, %eq3A_216 : i32
      %jit3A_218 = arith.constant 1 : i32
      %select_n3A_219 = arith.select %eq3A_217, %jit3A_218, %jit3A_215 : i32
      %rem3A_220 = arith.remsi %add3A_202, %select_n3A_219 : i32
      %ne3A_221 = arith.constant 0 : i32
      %ne3A_222 = arith.cmpi ne, %rem3A_220, %ne3A_221 : i32
      %lt3A_223 = arith.constant 0 : i32
      %lt3A_224 = arith.cmpi slt, %rem3A_220, %lt3A_223 : i32
      %lt3A_225 = arith.constant 0 : i32
      %lt3A_226 = arith.cmpi slt, %select_n3A_219, %lt3A_225 : i32
      %ne3A_227 = arith.xori %lt3A_224, %lt3A_226 : i1
      %and3A_228 = arith.andi %ne3A_227, %ne3A_222 : i1
      %add3A_229 = arith.addi %rem3A_220, %select_n3A_219 : i32
      %select_n3A_230 = arith.select %and3A_228, %add3A_229, %rem3A_220 : i32
      %jit3A_231 = arith.constant 3 : i32
      %eq3A_232 = arith.constant 0 : i32
      %eq3A_233 = arith.cmpi eq, %jit3A_231, %eq3A_232 : i32
      %jit3A_234 = arith.constant 1 : i32
      %select_n3A_235 = arith.select %eq3A_233, %jit3A_234, %jit3A_231 : i32
      %rem3A_236 = arith.remsi %add3A_202, %select_n3A_235 : i32
      %ne3A_237 = arith.constant 0 : i32
      %ne3A_238 = arith.cmpi ne, %rem3A_236, %ne3A_237 : i32
      %lt3A_239 = arith.constant 0 : i32
      %lt3A_240 = arith.cmpi slt, %rem3A_236, %lt3A_239 : i32
      %lt3A_241 = arith.constant 0 : i32
      %lt3A_242 = arith.cmpi slt, %select_n3A_235, %lt3A_241 : i32
      %ne3A_243 = arith.xori %lt3A_240, %lt3A_242 : i1
      %and3A_244 = arith.andi %ne3A_243, %ne3A_238 : i1
      %add3A_245 = arith.addi %rem3A_236, %select_n3A_235 : i32
      %select_n3A_246 = arith.select %and3A_244, %add3A_245, %rem3A_236 : i32
      %dma_wait3A_247 = arith.constant 0 : i32
      %dma_wait3A_248 = arith.constant 0 : i32
      %dma_wait3A_249 = tpu.memref_slice %arg8[%select_n3A_230, %dma_wait3A_247, %dma_wait3A_248] : memref<3x112x128xf32, #tpu.memory_space<vmem>> -> memref<1x112x128xf32, #tpu.memory_space<vmem>>
      %dma_wait3A_250 = tpu.memref_squeeze %dma_wait3A_249 : memref<1x112x128xf32, #tpu.memory_space<vmem>> -> memref<112x128xf32, #tpu.memory_space<vmem>>
      %dma_wait3A_251 = arith.constant 0 : i32
      %dma_wait3A_252 = tpu.memref_slice %arg6[%select_n3A_214, %dma_wait3A_251] : memref<4x112xi32, #tpu.memory_space<vmem>> -> memref<1x112xi32, #tpu.memory_space<vmem>>
      %dma_wait3A_253 = tpu.memref_squeeze %dma_wait3A_252 : memref<1x112xi32, #tpu.memory_space<vmem>> -> memref<112xi32, #tpu.memory_space<vmem>>
      %dma_wait3A_254 = arith.constant 0 : i32
      %dma_wait3A_255 = arith.constant 0 : i32
      %dma_wait3A_256 = tpu.memref_slice %arg2[%dma_wait3A_254, %dma_wait3A_255] : memref<10000x128xf32, #tpu.memory_space<hbm>> -> memref<10000x128xf32, #tpu.memory_space<hbm>>
      %dma_wait3A_257 = tpu.memref_slice %arg12[%select_n3A_246] : memref<3x!tpu.dma_semaphore, #tpu.memory_space<semaphore_mem>> -> memref<1x!tpu.dma_semaphore, #tpu.memory_space<semaphore_mem>>
      %dma_wait3A_258 = tpu.memref_squeeze %dma_wait3A_257 : memref<1x!tpu.dma_semaphore, #tpu.memory_space<semaphore_mem>> -> memref<!tpu.dma_semaphore, #tpu.memory_space<semaphore_mem>>
      tpu.wait_indirect_dma semaphore(%dma_wait3A_258 : memref<!tpu.dma_semaphore, #tpu.memory_space<semaphore_mem>>) src(%dma_wait3A_256 : memref<10000x128xf32, #tpu.memory_space<hbm>>) dst(%dma_wait3A_250 : memref<112x128xf32, #tpu.memory_space<vmem>>)
      %add3A_259 = arith.constant 2 : i32
      %add3A_260 = arith.addi %add3A_202, %add3A_259 : i32
      %lt3A_261 = arith.cmpi slt, %add3A_260, %select_n3A : i32
      %convert_element_type3A = arith.extui %lt3A_261 : i1 to i32
      %cond3A = arith.constant 0 : i32
      %cond3A_262 = arith.cmpi ne, %convert_element_type3A, %cond3A : i32
      scf.if %cond3A_262 {
        %add3A_301 = arith.constant 2 : i32
        %add3A_302 = arith.addi %add3A_202, %add3A_301 : i32
        %jit3A_303 = arith.constant 4 : i32
        %eq3A_304 = arith.constant 0 : i32
        %eq3A_305 = arith.cmpi eq, %jit3A_303, %eq3A_304 : i32
        %jit3A_306 = arith.constant 1 : i32
        %select_n3A_307 = arith.select %eq3A_305, %jit3A_306, %jit3A_303 : i32
        %rem3A_308 = arith.remsi %add3A_302, %select_n3A_307 : i32
        %ne3A_309 = arith.constant 0 : i32
        %ne3A_310 = arith.cmpi ne, %rem3A_308, %ne3A_309 : i32
        %lt3A_311 = arith.constant 0 : i32
        %lt3A_312 = arith.cmpi slt, %rem3A_308, %lt3A_311 : i32
        %lt3A_313 = arith.constant 0 : i32
        %lt3A_314 = arith.cmpi slt, %select_n3A_307, %lt3A_313 : i32
        %ne3A_315 = arith.xori %lt3A_312, %lt3A_314 : i1
        %and3A_316 = arith.andi %ne3A_315, %ne3A_310 : i1
        %add3A_317 = arith.addi %rem3A_308, %select_n3A_307 : i32
        %select_n3A_318 = arith.select %and3A_316, %add3A_317, %rem3A_308 : i32
        %mul3A_319 = arith.constant 112 : i32
        %mul3A_320 = arith.muli %add3A_302, %mul3A_319 : i32
        %add3A_321 = arith.addi %select_n3A_22, %mul3A_320 : i32
        %dma_wait3A_322 = arith.constant 0 : i32
        %dma_wait3A_323 = tpu.memref_slice %arg6[%select_n3A_318, %dma_wait3A_322] : memref<4x112xi32, #tpu.memory_space<vmem>> -> memref<1x112xi32, #tpu.memory_space<vmem>>
        %dma_wait3A_324 = tpu.memref_squeeze %dma_wait3A_323 : memref<1x112xi32, #tpu.memory_space<vmem>> -> memref<112xi32, #tpu.memory_space<vmem>>
        %dma_wait3A_325 = tpu.memref_slice %arg3[%add3A_321] : memref<322560xi32, #tpu.memory_space<hbm>> -> memref<112xi32, #tpu.memory_space<hbm>>
        %dma_wait3A_326 = tpu.memref_slice %arg11[%select_n3A_318] : memref<4x!tpu.dma_semaphore, #tpu.memory_space<semaphore_mem>> -> memref<1x!tpu.dma_semaphore, #tpu.memory_space<semaphore_mem>>
        %dma_wait3A_327 = tpu.memref_squeeze %dma_wait3A_326 : memref<1x!tpu.dma_semaphore, #tpu.memory_space<semaphore_mem>> -> memref<!tpu.dma_semaphore, #tpu.memory_space<semaphore_mem>>
        %dma_wait3A_328 = arith.constant 0 : i32
        %dma_wait3A_329 = tpu.memref_slice %arg6[%select_n3A_318, %dma_wait3A_328] : memref<4x112xi32, #tpu.memory_space<vmem>> -> memref<1x112xi32, #tpu.memory_space<vmem>>
        %dma_wait3A_330 = tpu.memref_squeeze %dma_wait3A_329 : memref<1x112xi32, #tpu.memory_space<vmem>> -> memref<112xi32, #tpu.memory_space<vmem>>
        %dma_wait3A_331 = tpu.memref_slice %arg3[%add3A_321] : memref<322560xi32, #tpu.memory_space<hbm>> -> memref<112xi32, #tpu.memory_space<hbm>>
        tpu.wait_dma2 semaphore(%dma_wait3A_327 : memref<!tpu.dma_semaphore, #tpu.memory_space<semaphore_mem>>) src(%dma_wait3A_331 : memref<112xi32, #tpu.memory_space<hbm>>) dst(%dma_wait3A_330 : memref<112xi32, #tpu.memory_space<vmem>>)
        %dma_wait3A_332 = arith.constant 0 : i32
        %dma_wait3A_333 = tpu.memref_slice %arg7[%select_n3A_318, %dma_wait3A_332] : memref<4x112xi32, #tpu.memory_space<vmem>> -> memref<1x112xi32, #tpu.memory_space<vmem>>
        %dma_wait3A_334 = tpu.memref_squeeze %dma_wait3A_333 : memref<1x112xi32, #tpu.memory_space<vmem>> -> memref<112xi32, #tpu.memory_space<vmem>>
        %dma_wait3A_335 = tpu.memref_slice %arg4[%add3A_321] : memref<322560xi32, #tpu.memory_space<hbm>> -> memref<112xi32, #tpu.memory_space<hbm>>
        %dma_wait3A_336 = tpu.memref_slice %arg11[%select_n3A_318] : memref<4x!tpu.dma_semaphore, #tpu.memory_space<semaphore_mem>> -> memref<1x!tpu.dma_semaphore, #tpu.memory_space<semaphore_mem>>
        %dma_wait3A_337 = tpu.memref_squeeze %dma_wait3A_336 : memref<1x!tpu.dma_semaphore, #tpu.memory_space<semaphore_mem>> -> memref<!tpu.dma_semaphore, #tpu.memory_space<semaphore_mem>>
        %dma_wait3A_338 = arith.constant 0 : i32
        %dma_wait3A_339 = tpu.memref_slice %arg7[%select_n3A_318, %dma_wait3A_338] : memref<4x112xi32, #tpu.memory_space<vmem>> -> memref<1x112xi32, #tpu.memory_space<vmem>>
        %dma_wait3A_340 = tpu.memref_squeeze %dma_wait3A_339 : memref<1x112xi32, #tpu.memory_space<vmem>> -> memref<112xi32, #tpu.memory_space<vmem>>
        %dma_wait3A_341 = tpu.memref_slice %arg4[%add3A_321] : memref<322560xi32, #tpu.memory_space<hbm>> -> memref<112xi32, #tpu.memory_space<hbm>>
        tpu.wait_dma2 semaphore(%dma_wait3A_337 : memref<!tpu.dma_semaphore, #tpu.memory_space<semaphore_mem>>) src(%dma_wait3A_341 : memref<112xi32, #tpu.memory_space<hbm>>) dst(%dma_wait3A_340 : memref<112xi32, #tpu.memory_space<vmem>>)
        %add3A_342 = arith.constant 2 : i32
        %add3A_343 = arith.addi %add3A_202, %add3A_342 : i32
        %jit3A_344 = arith.constant 4 : i32
        %eq3A_345 = arith.constant 0 : i32
        %eq3A_346 = arith.cmpi eq, %jit3A_344, %eq3A_345 : i32
        %jit3A_347 = arith.constant 1 : i32
        %select_n3A_348 = arith.select %eq3A_346, %jit3A_347, %jit3A_344 : i32
        %rem3A_349 = arith.remsi %add3A_343, %select_n3A_348 : i32
        %ne3A_350 = arith.constant 0 : i32
        %ne3A_351 = arith.cmpi ne, %rem3A_349, %ne3A_350 : i32
        %lt3A_352 = arith.constant 0 : i32
        %lt3A_353 = arith.cmpi slt, %rem3A_349, %lt3A_352 : i32
        %lt3A_354 = arith.constant 0 : i32
        %lt3A_355 = arith.cmpi slt, %select_n3A_348, %lt3A_354 : i32
        %ne3A_356 = arith.xori %lt3A_353, %lt3A_355 : i1
        %and3A_357 = arith.andi %ne3A_356, %ne3A_351 : i1
        %add3A_358 = arith.addi %rem3A_349, %select_n3A_348 : i32
        %select_n3A_359 = arith.select %and3A_357, %add3A_358, %rem3A_349 : i32
        %jit3A_360 = arith.constant 3 : i32
        %eq3A_361 = arith.constant 0 : i32
        %eq3A_362 = arith.cmpi eq, %jit3A_360, %eq3A_361 : i32
        %jit3A_363 = arith.constant 1 : i32
        %select_n3A_364 = arith.select %eq3A_362, %jit3A_363, %jit3A_360 : i32
        %rem3A_365 = arith.remsi %add3A_343, %select_n3A_364 : i32
        %ne3A_366 = arith.constant 0 : i32
        %ne3A_367 = arith.cmpi ne, %rem3A_365, %ne3A_366 : i32
        %lt3A_368 = arith.constant 0 : i32
        %lt3A_369 = arith.cmpi slt, %rem3A_365, %lt3A_368 : i32
        %lt3A_370 = arith.constant 0 : i32
        %lt3A_371 = arith.cmpi slt, %select_n3A_364, %lt3A_370 : i32
        %ne3A_372 = arith.xori %lt3A_369, %lt3A_371 : i1
        %and3A_373 = arith.andi %ne3A_372, %ne3A_367 : i1
        %add3A_374 = arith.addi %rem3A_365, %select_n3A_364 : i32
        %select_n3A_375 = arith.select %and3A_373, %add3A_374, %rem3A_365 : i32
        %jit3A_376 = arith.constant 3 : i32
        %eq3A_377 = arith.constant 0 : i32
        %eq3A_378 = arith.cmpi eq, %jit3A_376, %eq3A_377 : i32
        %jit3A_379 = arith.constant 1 : i32
        %select_n3A_380 = arith.select %eq3A_378, %jit3A_379, %jit3A_376 : i32
        %rem3A_381 = arith.remsi %add3A_343, %select_n3A_380 : i32
        %ne3A_382 = arith.constant 0 : i32
        %ne3A_383 = arith.cmpi ne, %rem3A_381, %ne3A_382 : i32
        %lt3A_384 = arith.constant 0 : i32
        %lt3A_385 = arith.cmpi slt, %rem3A_381, %lt3A_384 : i32
        %lt3A_386 = arith.constant 0 : i32
        %lt3A_387 = arith.cmpi slt, %select_n3A_380, %lt3A_386 : i32
        %ne3A_388 = arith.xori %lt3A_385, %lt3A_387 : i1
        %and3A_389 = arith.andi %ne3A_388, %ne3A_383 : i1
        %add3A_390 = arith.addi %rem3A_381, %select_n3A_380 : i32
        %select_n3A_391 = arith.select %and3A_389, %add3A_390, %rem3A_381 : i32
        %dma_start3A_392 = arith.constant 0 : i32
        %dma_start3A_393 = arith.constant 0 : i32
        %dma_start3A_394 = tpu.memref_slice %arg8[%select_n3A_375, %dma_start3A_392, %dma_start3A_393] : memref<3x112x128xf32, #tpu.memory_space<vmem>> -> memref<1x112x128xf32, #tpu.memory_space<vmem>>
        %dma_start3A_395 = tpu.memref_squeeze %dma_start3A_394 : memref<1x112x128xf32, #tpu.memory_space<vmem>> -> memref<112x128xf32, #tpu.memory_space<vmem>>
        %dma_start3A_396 = arith.constant 0 : i32
        %dma_start3A_397 = tpu.memref_slice %arg6[%select_n3A_359, %dma_start3A_396] : memref<4x112xi32, #tpu.memory_space<vmem>> -> memref<1x112xi32, #tpu.memory_space<vmem>>
        %dma_start3A_398 = tpu.memref_squeeze %dma_start3A_397 : memref<1x112xi32, #tpu.memory_space<vmem>> -> memref<112xi32, #tpu.memory_space<vmem>>
        %dma_start3A_399 = arith.constant 0 : i32
        %dma_start3A_400 = arith.constant 0 : i32
        %dma_start3A_401 = tpu.memref_slice %arg2[%dma_start3A_399, %dma_start3A_400] : memref<10000x128xf32, #tpu.memory_space<hbm>> -> memref<10000x128xf32, #tpu.memory_space<hbm>>
        %dma_start3A_402 = tpu.memref_slice %arg12[%select_n3A_391] : memref<3x!tpu.dma_semaphore, #tpu.memory_space<semaphore_mem>> -> memref<1x!tpu.dma_semaphore, #tpu.memory_space<semaphore_mem>>
        %dma_start3A_403 = tpu.memref_squeeze %dma_start3A_402 : memref<1x!tpu.dma_semaphore, #tpu.memory_space<semaphore_mem>> -> memref<!tpu.dma_semaphore, #tpu.memory_space<semaphore_mem>>
        tpu.enqueue_indirect_dma source(%dma_start3A_401 : memref<10000x128xf32, #tpu.memory_space<hbm>>) target(%dma_start3A_395 : memref<112x128xf32, #tpu.memory_space<vmem>>) offsets(%dma_start3A_398 : memref<112xi32, #tpu.memory_space<vmem>>) semaphore(%dma_start3A_403 : memref<!tpu.dma_semaphore, #tpu.memory_space<semaphore_mem>>)
      } else {
      }
      %jit3A_263 = arith.constant 3 : i32
      %eq3A_264 = arith.constant 0 : i32
      %eq3A_265 = arith.cmpi eq, %jit3A_263, %eq3A_264 : i32
      %jit3A_266 = arith.constant 1 : i32
      %select_n3A_267 = arith.select %eq3A_265, %jit3A_266, %jit3A_263 : i32
      %rem3A_268 = arith.remsi %add3A_202, %select_n3A_267 : i32
      %ne3A_269 = arith.constant 0 : i32
      %ne3A_270 = arith.cmpi ne, %rem3A_268, %ne3A_269 : i32
      %lt3A_271 = arith.constant 0 : i32
      %lt3A_272 = arith.cmpi slt, %rem3A_268, %lt3A_271 : i32
      %lt3A_273 = arith.constant 0 : i32
      %lt3A_274 = arith.cmpi slt, %select_n3A_267, %lt3A_273 : i32
      %ne3A_275 = arith.xori %lt3A_272, %lt3A_274 : i1
      %and3A_276 = arith.andi %ne3A_275, %ne3A_270 : i1
      %add3A_277 = arith.addi %rem3A_268, %select_n3A_267 : i32
      %select_n3A_278 = arith.select %and3A_276, %add3A_277, %rem3A_268 : i32
      %jit3A_279 = arith.constant 4 : i32
      %eq3A_280 = arith.constant 0 : i32
      %eq3A_281 = arith.cmpi eq, %jit3A_279, %eq3A_280 : i32
      %jit3A_282 = arith.constant 1 : i32
      %select_n3A_283 = arith.select %eq3A_281, %jit3A_282, %jit3A_279 : i32
      %rem3A_284 = arith.remsi %add3A_202, %select_n3A_283 : i32
      %ne3A_285 = arith.constant 0 : i32
      %ne3A_286 = arith.cmpi ne, %rem3A_284, %ne3A_285 : i32
      %lt3A_287 = arith.constant 0 : i32
      %lt3A_288 = arith.cmpi slt, %rem3A_284, %lt3A_287 : i32
      %lt3A_289 = arith.constant 0 : i32
      %lt3A_290 = arith.cmpi slt, %select_n3A_283, %lt3A_289 : i32
      %ne3A_291 = arith.xori %lt3A_288, %lt3A_290 : i1
      %and3A_292 = arith.andi %ne3A_291, %ne3A_286 : i1
      %add3A_293 = arith.addi %rem3A_284, %select_n3A_283 : i32
      %select_n3A_294 = arith.select %and3A_292, %add3A_293, %rem3A_284 : i32
      "tpu.region"() ({
        %run_scoped3A = tpu.sem_alloc : memref<!tpu.dma_semaphore, #tpu.memory_space<semaphore_mem>>
        %dma_start3A_301 = arith.constant 0 : i32
        %dma_start3A_302 = arith.constant 0 : i32
        %dma_start3A_303 = tpu.memref_slice %arg8[%select_n3A_278, %dma_start3A_301, %dma_start3A_302] : memref<3x112x128xf32, #tpu.memory_space<vmem>> -> memref<1x112x128xf32, #tpu.memory_space<vmem>>
        %dma_start3A_304 = tpu.memref_squeeze %dma_start3A_303 : memref<1x112x128xf32, #tpu.memory_space<vmem>> -> memref<112x128xf32, #tpu.memory_space<vmem>>
        %dma_start3A_305 = arith.constant 0 : i32
        %dma_start3A_306 = tpu.memref_slice %arg7[%select_n3A_294, %dma_start3A_305] : memref<4x112xi32, #tpu.memory_space<vmem>> -> memref<1x112xi32, #tpu.memory_space<vmem>>
        %dma_start3A_307 = tpu.memref_squeeze %dma_start3A_306 : memref<1x112xi32, #tpu.memory_space<vmem>> -> memref<112xi32, #tpu.memory_space<vmem>>
        %dma_start3A_308 = arith.constant 0 : i32
        %dma_start3A_309 = arith.constant 0 : i32
        %dma_start3A_310 = tpu.memref_slice %arg10[%dma_start3A_308, %dma_start3A_309] : memref<10112x128xf32, #tpu.memory_space<vmem_shared>> -> memref<10112x128xf32, #tpu.memory_space<vmem_shared>>
        tpu.enqueue_indirect_dma source(%dma_start3A_304 : memref<112x128xf32, #tpu.memory_space<vmem>>) target(%dma_start3A_310 : memref<10112x128xf32, #tpu.memory_space<vmem_shared>>) offsets(%dma_start3A_307 : memref<112xi32, #tpu.memory_space<vmem>>) semaphore(%run_scoped3A : memref<!tpu.dma_semaphore, #tpu.memory_space<semaphore_mem>>) {add = true}
        %dma_wait3A_311 = arith.constant 0 : i32
        %dma_wait3A_312 = arith.constant 0 : i32
        %dma_wait3A_313 = tpu.memref_slice %arg8[%select_n3A_278, %dma_wait3A_311, %dma_wait3A_312] : memref<3x112x128xf32, #tpu.memory_space<vmem>> -> memref<1x112x128xf32, #tpu.memory_space<vmem>>
        %dma_wait3A_314 = tpu.memref_squeeze %dma_wait3A_313 : memref<1x112x128xf32, #tpu.memory_space<vmem>> -> memref<112x128xf32, #tpu.memory_space<vmem>>
        %dma_wait3A_315 = arith.constant 0 : i32
        %dma_wait3A_316 = tpu.memref_slice %arg7[%select_n3A_294, %dma_wait3A_315] : memref<4x112xi32, #tpu.memory_space<vmem>> -> memref<1x112xi32, #tpu.memory_space<vmem>>
        %dma_wait3A_317 = tpu.memref_squeeze %dma_wait3A_316 : memref<1x112xi32, #tpu.memory_space<vmem>> -> memref<112xi32, #tpu.memory_space<vmem>>
        %dma_wait3A_318 = arith.constant 0 : i32
        %dma_wait3A_319 = arith.constant 0 : i32
        %dma_wait3A_320 = tpu.memref_slice %arg10[%dma_wait3A_318, %dma_wait3A_319] : memref<10112x128xf32, #tpu.memory_space<vmem_shared>> -> memref<10112x128xf32, #tpu.memory_space<vmem_shared>>
        tpu.wait_indirect_dma semaphore(%run_scoped3A : memref<!tpu.dma_semaphore, #tpu.memory_space<semaphore_mem>>) src(%dma_wait3A_314 : memref<112x128xf32, #tpu.memory_space<vmem>>) dst(%dma_wait3A_320 : memref<10112x128xf32, #tpu.memory_space<vmem_shared>>)
        tpu.yield
      }) : () -> ()
      %add3A_295 = arith.constant 3 : i32
      %add3A_296 = arith.addi %add3A_202, %add3A_295 : i32
      %lt3A_297 = arith.cmpi slt, %add3A_296, %select_n3A : i32
      %convert_element_type3A_298 = arith.extui %lt3A_297 : i1 to i32
      %cond3A_299 = arith.constant 0 : i32
      %cond3A_300 = arith.cmpi ne, %convert_element_type3A_298, %cond3A_299 : i32
      scf.if %cond3A_300 {
        %add3A_301 = arith.constant 3 : i32
        %add3A_302 = arith.addi %add3A_202, %add3A_301 : i32
        %jit3A_303 = arith.constant 4 : i32
        %eq3A_304 = arith.constant 0 : i32
        %eq3A_305 = arith.cmpi eq, %jit3A_303, %eq3A_304 : i32
        %jit3A_306 = arith.constant 1 : i32
        %select_n3A_307 = arith.select %eq3A_305, %jit3A_306, %jit3A_303 : i32
        %rem3A_308 = arith.remsi %add3A_302, %select_n3A_307 : i32
        %ne3A_309 = arith.constant 0 : i32
        %ne3A_310 = arith.cmpi ne, %rem3A_308, %ne3A_309 : i32
        %lt3A_311 = arith.constant 0 : i32
        %lt3A_312 = arith.cmpi slt, %rem3A_308, %lt3A_311 : i32
        %lt3A_313 = arith.constant 0 : i32
        %lt3A_314 = arith.cmpi slt, %select_n3A_307, %lt3A_313 : i32
        %ne3A_315 = arith.xori %lt3A_312, %lt3A_314 : i1
        %and3A_316 = arith.andi %ne3A_315, %ne3A_310 : i1
        %add3A_317 = arith.addi %rem3A_308, %select_n3A_307 : i32
        %select_n3A_318 = arith.select %and3A_316, %add3A_317, %rem3A_308 : i32
        %mul3A_319 = arith.constant 112 : i32
        %mul3A_320 = arith.muli %add3A_302, %mul3A_319 : i32
        %add3A_321 = arith.addi %select_n3A_22, %mul3A_320 : i32
        %dma_start3A_322 = arith.constant 0 : i32
        %dma_start3A_323 = tpu.memref_slice %arg6[%select_n3A_318, %dma_start3A_322] : memref<4x112xi32, #tpu.memory_space<vmem>> -> memref<1x112xi32, #tpu.memory_space<vmem>>
        %dma_start3A_324 = tpu.memref_squeeze %dma_start3A_323 : memref<1x112xi32, #tpu.memory_space<vmem>> -> memref<112xi32, #tpu.memory_space<vmem>>
        %dma_start3A_325 = tpu.memref_slice %arg3[%add3A_321] : memref<322560xi32, #tpu.memory_space<hbm>> -> memref<112xi32, #tpu.memory_space<hbm>>
        %dma_start3A_326 = tpu.memref_slice %arg11[%select_n3A_318] : memref<4x!tpu.dma_semaphore, #tpu.memory_space<semaphore_mem>> -> memref<1x!tpu.dma_semaphore, #tpu.memory_space<semaphore_mem>>
        %dma_start3A_327 = tpu.memref_squeeze %dma_start3A_326 : memref<1x!tpu.dma_semaphore, #tpu.memory_space<semaphore_mem>> -> memref<!tpu.dma_semaphore, #tpu.memory_space<semaphore_mem>>
        %dma_start3A_328 = arith.constant 0 : i32
        %dma_start3A_329 = tpu.memref_slice %arg6[%select_n3A_318, %dma_start3A_328] : memref<4x112xi32, #tpu.memory_space<vmem>> -> memref<1x112xi32, #tpu.memory_space<vmem>>
        %dma_start3A_330 = tpu.memref_squeeze %dma_start3A_329 : memref<1x112xi32, #tpu.memory_space<vmem>> -> memref<112xi32, #tpu.memory_space<vmem>>
        %dma_start3A_331 = tpu.memref_slice %arg3[%add3A_321] : memref<322560xi32, #tpu.memory_space<hbm>> -> memref<112xi32, #tpu.memory_space<hbm>>
        tpu.enqueue_dma source(%dma_start3A_331 : memref<112xi32, #tpu.memory_space<hbm>>) target(%dma_start3A_330 : memref<112xi32, #tpu.memory_space<vmem>>) target_semaphore(%dma_start3A_327 : memref<!tpu.dma_semaphore, #tpu.memory_space<semaphore_mem>>)
        %dma_start3A_332 = arith.constant 0 : i32
        %dma_start3A_333 = tpu.memref_slice %arg7[%select_n3A_318, %dma_start3A_332] : memref<4x112xi32, #tpu.memory_space<vmem>> -> memref<1x112xi32, #tpu.memory_space<vmem>>
        %dma_start3A_334 = tpu.memref_squeeze %dma_start3A_333 : memref<1x112xi32, #tpu.memory_space<vmem>> -> memref<112xi32, #tpu.memory_space<vmem>>
        %dma_start3A_335 = tpu.memref_slice %arg4[%add3A_321] : memref<322560xi32, #tpu.memory_space<hbm>> -> memref<112xi32, #tpu.memory_space<hbm>>
        %dma_start3A_336 = tpu.memref_slice %arg11[%select_n3A_318] : memref<4x!tpu.dma_semaphore, #tpu.memory_space<semaphore_mem>> -> memref<1x!tpu.dma_semaphore, #tpu.memory_space<semaphore_mem>>
        %dma_start3A_337 = tpu.memref_squeeze %dma_start3A_336 : memref<1x!tpu.dma_semaphore, #tpu.memory_space<semaphore_mem>> -> memref<!tpu.dma_semaphore, #tpu.memory_space<semaphore_mem>>
        %dma_start3A_338 = arith.constant 0 : i32
        %dma_start3A_339 = tpu.memref_slice %arg7[%select_n3A_318, %dma_start3A_338] : memref<4x112xi32, #tpu.memory_space<vmem>> -> memref<1x112xi32, #tpu.memory_space<vmem>>
        %dma_start3A_340 = tpu.memref_squeeze %dma_start3A_339 : memref<1x112xi32, #tpu.memory_space<vmem>> -> memref<112xi32, #tpu.memory_space<vmem>>
        %dma_start3A_341 = tpu.memref_slice %arg4[%add3A_321] : memref<322560xi32, #tpu.memory_space<hbm>> -> memref<112xi32, #tpu.memory_space<hbm>>
        tpu.enqueue_dma source(%dma_start3A_341 : memref<112xi32, #tpu.memory_space<hbm>>) target(%dma_start3A_340 : memref<112xi32, #tpu.memory_space<vmem>>) target_semaphore(%dma_start3A_337 : memref<!tpu.dma_semaphore, #tpu.memory_space<semaphore_mem>>)
      } else {
      }
    }
    %while3A_196 = arith.constant 1 : i32
    scf.for %while3A_200 = %while3A_194 to %while3A_190 step %while3A_196  : i32 {
      %mul3A_201 = arith.muli %while3A_200, %while3A : i32
      %add3A_202 = arith.addi %while3A_187, %mul3A_201 : i32
      %jit3A_203 = arith.constant 4 : i32
      %eq3A_204 = arith.constant 0 : i32
      %eq3A_205 = arith.cmpi eq, %jit3A_203, %eq3A_204 : i32
      %jit3A_206 = arith.constant 1 : i32
      %select_n3A_207 = arith.select %eq3A_205, %jit3A_206, %jit3A_203 : i32
      %rem3A = arith.remsi %add3A_202, %select_n3A_207 : i32
      %ne3A = arith.constant 0 : i32
      %ne3A_208 = arith.cmpi ne, %rem3A, %ne3A : i32
      %lt3A = arith.constant 0 : i32
      %lt3A_209 = arith.cmpi slt, %rem3A, %lt3A : i32
      %lt3A_210 = arith.constant 0 : i32
      %lt3A_211 = arith.cmpi slt, %select_n3A_207, %lt3A_210 : i32
      %ne3A_212 = arith.xori %lt3A_209, %lt3A_211 : i1
      %and3A = arith.andi %ne3A_212, %ne3A_208 : i1
      %add3A_213 = arith.addi %rem3A, %select_n3A_207 : i32
      %select_n3A_214 = arith.select %and3A, %add3A_213, %rem3A : i32
      %jit3A_215 = arith.constant 3 : i32
      %eq3A_216 = arith.constant 0 : i32
      %eq3A_217 = arith.cmpi eq, %jit3A_215, %eq3A_216 : i32
      %jit3A_218 = arith.constant 1 : i32
      %select_n3A_219 = arith.select %eq3A_217, %jit3A_218, %jit3A_215 : i32
      %rem3A_220 = arith.remsi %add3A_202, %select_n3A_219 : i32
      %ne3A_221 = arith.constant 0 : i32
      %ne3A_222 = arith.cmpi ne, %rem3A_220, %ne3A_221 : i32
      %lt3A_223 = arith.constant 0 : i32
      %lt3A_224 = arith.cmpi slt, %rem3A_220, %lt3A_223 : i32
      %lt3A_225 = arith.constant 0 : i32
      %lt3A_226 = arith.cmpi slt, %select_n3A_219, %lt3A_225 : i32
      %ne3A_227 = arith.xori %lt3A_224, %lt3A_226 : i1
      %and3A_228 = arith.andi %ne3A_227, %ne3A_222 : i1
      %add3A_229 = arith.addi %rem3A_220, %select_n3A_219 : i32
      %select_n3A_230 = arith.select %and3A_228, %add3A_229, %rem3A_220 : i32
      %jit3A_231 = arith.constant 3 : i32
      %eq3A_232 = arith.constant 0 : i32
      %eq3A_233 = arith.cmpi eq, %jit3A_231, %eq3A_232 : i32
      %jit3A_234 = arith.constant 1 : i32
      %select_n3A_235 = arith.select %eq3A_233, %jit3A_234, %jit3A_231 : i32
      %rem3A_236 = arith.remsi %add3A_202, %select_n3A_235 : i32
      %ne3A_237 = arith.constant 0 : i32
      %ne3A_238 = arith.cmpi ne, %rem3A_236, %ne3A_237 : i32
      %lt3A_239 = arith.constant 0 : i32
      %lt3A_240 = arith.cmpi slt, %rem3A_236, %lt3A_239 : i32
      %lt3A_241 = arith.constant 0 : i32
      %lt3A_242 = arith.cmpi slt, %select_n3A_235, %lt3A_241 : i32
      %ne3A_243 = arith.xori %lt3A_240, %lt3A_242 : i1
      %and3A_244 = arith.andi %ne3A_243, %ne3A_238 : i1
      %add3A_245 = arith.addi %rem3A_236, %select_n3A_235 : i32
      %select_n3A_246 = arith.select %and3A_244, %add3A_245, %rem3A_236 : i32
      %dma_wait3A_247 = arith.constant 0 : i32
      %dma_wait3A_248 = arith.constant 0 : i32
      %dma_wait3A_249 = tpu.memref_slice %arg8[%select_n3A_230, %dma_wait3A_247, %dma_wait3A_248] : memref<3x112x128xf32, #tpu.memory_space<vmem>> -> memref<1x112x128xf32, #tpu.memory_space<vmem>>
      %dma_wait3A_250 = tpu.memref_squeeze %dma_wait3A_249 : memref<1x112x128xf32, #tpu.memory_space<vmem>> -> memref<112x128xf32, #tpu.memory_space<vmem>>
      %dma_wait3A_251 = arith.constant 0 : i32
      %dma_wait3A_252 = tpu.memref_slice %arg6[%select_n3A_214, %dma_wait3A_251] : memref<4x112xi32, #tpu.memory_space<vmem>> -> memref<1x112xi32, #tpu.memory_space<vmem>>
      %dma_wait3A_253 = tpu.memref_squeeze %dma_wait3A_252 : memref<1x112xi32, #tpu.memory_space<vmem>> -> memref<112xi32, #tpu.memory_space<vmem>>
      %dma_wait3A_254 = arith.constant 0 : i32
      %dma_wait3A_255 = arith.constant 0 : i32
      %dma_wait3A_256 = tpu.memref_slice %arg2[%dma_wait3A_254, %dma_wait3A_255] : memref<10000x128xf32, #tpu.memory_space<hbm>> -> memref<10000x128xf32, #tpu.memory_space<hbm>>
      %dma_wait3A_257 = tpu.memref_slice %arg12[%select_n3A_246] : memref<3x!tpu.dma_semaphore, #tpu.memory_space<semaphore_mem>> -> memref<1x!tpu.dma_semaphore, #tpu.memory_space<semaphore_mem>>
      %dma_wait3A_258 = tpu.memref_squeeze %dma_wait3A_257 : memref<1x!tpu.dma_semaphore, #tpu.memory_space<semaphore_mem>> -> memref<!tpu.dma_semaphore, #tpu.memory_space<semaphore_mem>>
      tpu.wait_indirect_dma semaphore(%dma_wait3A_258 : memref<!tpu.dma_semaphore, #tpu.memory_space<semaphore_mem>>) src(%dma_wait3A_256 : memref<10000x128xf32, #tpu.memory_space<hbm>>) dst(%dma_wait3A_250 : memref<112x128xf32, #tpu.memory_space<vmem>>)
      %add3A_259 = arith.constant 2 : i32
      %add3A_260 = arith.addi %add3A_202, %add3A_259 : i32
      %lt3A_261 = arith.cmpi slt, %add3A_260, %select_n3A : i32
      %convert_element_type3A = arith.extui %lt3A_261 : i1 to i32
      %cond3A = arith.constant 0 : i32
      %cond3A_262 = arith.cmpi ne, %convert_element_type3A, %cond3A : i32
      scf.if %cond3A_262 {
        %add3A_301 = arith.constant 2 : i32
        %add3A_302 = arith.addi %add3A_202, %add3A_301 : i32
        %jit3A_303 = arith.constant 4 : i32
        %eq3A_304 = arith.constant 0 : i32
        %eq3A_305 = arith.cmpi eq, %jit3A_303, %eq3A_304 : i32
        %jit3A_306 = arith.constant 1 : i32
        %select_n3A_307 = arith.select %eq3A_305, %jit3A_306, %jit3A_303 : i32
        %rem3A_308 = arith.remsi %add3A_302, %select_n3A_307 : i32
        %ne3A_309 = arith.constant 0 : i32
        %ne3A_310 = arith.cmpi ne, %rem3A_308, %ne3A_309 : i32
        %lt3A_311 = arith.constant 0 : i32
        %lt3A_312 = arith.cmpi slt, %rem3A_308, %lt3A_311 : i32
        %lt3A_313 = arith.constant 0 : i32
        %lt3A_314 = arith.cmpi slt, %select_n3A_307, %lt3A_313 : i32
        %ne3A_315 = arith.xori %lt3A_312, %lt3A_314 : i1
        %and3A_316 = arith.andi %ne3A_315, %ne3A_310 : i1
        %add3A_317 = arith.addi %rem3A_308, %select_n3A_307 : i32
        %select_n3A_318 = arith.select %and3A_316, %add3A_317, %rem3A_308 : i32
        %mul3A_319 = arith.constant 112 : i32
        %mul3A_320 = arith.muli %add3A_302, %mul3A_319 : i32
        %add3A_321 = arith.addi %select_n3A_22, %mul3A_320 : i32
        %dma_wait3A_322 = arith.constant 0 : i32
        %dma_wait3A_323 = tpu.memref_slice %arg6[%select_n3A_318, %dma_wait3A_322] : memref<4x112xi32, #tpu.memory_space<vmem>> -> memref<1x112xi32, #tpu.memory_space<vmem>>
        %dma_wait3A_324 = tpu.memref_squeeze %dma_wait3A_323 : memref<1x112xi32, #tpu.memory_space<vmem>> -> memref<112xi32, #tpu.memory_space<vmem>>
        %dma_wait3A_325 = tpu.memref_slice %arg3[%add3A_321] : memref<322560xi32, #tpu.memory_space<hbm>> -> memref<112xi32, #tpu.memory_space<hbm>>
        %dma_wait3A_326 = tpu.memref_slice %arg11[%select_n3A_318] : memref<4x!tpu.dma_semaphore, #tpu.memory_space<semaphore_mem>> -> memref<1x!tpu.dma_semaphore, #tpu.memory_space<semaphore_mem>>
        %dma_wait3A_327 = tpu.memref_squeeze %dma_wait3A_326 : memref<1x!tpu.dma_semaphore, #tpu.memory_space<semaphore_mem>> -> memref<!tpu.dma_semaphore, #tpu.memory_space<semaphore_mem>>
        %dma_wait3A_328 = arith.constant 0 : i32
        %dma_wait3A_329 = tpu.memref_slice %arg6[%select_n3A_318, %dma_wait3A_328] : memref<4x112xi32, #tpu.memory_space<vmem>> -> memref<1x112xi32, #tpu.memory_space<vmem>>
        %dma_wait3A_330 = tpu.memref_squeeze %dma_wait3A_329 : memref<1x112xi32, #tpu.memory_space<vmem>> -> memref<112xi32, #tpu.memory_space<vmem>>
        %dma_wait3A_331 = tpu.memref_slice %arg3[%add3A_321] : memref<322560xi32, #tpu.memory_space<hbm>> -> memref<112xi32, #tpu.memory_space<hbm>>
        tpu.wait_dma2 semaphore(%dma_wait3A_327 : memref<!tpu.dma_semaphore, #tpu.memory_space<semaphore_mem>>) src(%dma_wait3A_331 : memref<112xi32, #tpu.memory_space<hbm>>) dst(%dma_wait3A_330 : memref<112xi32, #tpu.memory_space<vmem>>)
        %dma_wait3A_332 = arith.constant 0 : i32
        %dma_wait3A_333 = tpu.memref_slice %arg7[%select_n3A_318, %dma_wait3A_332] : memref<4x112xi32, #tpu.memory_space<vmem>> -> memref<1x112xi32, #tpu.memory_space<vmem>>
        %dma_wait3A_334 = tpu.memref_squeeze %dma_wait3A_333 : memref<1x112xi32, #tpu.memory_space<vmem>> -> memref<112xi32, #tpu.memory_space<vmem>>
        %dma_wait3A_335 = tpu.memref_slice %arg4[%add3A_321] : memref<322560xi32, #tpu.memory_space<hbm>> -> memref<112xi32, #tpu.memory_space<hbm>>
        %dma_wait3A_336 = tpu.memref_slice %arg11[%select_n3A_318] : memref<4x!tpu.dma_semaphore, #tpu.memory_space<semaphore_mem>> -> memref<1x!tpu.dma_semaphore, #tpu.memory_space<semaphore_mem>>
        %dma_wait3A_337 = tpu.memref_squeeze %dma_wait3A_336 : memref<1x!tpu.dma_semaphore, #tpu.memory_space<semaphore_mem>> -> memref<!tpu.dma_semaphore, #tpu.memory_space<semaphore_mem>>
        %dma_wait3A_338 = arith.constant 0 : i32
        %dma_wait3A_339 = tpu.memref_slice %arg7[%select_n3A_318, %dma_wait3A_338] : memref<4x112xi32, #tpu.memory_space<vmem>> -> memref<1x112xi32, #tpu.memory_space<vmem>>
        %dma_wait3A_340 = tpu.memref_squeeze %dma_wait3A_339 : memref<1x112xi32, #tpu.memory_space<vmem>> -> memref<112xi32, #tpu.memory_space<vmem>>
        %dma_wait3A_341 = tpu.memref_slice %arg4[%add3A_321] : memref<322560xi32, #tpu.memory_space<hbm>> -> memref<112xi32, #tpu.memory_space<hbm>>
        tpu.wait_dma2 semaphore(%dma_wait3A_337 : memref<!tpu.dma_semaphore, #tpu.memory_space<semaphore_mem>>) src(%dma_wait3A_341 : memref<112xi32, #tpu.memory_space<hbm>>) dst(%dma_wait3A_340 : memref<112xi32, #tpu.memory_space<vmem>>)
        %add3A_342 = arith.constant 2 : i32
        %add3A_343 = arith.addi %add3A_202, %add3A_342 : i32
        %jit3A_344 = arith.constant 4 : i32
        %eq3A_345 = arith.constant 0 : i32
        %eq3A_346 = arith.cmpi eq, %jit3A_344, %eq3A_345 : i32
        %jit3A_347 = arith.constant 1 : i32
        %select_n3A_348 = arith.select %eq3A_346, %jit3A_347, %jit3A_344 : i32
        %rem3A_349 = arith.remsi %add3A_343, %select_n3A_348 : i32
        %ne3A_350 = arith.constant 0 : i32
        %ne3A_351 = arith.cmpi ne, %rem3A_349, %ne3A_350 : i32
        %lt3A_352 = arith.constant 0 : i32
        %lt3A_353 = arith.cmpi slt, %rem3A_349, %lt3A_352 : i32
        %lt3A_354 = arith.constant 0 : i32
        %lt3A_355 = arith.cmpi slt, %select_n3A_348, %lt3A_354 : i32
        %ne3A_356 = arith.xori %lt3A_353, %lt3A_355 : i1
        %and3A_357 = arith.andi %ne3A_356, %ne3A_351 : i1
        %add3A_358 = arith.addi %rem3A_349, %select_n3A_348 : i32
        %select_n3A_359 = arith.select %and3A_357, %add3A_358, %rem3A_349 : i32
        %jit3A_360 = arith.constant 3 : i32
        %eq3A_361 = arith.constant 0 : i32
        %eq3A_362 = arith.cmpi eq, %jit3A_360, %eq3A_361 : i32
        %jit3A_363 = arith.constant 1 : i32
        %select_n3A_364 = arith.select %eq3A_362, %jit3A_363, %jit3A_360 : i32
        %rem3A_365 = arith.remsi %add3A_343, %select_n3A_364 : i32
        %ne3A_366 = arith.constant 0 : i32
        %ne3A_367 = arith.cmpi ne, %rem3A_365, %ne3A_366 : i32
        %lt3A_368 = arith.constant 0 : i32
        %lt3A_369 = arith.cmpi slt, %rem3A_365, %lt3A_368 : i32
        %lt3A_370 = arith.constant 0 : i32
        %lt3A_371 = arith.cmpi slt, %select_n3A_364, %lt3A_370 : i32
        %ne3A_372 = arith.xori %lt3A_369, %lt3A_371 : i1
        %and3A_373 = arith.andi %ne3A_372, %ne3A_367 : i1
        %add3A_374 = arith.addi %rem3A_365, %select_n3A_364 : i32
        %select_n3A_375 = arith.select %and3A_373, %add3A_374, %rem3A_365 : i32
        %jit3A_376 = arith.constant 3 : i32
        %eq3A_377 = arith.constant 0 : i32
        %eq3A_378 = arith.cmpi eq, %jit3A_376, %eq3A_377 : i32
        %jit3A_379 = arith.constant 1 : i32
        %select_n3A_380 = arith.select %eq3A_378, %jit3A_379, %jit3A_376 : i32
        %rem3A_381 = arith.remsi %add3A_343, %select_n3A_380 : i32
        %ne3A_382 = arith.constant 0 : i32
        %ne3A_383 = arith.cmpi ne, %rem3A_381, %ne3A_382 : i32
        %lt3A_384 = arith.constant 0 : i32
        %lt3A_385 = arith.cmpi slt, %rem3A_381, %lt3A_384 : i32
        %lt3A_386 = arith.constant 0 : i32
        %lt3A_387 = arith.cmpi slt, %select_n3A_380, %lt3A_386 : i32
        %ne3A_388 = arith.xori %lt3A_385, %lt3A_387 : i1
        %and3A_389 = arith.andi %ne3A_388, %ne3A_383 : i1
        %add3A_390 = arith.addi %rem3A_381, %select_n3A_380 : i32
        %select_n3A_391 = arith.select %and3A_389, %add3A_390, %rem3A_381 : i32
        %dma_start3A_392 = arith.constant 0 : i32
        %dma_start3A_393 = arith.constant 0 : i32
        %dma_start3A_394 = tpu.memref_slice %arg8[%select_n3A_375, %dma_start3A_392, %dma_start3A_393] : memref<3x112x128xf32, #tpu.memory_space<vmem>> -> memref<1x112x128xf32, #tpu.memory_space<vmem>>
        %dma_start3A_395 = tpu.memref_squeeze %dma_start3A_394 : memref<1x112x128xf32, #tpu.memory_space<vmem>> -> memref<112x128xf32, #tpu.memory_space<vmem>>
        %dma_start3A_396 = arith.constant 0 : i32
        %dma_start3A_397 = tpu.memref_slice %arg6[%select_n3A_359, %dma_start3A_396] : memref<4x112xi32, #tpu.memory_space<vmem>> -> memref<1x112xi32, #tpu.memory_space<vmem>>
        %dma_start3A_398 = tpu.memref_squeeze %dma_start3A_397 : memref<1x112xi32, #tpu.memory_space<vmem>> -> memref<112xi32, #tpu.memory_space<vmem>>
        %dma_start3A_399 = arith.constant 0 : i32
        %dma_start3A_400 = arith.constant 0 : i32
        %dma_start3A_401 = tpu.memref_slice %arg2[%dma_start3A_399, %dma_start3A_400] : memref<10000x128xf32, #tpu.memory_space<hbm>> -> memref<10000x128xf32, #tpu.memory_space<hbm>>
        %dma_start3A_402 = tpu.memref_slice %arg12[%select_n3A_391] : memref<3x!tpu.dma_semaphore, #tpu.memory_space<semaphore_mem>> -> memref<1x!tpu.dma_semaphore, #tpu.memory_space<semaphore_mem>>
        %dma_start3A_403 = tpu.memref_squeeze %dma_start3A_402 : memref<1x!tpu.dma_semaphore, #tpu.memory_space<semaphore_mem>> -> memref<!tpu.dma_semaphore, #tpu.memory_space<semaphore_mem>>
        tpu.enqueue_indirect_dma source(%dma_start3A_401 : memref<10000x128xf32, #tpu.memory_space<hbm>>) target(%dma_start3A_395 : memref<112x128xf32, #tpu.memory_space<vmem>>) offsets(%dma_start3A_398 : memref<112xi32, #tpu.memory_space<vmem>>) semaphore(%dma_start3A_403 : memref<!tpu.dma_semaphore, #tpu.memory_space<semaphore_mem>>)
      } else {
      }
      %jit3A_263 = arith.constant 3 : i32
      %eq3A_264 = arith.constant 0 : i32
      %eq3A_265 = arith.cmpi eq, %jit3A_263, %eq3A_264 : i32
      %jit3A_266 = arith.constant 1 : i32
      %select_n3A_267 = arith.select %eq3A_265, %jit3A_266, %jit3A_263 : i32
      %rem3A_268 = arith.remsi %add3A_202, %select_n3A_267 : i32
      %ne3A_269 = arith.constant 0 : i32
      %ne3A_270 = arith.cmpi ne, %rem3A_268, %ne3A_269 : i32
      %lt3A_271 = arith.constant 0 : i32
      %lt3A_272 = arith.cmpi slt, %rem3A_268, %lt3A_271 : i32
      %lt3A_273 = arith.constant 0 : i32
      %lt3A_274 = arith.cmpi slt, %select_n3A_267, %lt3A_273 : i32
      %ne3A_275 = arith.xori %lt3A_272, %lt3A_274 : i1
      %and3A_276 = arith.andi %ne3A_275, %ne3A_270 : i1
      %add3A_277 = arith.addi %rem3A_268, %select_n3A_267 : i32
      %select_n3A_278 = arith.select %and3A_276, %add3A_277, %rem3A_268 : i32
      %jit3A_279 = arith.constant 4 : i32
      %eq3A_280 = arith.constant 0 : i32
      %eq3A_281 = arith.cmpi eq, %jit3A_279, %eq3A_280 : i32
      %jit3A_282 = arith.constant 1 : i32
      %select_n3A_283 = arith.select %eq3A_281, %jit3A_282, %jit3A_279 : i32
      %rem3A_284 = arith.remsi %add3A_202, %select_n3A_283 : i32
      %ne3A_285 = arith.constant 0 : i32
      %ne3A_286 = arith.cmpi ne, %rem3A_284, %ne3A_285 : i32
      %lt3A_287 = arith.constant 0 : i32
      %lt3A_288 = arith.cmpi slt, %rem3A_284, %lt3A_287 : i32
      %lt3A_289 = arith.constant 0 : i32
      %lt3A_290 = arith.cmpi slt, %select_n3A_283, %lt3A_289 : i32
      %ne3A_291 = arith.xori %lt3A_288, %lt3A_290 : i1
      %and3A_292 = arith.andi %ne3A_291, %ne3A_286 : i1
      %add3A_293 = arith.addi %rem3A_284, %select_n3A_283 : i32
      %select_n3A_294 = arith.select %and3A_292, %add3A_293, %rem3A_284 : i32
      "tpu.region"() ({
        %run_scoped3A = tpu.sem_alloc : memref<!tpu.dma_semaphore, #tpu.memory_space<semaphore_mem>>
        %dma_start3A_301 = arith.constant 0 : i32
        %dma_start3A_302 = arith.constant 0 : i32
        %dma_start3A_303 = tpu.memref_slice %arg8[%select_n3A_278, %dma_start3A_301, %dma_start3A_302] : memref<3x112x128xf32, #tpu.memory_space<vmem>> -> memref<1x112x128xf32, #tpu.memory_space<vmem>>
        %dma_start3A_304 = tpu.memref_squeeze %dma_start3A_303 : memref<1x112x128xf32, #tpu.memory_space<vmem>> -> memref<112x128xf32, #tpu.memory_space<vmem>>
        %dma_start3A_305 = arith.constant 0 : i32
        %dma_start3A_306 = tpu.memref_slice %arg7[%select_n3A_294, %dma_start3A_305] : memref<4x112xi32, #tpu.memory_space<vmem>> -> memref<1x112xi32, #tpu.memory_space<vmem>>
        %dma_start3A_307 = tpu.memref_squeeze %dma_start3A_306 : memref<1x112xi32, #tpu.memory_space<vmem>> -> memref<112xi32, #tpu.memory_space<vmem>>
        %dma_start3A_308 = arith.constant 0 : i32
        %dma_start3A_309 = arith.constant 0 : i32
        %dma_start3A_310 = tpu.memref_slice %arg10[%dma_start3A_308, %dma_start3A_309] : memref<10112x128xf32, #tpu.memory_space<vmem_shared>> -> memref<10112x128xf32, #tpu.memory_space<vmem_shared>>
        tpu.enqueue_indirect_dma source(%dma_start3A_304 : memref<112x128xf32, #tpu.memory_space<vmem>>) target(%dma_start3A_310 : memref<10112x128xf32, #tpu.memory_space<vmem_shared>>) offsets(%dma_start3A_307 : memref<112xi32, #tpu.memory_space<vmem>>) semaphore(%run_scoped3A : memref<!tpu.dma_semaphore, #tpu.memory_space<semaphore_mem>>) {add = true}
        %dma_wait3A_311 = arith.constant 0 : i32
        %dma_wait3A_312 = arith.constant 0 : i32
        %dma_wait3A_313 = tpu.memref_slice %arg8[%select_n3A_278, %dma_wait3A_311, %dma_wait3A_312] : memref<3x112x128xf32, #tpu.memory_space<vmem>> -> memref<1x112x128xf32, #tpu.memory_space<vmem>>
        %dma_wait3A_314 = tpu.memref_squeeze %dma_wait3A_313 : memref<1x112x128xf32, #tpu.memory_space<vmem>> -> memref<112x128xf32, #tpu.memory_space<vmem>>
        %dma_wait3A_315 = arith.constant 0 : i32
        %dma_wait3A_316 = tpu.memref_slice %arg7[%select_n3A_294, %dma_wait3A_315] : memref<4x112xi32, #tpu.memory_space<vmem>> -> memref<1x112xi32, #tpu.memory_space<vmem>>
        %dma_wait3A_317 = tpu.memref_squeeze %dma_wait3A_316 : memref<1x112xi32, #tpu.memory_space<vmem>> -> memref<112xi32, #tpu.memory_space<vmem>>
        %dma_wait3A_318 = arith.constant 0 : i32
        %dma_wait3A_319 = arith.constant 0 : i32
        %dma_wait3A_320 = tpu.memref_slice %arg10[%dma_wait3A_318, %dma_wait3A_319] : memref<10112x128xf32, #tpu.memory_space<vmem_shared>> -> memref<10112x128xf32, #tpu.memory_space<vmem_shared>>
        tpu.wait_indirect_dma semaphore(%run_scoped3A : memref<!tpu.dma_semaphore, #tpu.memory_space<semaphore_mem>>) src(%dma_wait3A_314 : memref<112x128xf32, #tpu.memory_space<vmem>>) dst(%dma_wait3A_320 : memref<10112x128xf32, #tpu.memory_space<vmem_shared>>)
        tpu.yield
      }) : () -> ()
      %add3A_295 = arith.constant 3 : i32
      %add3A_296 = arith.addi %add3A_202, %add3A_295 : i32
      %lt3A_297 = arith.cmpi slt, %add3A_296, %select_n3A : i32
      %convert_element_type3A_298 = arith.extui %lt3A_297 : i1 to i32
      %cond3A_299 = arith.constant 0 : i32
      %cond3A_300 = arith.cmpi ne, %convert_element_type3A_298, %cond3A_299 : i32
      scf.if %cond3A_300 {
        %add3A_301 = arith.constant 3 : i32
        %add3A_302 = arith.addi %add3A_202, %add3A_301 : i32
        %jit3A_303 = arith.constant 4 : i32
        %eq3A_304 = arith.constant 0 : i32
        %eq3A_305 = arith.cmpi eq, %jit3A_303, %eq3A_304 : i32
        %jit3A_306 = arith.constant 1 : i32
        %select_n3A_307 = arith.select %eq3A_305, %jit3A_306, %jit3A_303 : i32
        %rem3A_308 = arith.remsi %add3A_302, %select_n3A_307 : i32
        %ne3A_309 = arith.constant 0 : i32
        %ne3A_310 = arith.cmpi ne, %rem3A_308, %ne3A_309 : i32
        %lt3A_311 = arith.constant 0 : i32
        %lt3A_312 = arith.cmpi slt, %rem3A_308, %lt3A_311 : i32
        %lt3A_313 = arith.constant 0 : i32
        %lt3A_314 = arith.cmpi slt, %select_n3A_307, %lt3A_313 : i32
        %ne3A_315 = arith.xori %lt3A_312, %lt3A_314 : i1
        %and3A_316 = arith.andi %ne3A_315, %ne3A_310 : i1
        %add3A_317 = arith.addi %rem3A_308, %select_n3A_307 : i32
        %select_n3A_318 = arith.select %and3A_316, %add3A_317, %rem3A_308 : i32
        %mul3A_319 = arith.constant 112 : i32
        %mul3A_320 = arith.muli %add3A_302, %mul3A_319 : i32
        %add3A_321 = arith.addi %select_n3A_22, %mul3A_320 : i32
        %dma_start3A_322 = arith.constant 0 : i32
        %dma_start3A_323 = tpu.memref_slice %arg6[%select_n3A_318, %dma_start3A_322] : memref<4x112xi32, #tpu.memory_space<vmem>> -> memref<1x112xi32, #tpu.memory_space<vmem>>
        %dma_start3A_324 = tpu.memref_squeeze %dma_start3A_323 : memref<1x112xi32, #tpu.memory_space<vmem>> -> memref<112xi32, #tpu.memory_space<vmem>>
        %dma_start3A_325 = tpu.memref_slice %arg3[%add3A_321] : memref<322560xi32, #tpu.memory_space<hbm>> -> memref<112xi32, #tpu.memory_space<hbm>>
        %dma_start3A_326 = tpu.memref_slice %arg11[%select_n3A_318] : memref<4x!tpu.dma_semaphore, #tpu.memory_space<semaphore_mem>> -> memref<1x!tpu.dma_semaphore, #tpu.memory_space<semaphore_mem>>
        %dma_start3A_327 = tpu.memref_squeeze %dma_start3A_326 : memref<1x!tpu.dma_semaphore, #tpu.memory_space<semaphore_mem>> -> memref<!tpu.dma_semaphore, #tpu.memory_space<semaphore_mem>>
        %dma_start3A_328 = arith.constant 0 : i32
        %dma_start3A_329 = tpu.memref_slice %arg6[%select_n3A_318, %dma_start3A_328] : memref<4x112xi32, #tpu.memory_space<vmem>> -> memref<1x112xi32, #tpu.memory_space<vmem>>
        %dma_start3A_330 = tpu.memref_squeeze %dma_start3A_329 : memref<1x112xi32, #tpu.memory_space<vmem>> -> memref<112xi32, #tpu.memory_space<vmem>>
        %dma_start3A_331 = tpu.memref_slice %arg3[%add3A_321] : memref<322560xi32, #tpu.memory_space<hbm>> -> memref<112xi32, #tpu.memory_space<hbm>>
        tpu.enqueue_dma source(%dma_start3A_331 : memref<112xi32, #tpu.memory_space<hbm>>) target(%dma_start3A_330 : memref<112xi32, #tpu.memory_space<vmem>>) target_semaphore(%dma_start3A_327 : memref<!tpu.dma_semaphore, #tpu.memory_space<semaphore_mem>>)
        %dma_start3A_332 = arith.constant 0 : i32
        %dma_start3A_333 = tpu.memref_slice %arg7[%select_n3A_318, %dma_start3A_332] : memref<4x112xi32, #tpu.memory_space<vmem>> -> memref<1x112xi32, #tpu.memory_space<vmem>>
        %dma_start3A_334 = tpu.memref_squeeze %dma_start3A_333 : memref<1x112xi32, #tpu.memory_space<vmem>> -> memref<112xi32, #tpu.memory_space<vmem>>
        %dma_start3A_335 = tpu.memref_slice %arg4[%add3A_321] : memref<322560xi32, #tpu.memory_space<hbm>> -> memref<112xi32, #tpu.memory_space<hbm>>
        %dma_start3A_336 = tpu.memref_slice %arg11[%select_n3A_318] : memref<4x!tpu.dma_semaphore, #tpu.memory_space<semaphore_mem>> -> memref<1x!tpu.dma_semaphore, #tpu.memory_space<semaphore_mem>>
        %dma_start3A_337 = tpu.memref_squeeze %dma_start3A_336 : memref<1x!tpu.dma_semaphore, #tpu.memory_space<semaphore_mem>> -> memref<!tpu.dma_semaphore, #tpu.memory_space<semaphore_mem>>
        %dma_start3A_338 = arith.constant 0 : i32
        %dma_start3A_339 = tpu.memref_slice %arg7[%select_n3A_318, %dma_start3A_338] : memref<4x112xi32, #tpu.memory_space<vmem>> -> memref<1x112xi32, #tpu.memory_space<vmem>>
        %dma_start3A_340 = tpu.memref_squeeze %dma_start3A_339 : memref<1x112xi32, #tpu.memory_space<vmem>> -> memref<112xi32, #tpu.memory_space<vmem>>
        %dma_start3A_341 = tpu.memref_slice %arg4[%add3A_321] : memref<322560xi32, #tpu.memory_space<hbm>> -> memref<112xi32, #tpu.memory_space<hbm>>
        tpu.enqueue_dma source(%dma_start3A_341 : memref<112xi32, #tpu.memory_space<hbm>>) target(%dma_start3A_340 : memref<112xi32, #tpu.memory_space<vmem>>) target_semaphore(%dma_start3A_337 : memref<!tpu.dma_semaphore, #tpu.memory_space<semaphore_mem>>)
      } else {
      }
    }
    %barrier3A_197 = arith.constant 0 : index
    tpu.barrier barrier_id(%barrier3A_197)
    %mul3A_198 = arith.constant 632 : i32
    %mul3A_199 = arith.muli %arg1, %mul3A_198 : i32
    "tpu.region"() ({
      %run_scoped3A = tpu.sem_alloc : memref<!tpu.dma_semaphore, #tpu.memory_space<semaphore_mem>>
      %dma_start3A_200 = arith.constant 0 : i32
      %dma_start3A_201 = arith.constant 0 : i32
      %dma_start3A_202 = tpu.memref_slice %arg5[%arg0, %dma_start3A_200, %dma_start3A_201] : memref<2x10112x128xf32, #tpu.memory_space<hbm>> -> memref<1x10112x128xf32, #tpu.memory_space<hbm>>
      %dma_start3A_203 = tpu.memref_squeeze %dma_start3A_202 : memref<1x10112x128xf32, #tpu.memory_space<hbm>> -> memref<10112x128xf32, #tpu.memory_space<hbm>>
      %dma_start3A_204 = arith.constant 0 : i32
      %dma_start3A_205 = tpu.memref_slice %dma_start3A_203[%mul3A_199, %dma_start3A_204] : memref<10112x128xf32, #tpu.memory_space<hbm>> -> memref<632x128xf32, #tpu.memory_space<hbm>>
      %dma_start3A_206 = arith.constant 0 : i32
      %dma_start3A_207 = tpu.memref_slice %arg10[%mul3A_199, %dma_start3A_206] : memref<10112x128xf32, #tpu.memory_space<vmem_shared>> -> memref<632x128xf32, #tpu.memory_space<vmem_shared>>
      tpu.enqueue_dma source(%dma_start3A_207 : memref<632x128xf32, #tpu.memory_space<vmem_shared>>) target(%dma_start3A_205 : memref<632x128xf32, #tpu.memory_space<hbm>>) target_semaphore(%run_scoped3A : memref<!tpu.dma_semaphore, #tpu.memory_space<semaphore_mem>>)
      %dma_wait3A_208 = arith.constant 0 : i32
      %dma_wait3A_209 = arith.constant 0 : i32
      %dma_wait3A_210 = tpu.memref_slice %arg5[%arg0, %dma_wait3A_208, %dma_wait3A_209] : memref<2x10112x128xf32, #tpu.memory_space<hbm>> -> memref<1x10112x128xf32, #tpu.memory_space<hbm>>
      %dma_wait3A_211 = tpu.memref_squeeze %dma_wait3A_210 : memref<1x10112x128xf32, #tpu.memory_space<hbm>> -> memref<10112x128xf32, #tpu.memory_space<hbm>>
      %dma_wait3A_212 = arith.constant 0 : i32
      %dma_wait3A_213 = tpu.memref_slice %dma_wait3A_211[%mul3A_199, %dma_wait3A_212] : memref<10112x128xf32, #tpu.memory_space<hbm>> -> memref<632x128xf32, #tpu.memory_space<hbm>>
      %dma_wait3A_214 = arith.constant 0 : i32
      %dma_wait3A_215 = tpu.memref_slice %arg10[%mul3A_199, %dma_wait3A_214] : memref<10112x128xf32, #tpu.memory_space<vmem_shared>> -> memref<632x128xf32, #tpu.memory_space<vmem_shared>>
      tpu.wait_dma2 semaphore(%run_scoped3A : memref<!tpu.dma_semaphore, #tpu.memory_space<semaphore_mem>>) src(%dma_wait3A_215 : memref<632x128xf32, #tpu.memory_space<vmem_shared>>) dst(%dma_wait3A_213 : memref<632x128xf32, #tpu.memory_space<hbm>>)
      tpu.yield
    }) : () -> ()
    return
  }
}

#map = affine_map<(d0, d1) -> (0, 0)>
#map1 = affine_map<(d0, d1) -> (0)>
#map2 = affine_map<(d0, d1) -> (0, 0, 0)>
module attributes {stable_mosaic.version = 14 : i64} {
  func.func @_sc_body(%arg0: i32, %arg1: i32, %arg2: memref<10000x128xf32, #tpu.memory_space<hbm>>, %arg3: memref<322560xi32, #tpu.memory_space<hbm>>, %arg4: memref<322560xi32, #tpu.memory_space<hbm>>, %arg5: memref<2x10112x128xf32, #tpu.memory_space<hbm>>, %arg6: memref<4x112xi32, #tpu.memory_space<vmem>>, %arg7: memref<4x112xi32, #tpu.memory_space<vmem>>, %arg8: memref<3x112x128xf32, #tpu.memory_space<vmem>>, %arg9: memref<8x128xf32, #tpu.memory_space<vmem>>, %arg10: memref<10112x128xf32, #tpu.memory_space<vmem_shared>>, %arg11: memref<4x!tpu.dma_semaphore, #tpu.memory_space<semaphore_mem>>, %arg12: memref<3x!tpu.dma_semaphore, #tpu.memory_space<semaphore_mem>>, %arg13: memref<!tpu.dma_semaphore, #tpu.memory_space<semaphore_mem>>) attributes {dimension_semantics = [#tpu.dimension_semantics<core_parallel>, #tpu.dimension_semantics<subcore_parallel>], iteration_bounds = array<i64: 2, 16>, scalar_prefetch = 0 : i64, scratch_operands = 8 : i64, tpu.core_type = #tpu.core_type<sc_vector_subcore>, window_params = [{transform_indices = #map}, {transform_indices = #map1}, {transform_indices = #map1}, {transform_indices = #map2}]} {
    %scan3A = arith.constant 0 : i32
    %scan3A_0 = arith.constant 64 : i32
    %scan3A_1 = arith.addi %scan3A, %scan3A_0 : i32
    %scan3A_2 = arith.constant 1 : i32
    scf.for %scan3A_200 = %scan3A to %scan3A_1 step %scan3A_2  : i32 {
      %mul3A_201 = arith.constant 1 : i32
      %mul3A_202 = arith.muli %scan3A_200, %mul3A_201 : i32
      %add3A_203 = arith.constant 0 : i32
      %add3A_204 = arith.addi %add3A_203, %mul3A_202 : i32
      %jit3A_205 = arith.constant 8 : i32
      %div3A_206 = arith.divsi %add3A_204, %jit3A_205 : i32
      %sign3A = arith.constant 0 : i32
      %sign3A_207 = arith.cmpi sgt, %add3A_204, %sign3A : i32
      %sign3A_208 = arith.extui %sign3A_207 : i1 to i32
      %sign3A_209 = arith.constant 0 : i32
      %sign3A_210 = arith.cmpi slt, %add3A_204, %sign3A_209 : i32
      %sign3A_211 = arith.extui %sign3A_210 : i1 to i32
      %sign3A_212 = arith.subi %sign3A_208, %sign3A_211 : i32
      %sign3A_213 = arith.constant 0 : i32
      %sign3A_214 = arith.cmpi sgt, %jit3A_205, %sign3A_213 : i32
      %sign3A_215 = arith.extui %sign3A_214 : i1 to i32
      %sign3A_216 = arith.constant 0 : i32
      %sign3A_217 = arith.cmpi slt, %jit3A_205, %sign3A_216 : i32
      %sign3A_218 = arith.extui %sign3A_217 : i1 to i32
      %sign3A_219 = arith.subi %sign3A_215, %sign3A_218 : i32
      %ne3A = arith.cmpi ne, %sign3A_212, %sign3A_219 : i32
      %rem3A = arith.remsi %add3A_204, %jit3A_205 : i32
      %ne3A_220 = arith.constant 0 : i32
      %ne3A_221 = arith.cmpi ne, %rem3A, %ne3A_220 : i32
      %and3A = arith.andi %ne3A, %ne3A_221 : i1
      %sub3A_222 = arith.constant 1 : i32
      %sub3A_223 = arith.subi %div3A_206, %sub3A_222 : i32
      %select_n3A_224 = arith.select %and3A, %sub3A_223, %div3A_206 : i32
      %jit3A_225 = arith.constant 8 : i32
      %eq3A_226 = arith.constant 0 : i32
      %eq3A_227 = arith.cmpi eq, %jit3A_225, %eq3A_226 : i32
      %jit3A_228 = arith.constant 1 : i32
      %select_n3A_229 = arith.select %eq3A_227, %jit3A_228, %jit3A_225 : i32
      %rem3A_230 = arith.remsi %add3A_204, %select_n3A_229 : i32
      %ne3A_231 = arith.constant 0 : i32
      %ne3A_232 = arith.cmpi ne, %rem3A_230, %ne3A_231 : i32
      %lt3A = arith.constant 0 : i32
      %lt3A_233 = arith.cmpi slt, %rem3A_230, %lt3A : i32
      %lt3A_234 = arith.constant 0 : i32
      %lt3A_235 = arith.cmpi slt, %select_n3A_229, %lt3A_234 : i32
      %ne3A_236 = arith.xori %lt3A_233, %lt3A_235 : i1
      %and3A_237 = arith.andi %ne3A_236, %ne3A_232 : i1
      %add3A_238 = arith.addi %rem3A_230, %select_n3A_229 : i32
      %select_n3A_239 = arith.select %and3A_237, %add3A_238, %rem3A_230 : i32
      %broadcast_in_dim3A = arith.constant 0.000000e+00 : f32
      %broadcast_in_dim3A_240 = vector.broadcast %broadcast_in_dim3A : f32 to vector<16xf32>
      %mul3A_241 = arith.constant 16 : i32
      %mul3A_242 = arith.muli %select_n3A_239, %mul3A_241 : i32
      %swap3A = arith.index_cast %select_n3A_224 : i32 to index
      %swap3A_243 = arith.index_cast %mul3A_242 : i32 to index
      %swap3A_244 = tpu.vector_load %arg9[%swap3A, %swap3A_243] {strides = array<i32>} : memref<8x128xf32, #tpu.memory_space<vmem>>, vector<1x16xf32>,
      %swap3A_245 = vector.shape_cast %swap3A_244 : vector<1x16xf32> to vector<16xf32>
      %swap3A_246 = vector.shape_cast %broadcast_in_dim3A_240 : vector<16xf32> to vector<1x16xf32>
      tpu.vector_store %arg9[%swap3A, %swap3A_243], %swap3A_246 {strides = array<i32>} : memref<8x128xf32, #tpu.memory_space<vmem>>, vector<1x16xf32>,
    }
    %scan3A_3 = arith.constant 64 : i32
    %scan3A_4 = arith.constant 0 : i32
    %scan3A_5 = arith.constant 79 : i32
    %scan3A_6 = arith.addi %scan3A_4, %scan3A_5 : i32
    %scan3A_7 = arith.constant 1 : i32
    scf.for %scan3A_200 = %scan3A_4 to %scan3A_6 step %scan3A_7  : i32 {
      %mul3A_201 = arith.constant 1 : i32
      %mul3A_202 = arith.muli %scan3A_200, %mul3A_201 : i32
      %add3A_203 = arith.constant 0 : i32
      %add3A_204 = arith.addi %add3A_203, %mul3A_202 : i32
      %mul3A_205 = arith.constant 632 : i32
      %mul3A_206 = arith.muli %arg1, %mul3A_205 : i32
      %mul3A_207 = arith.constant 8 : i32
      %mul3A_208 = arith.muli %add3A_204, %mul3A_207 : i32
      %add3A_209 = arith.addi %mul3A_206, %mul3A_208 : i32
      %dma_start3A_210 = arith.constant 0 : i32
      %dma_start3A_211 = tpu.memref_slice %arg10[%add3A_209, %dma_start3A_210] : memref<10112x128xf32, #tpu.memory_space<vmem_shared>> -> memref<8x128xf32, #tpu.memory_space<vmem_shared>>
      %dma_start3A_212 = arith.constant 0 : i32
      %dma_start3A_213 = tpu.memref_slice %arg10[%add3A_209, %dma_start3A_212] : memref<10112x128xf32, #tpu.memory_space<vmem_shared>> -> memref<8x128xf32, #tpu.memory_space<vmem_shared>>
      tpu.enqueue_dma source(%arg9 : memref<8x128xf32, #tpu.memory_space<vmem>>) target(%dma_start3A_213 : memref<8x128xf32, #tpu.memory_space<vmem_shared>>) target_semaphore(%arg13 : memref<!tpu.dma_semaphore, #tpu.memory_space<semaphore_mem>>)
    }
    %scan3A_8 = arith.constant 79 : i32
    %scan3A_9 = arith.constant 0 : i32
    %scan3A_10 = arith.constant 79 : i32
    %scan3A_11 = arith.addi %scan3A_9, %scan3A_10 : i32
    %scan3A_12 = arith.constant 1 : i32
    scf.for %scan3A_200 = %scan3A_9 to %scan3A_11 step %scan3A_12  : i32 {
      %mul3A_201 = arith.constant 1 : i32
      %mul3A_202 = arith.muli %scan3A_200, %mul3A_201 : i32
      %add3A_203 = arith.constant 0 : i32
      %add3A_204 = arith.addi %add3A_203, %mul3A_202 : i32
      %mul3A_205 = arith.constant 632 : i32
      %mul3A_206 = arith.muli %arg1, %mul3A_205 : i32
      %mul3A_207 = arith.constant 8 : i32
      %mul3A_208 = arith.muli %add3A_204, %mul3A_207 : i32
      %add3A_209 = arith.addi %mul3A_206, %mul3A_208 : i32
      %dma_wait3A_210 = arith.constant 0 : i32
      %dma_wait3A_211 = tpu.memref_slice %arg10[%add3A_209, %dma_wait3A_210] : memref<10112x128xf32, #tpu.memory_space<vmem_shared>> -> memref<8x128xf32, #tpu.memory_space<vmem_shared>>
      %dma_wait3A_212 = arith.constant 0 : i32
      %dma_wait3A_213 = tpu.memref_slice %arg10[%add3A_209, %dma_wait3A_212] : memref<10112x128xf32, #tpu.memory_space<vmem_shared>> -> memref<8x128xf32, #tpu.memory_space<vmem_shared>>
      tpu.wait_dma2 semaphore(%arg13 : memref<!tpu.dma_semaphore, #tpu.memory_space<semaphore_mem>>) src(%arg9 : memref<8x128xf32, #tpu.memory_space<vmem>>) dst(%dma_wait3A_213 : memref<8x128xf32, #tpu.memory_space<vmem_shared>>)
    }
    %scan3A_13 = arith.constant 79 : i32
    %eq3A = arith.constant 0 : i32
    %eq3A_14 = arith.cmpi eq, %arg0, %eq3A : i32
    %jit3A = arith.constant 156 : i32
    %jit3A_15 = arith.constant 24 : i32
    %select_n3A = arith.select %eq3A_14, %jit3A, %jit3A_15 : i32
    %eq3A_16 = arith.constant 0 : i32
    %eq3A_17 = arith.cmpi eq, %arg0, %eq3A_16 : i32
    %mul3A = arith.constant 17472 : i32
    %mul3A_18 = arith.muli %arg1, %mul3A : i32
    %mul3A_19 = arith.constant 2688 : i32
    %mul3A_20 = arith.muli %arg1, %mul3A_19 : i32
    %add3A = arith.constant 279552 : i32
    %add3A_21 = arith.addi %add3A, %mul3A_20 : i32
    %select_n3A_22 = arith.select %eq3A_17, %mul3A_18, %add3A_21 : i32
    %barrier3A = arith.constant 0 : index
    tpu.barrier barrier_id(%barrier3A)
    %add3A_23 = arith.constant 0 : i32
    %add3A_24 = arith.addi %select_n3A_22, %add3A_23 : i32
    %dma_start3A = arith.constant 0 : i32
    %dma_start3A_25 = arith.constant 0 : i32
    %dma_start3A_26 = arith.constant 0 : i32
    %dma_start3A_27 = tpu.memref_slice %arg6[%dma_start3A, %dma_start3A_26] : memref<4x112xi32, #tpu.memory_space<vmem>> -> memref<1x112xi32, #tpu.memory_space<vmem>>
    %dma_start3A_28 = tpu.memref_squeeze %dma_start3A_27 : memref<1x112xi32, #tpu.memory_space<vmem>> -> memref<112xi32, #tpu.memory_space<vmem>>
    %dma_start3A_29 = tpu.memref_slice %arg3[%add3A_24] : memref<322560xi32, #tpu.memory_space<hbm>> -> memref<112xi32, #tpu.memory_space<hbm>>
    %dma_start3A_30 = tpu.memref_slice %arg11[%dma_start3A_25] : memref<4x!tpu.dma_semaphore, #tpu.memory_space<semaphore_mem>> -> memref<1x!tpu.dma_semaphore, #tpu.memory_space<semaphore_mem>>
    %dma_start3A_31 = tpu.memref_squeeze %dma_start3A_30 : memref<1x!tpu.dma_semaphore, #tpu.memory_space<semaphore_mem>> -> memref<!tpu.dma_semaphore, #tpu.memory_space<semaphore_mem>>
    %dma_start3A_32 = arith.constant 0 : i32
    %dma_start3A_33 = tpu.memref_slice %arg6[%dma_start3A, %dma_start3A_32] : memref<4x112xi32, #tpu.memory_space<vmem>> -> memref<1x112xi32, #tpu.memory_space<vmem>>
    %dma_start3A_34 = tpu.memref_squeeze %dma_start3A_33 : memref<1x112xi32, #tpu.memory_space<vmem>> -> memref<112xi32, #tpu.memory_space<vmem>>
    %dma_start3A_35 = tpu.memref_slice %arg3[%add3A_24] : memref<322560xi32, #tpu.memory_space<hbm>> -> memref<112xi32, #tpu.memory_space<hbm>>
    tpu.enqueue_dma source(%dma_start3A_35 : memref<112xi32, #tpu.memory_space<hbm>>) target(%dma_start3A_34 : memref<112xi32, #tpu.memory_space<vmem>>) target_semaphore(%dma_start3A_31 : memref<!tpu.dma_semaphore, #tpu.memory_space<semaphore_mem>>)
    %dma_start3A_36 = arith.constant 0 : i32
    %dma_start3A_37 = arith.constant 0 : i32
    %dma_start3A_38 = arith.constant 0 : i32
    %dma_start3A_39 = tpu.memref_slice %arg7[%dma_start3A_36, %dma_start3A_38] : memref<4x112xi32, #tpu.memory_space<vmem>> -> memref<1x112xi32, #tpu.memory_space<vmem>>
    %dma_start3A_40 = tpu.memref_squeeze %dma_start3A_39 : memref<1x112xi32, #tpu.memory_space<vmem>> -> memref<112xi32, #tpu.memory_space<vmem>>
    %dma_start3A_41 = tpu.memref_slice %arg4[%add3A_24] : memref<322560xi32, #tpu.memory_space<hbm>> -> memref<112xi32, #tpu.memory_space<hbm>>
    %dma_start3A_42 = tpu.memref_slice %arg11[%dma_start3A_37] : memref<4x!tpu.dma_semaphore, #tpu.memory_space<semaphore_mem>> -> memref<1x!tpu.dma_semaphore, #tpu.memory_space<semaphore_mem>>
    %dma_start3A_43 = tpu.memref_squeeze %dma_start3A_42 : memref<1x!tpu.dma_semaphore, #tpu.memory_space<semaphore_mem>> -> memref<!tpu.dma_semaphore, #tpu.memory_space<semaphore_mem>>
    %dma_start3A_44 = arith.constant 0 : i32
    %dma_start3A_45 = tpu.memref_slice %arg7[%dma_start3A_36, %dma_start3A_44] : memref<4x112xi32, #tpu.memory_space<vmem>> -> memref<1x112xi32, #tpu.memory_space<vmem>>
    %dma_start3A_46 = tpu.memref_squeeze %dma_start3A_45 : memref<1x112xi32, #tpu.memory_space<vmem>> -> memref<112xi32, #tpu.memory_space<vmem>>
    %dma_start3A_47 = tpu.memref_slice %arg4[%add3A_24] : memref<322560xi32, #tpu.memory_space<hbm>> -> memref<112xi32, #tpu.memory_space<hbm>>
    tpu.enqueue_dma source(%dma_start3A_47 : memref<112xi32, #tpu.memory_space<hbm>>) target(%dma_start3A_46 : memref<112xi32, #tpu.memory_space<vmem>>) target_semaphore(%dma_start3A_43 : memref<!tpu.dma_semaphore, #tpu.memory_space<semaphore_mem>>)
    %add3A_48 = arith.constant 112 : i32
    %add3A_49 = arith.addi %select_n3A_22, %add3A_48 : i32
    %dma_start3A_50 = arith.constant 1 : i32
    %dma_start3A_51 = arith.constant 1 : i32
    %dma_start3A_52 = arith.constant 0 : i32
    %dma_start3A_53 = tpu.memref_slice %arg6[%dma_start3A_50, %dma_start3A_52] : memref<4x112xi32, #tpu.memory_space<vmem>> -> memref<1x112xi32, #tpu.memory_space<vmem>>
    %dma_start3A_54 = tpu.memref_squeeze %dma_start3A_53 : memref<1x112xi32, #tpu.memory_space<vmem>> -> memref<112xi32, #tpu.memory_space<vmem>>
    %dma_start3A_55 = tpu.memref_slice %arg3[%add3A_49] : memref<322560xi32, #tpu.memory_space<hbm>> -> memref<112xi32, #tpu.memory_space<hbm>>
    %dma_start3A_56 = tpu.memref_slice %arg11[%dma_start3A_51] : memref<4x!tpu.dma_semaphore, #tpu.memory_space<semaphore_mem>> -> memref<1x!tpu.dma_semaphore, #tpu.memory_space<semaphore_mem>>
    %dma_start3A_57 = tpu.memref_squeeze %dma_start3A_56 : memref<1x!tpu.dma_semaphore, #tpu.memory_space<semaphore_mem>> -> memref<!tpu.dma_semaphore, #tpu.memory_space<semaphore_mem>>
    %dma_start3A_58 = arith.constant 0 : i32
    %dma_start3A_59 = tpu.memref_slice %arg6[%dma_start3A_50, %dma_start3A_58] : memref<4x112xi32, #tpu.memory_space<vmem>> -> memref<1x112xi32, #tpu.memory_space<vmem>>
    %dma_start3A_60 = tpu.memref_squeeze %dma_start3A_59 : memref<1x112xi32, #tpu.memory_space<vmem>> -> memref<112xi32, #tpu.memory_space<vmem>>
    %dma_start3A_61 = tpu.memref_slice %arg3[%add3A_49] : memref<322560xi32, #tpu.memory_space<hbm>> -> memref<112xi32, #tpu.memory_space<hbm>>
    tpu.enqueue_dma source(%dma_start3A_61 : memref<112xi32, #tpu.memory_space<hbm>>) target(%dma_start3A_60 : memref<112xi32, #tpu.memory_space<vmem>>) target_semaphore(%dma_start3A_57 : memref<!tpu.dma_semaphore, #tpu.memory_space<semaphore_mem>>)
    %dma_start3A_62 = arith.constant 1 : i32
    %dma_start3A_63 = arith.constant 1 : i32
    %dma_start3A_64 = arith.constant 0 : i32
    %dma_start3A_65 = tpu.memref_slice %arg7[%dma_start3A_62, %dma_start3A_64] : memref<4x112xi32, #tpu.memory_space<vmem>> -> memref<1x112xi32, #tpu.memory_space<vmem>>
    %dma_start3A_66 = tpu.memref_squeeze %dma_start3A_65 : memref<1x112xi32, #tpu.memory_space<vmem>> -> memref<112xi32, #tpu.memory_space<vmem>>
    %dma_start3A_67 = tpu.memref_slice %arg4[%add3A_49] : memref<322560xi32, #tpu.memory_space<hbm>> -> memref<112xi32, #tpu.memory_space<hbm>>
    %dma_start3A_68 = tpu.memref_slice %arg11[%dma_start3A_63] : memref<4x!tpu.dma_semaphore, #tpu.memory_space<semaphore_mem>> -> memref<1x!tpu.dma_semaphore, #tpu.memory_space<semaphore_mem>>
    %dma_start3A_69 = tpu.memref_squeeze %dma_start3A_68 : memref<1x!tpu.dma_semaphore, #tpu.memory_space<semaphore_mem>> -> memref<!tpu.dma_semaphore, #tpu.memory_space<semaphore_mem>>
    %dma_start3A_70 = arith.constant 0 : i32
    %dma_start3A_71 = tpu.memref_slice %arg7[%dma_start3A_62, %dma_start3A_70] : memref<4x112xi32, #tpu.memory_space<vmem>> -> memref<1x112xi32, #tpu.memory_space<vmem>>
    %dma_start3A_72 = tpu.memref_squeeze %dma_start3A_71 : memref<1x112xi32, #tpu.memory_space<vmem>> -> memref<112xi32, #tpu.memory_space<vmem>>
    %dma_start3A_73 = tpu.memref_slice %arg4[%add3A_49] : memref<322560xi32, #tpu.memory_space<hbm>> -> memref<112xi32, #tpu.memory_space<hbm>>
    tpu.enqueue_dma source(%dma_start3A_73 : memref<112xi32, #tpu.memory_space<hbm>>) target(%dma_start3A_72 : memref<112xi32, #tpu.memory_space<vmem>>) target_semaphore(%dma_start3A_69 : memref<!tpu.dma_semaphore, #tpu.memory_space<semaphore_mem>>)
    %add3A_74 = arith.constant 224 : i32
    %add3A_75 = arith.addi %select_n3A_22, %add3A_74 : i32
    %dma_start3A_76 = arith.constant 2 : i32
    %dma_start3A_77 = arith.constant 2 : i32
    %dma_start3A_78 = arith.constant 0 : i32
    %dma_start3A_79 = tpu.memref_slice %arg6[%dma_start3A_76, %dma_start3A_78] : memref<4x112xi32, #tpu.memory_space<vmem>> -> memref<1x112xi32, #tpu.memory_space<vmem>>
    %dma_start3A_80 = tpu.memref_squeeze %dma_start3A_79 : memref<1x112xi32, #tpu.memory_space<vmem>> -> memref<112xi32, #tpu.memory_space<vmem>>
    %dma_start3A_81 = tpu.memref_slice %arg3[%add3A_75] : memref<322560xi32, #tpu.memory_space<hbm>> -> memref<112xi32, #tpu.memory_space<hbm>>
    %dma_start3A_82 = tpu.memref_slice %arg11[%dma_start3A_77] : memref<4x!tpu.dma_semaphore, #tpu.memory_space<semaphore_mem>> -> memref<1x!tpu.dma_semaphore, #tpu.memory_space<semaphore_mem>>
    %dma_start3A_83 = tpu.memref_squeeze %dma_start3A_82 : memref<1x!tpu.dma_semaphore, #tpu.memory_space<semaphore_mem>> -> memref<!tpu.dma_semaphore, #tpu.memory_space<semaphore_mem>>
    %dma_start3A_84 = arith.constant 0 : i32
    %dma_start3A_85 = tpu.memref_slice %arg6[%dma_start3A_76, %dma_start3A_84] : memref<4x112xi32, #tpu.memory_space<vmem>> -> memref<1x112xi32, #tpu.memory_space<vmem>>
    %dma_start3A_86 = tpu.memref_squeeze %dma_start3A_85 : memref<1x112xi32, #tpu.memory_space<vmem>> -> memref<112xi32, #tpu.memory_space<vmem>>
    %dma_start3A_87 = tpu.memref_slice %arg3[%add3A_75] : memref<322560xi32, #tpu.memory_space<hbm>> -> memref<112xi32, #tpu.memory_space<hbm>>
    tpu.enqueue_dma source(%dma_start3A_87 : memref<112xi32, #tpu.memory_space<hbm>>) target(%dma_start3A_86 : memref<112xi32, #tpu.memory_space<vmem>>) target_semaphore(%dma_start3A_83 : memref<!tpu.dma_semaphore, #tpu.memory_space<semaphore_mem>>)
    %dma_start3A_88 = arith.constant 2 : i32
    %dma_start3A_89 = arith.constant 2 : i32
    %dma_start3A_90 = arith.constant 0 : i32
    %dma_start3A_91 = tpu.memref_slice %arg7[%dma_start3A_88, %dma_start3A_90] : memref<4x112xi32, #tpu.memory_space<vmem>> -> memref<1x112xi32, #tpu.memory_space<vmem>>
    %dma_start3A_92 = tpu.memref_squeeze %dma_start3A_91 : memref<1x112xi32, #tpu.memory_space<vmem>> -> memref<112xi32, #tpu.memory_space<vmem>>
    %dma_start3A_93 = tpu.memref_slice %arg4[%add3A_75] : memref<322560xi32, #tpu.memory_space<hbm>> -> memref<112xi32, #tpu.memory_space<hbm>>
    %dma_start3A_94 = tpu.memref_slice %arg11[%dma_start3A_89] : memref<4x!tpu.dma_semaphore, #tpu.memory_space<semaphore_mem>> -> memref<1x!tpu.dma_semaphore, #tpu.memory_space<semaphore_mem>>
    %dma_start3A_95 = tpu.memref_squeeze %dma_start3A_94 : memref<1x!tpu.dma_semaphore, #tpu.memory_space<semaphore_mem>> -> memref<!tpu.dma_semaphore, #tpu.memory_space<semaphore_mem>>
    %dma_start3A_96 = arith.constant 0 : i32
    %dma_start3A_97 = tpu.memref_slice %arg7[%dma_start3A_88, %dma_start3A_96] : memref<4x112xi32, #tpu.memory_space<vmem>> -> memref<1x112xi32, #tpu.memory_space<vmem>>
    %dma_start3A_98 = tpu.memref_squeeze %dma_start3A_97 : memref<1x112xi32, #tpu.memory_space<vmem>> -> memref<112xi32, #tpu.memory_space<vmem>>
    %dma_start3A_99 = tpu.memref_slice %arg4[%add3A_75] : memref<322560xi32, #tpu.memory_space<hbm>> -> memref<112xi32, #tpu.memory_space<hbm>>
    tpu.enqueue_dma source(%dma_start3A_99 : memref<112xi32, #tpu.memory_space<hbm>>) target(%dma_start3A_98 : memref<112xi32, #tpu.memory_space<vmem>>) target_semaphore(%dma_start3A_95 : memref<!tpu.dma_semaphore, #tpu.memory_space<semaphore_mem>>)
    %add3A_100 = arith.constant 0 : i32
    %add3A_101 = arith.addi %select_n3A_22, %add3A_100 : i32
    %dma_wait3A = arith.constant 0 : i32
    %dma_wait3A_102 = arith.constant 0 : i32
    %dma_wait3A_103 = arith.constant 0 : i32
    %dma_wait3A_104 = tpu.memref_slice %arg6[%dma_wait3A, %dma_wait3A_103] : memref<4x112xi32, #tpu.memory_space<vmem>> -> memref<1x112xi32, #tpu.memory_space<vmem>>
    %dma_wait3A_105 = tpu.memref_squeeze %dma_wait3A_104 : memref<1x112xi32, #tpu.memory_space<vmem>> -> memref<112xi32, #tpu.memory_space<vmem>>
    %dma_wait3A_106 = tpu.memref_slice %arg3[%add3A_101] : memref<322560xi32, #tpu.memory_space<hbm>> -> memref<112xi32, #tpu.memory_space<hbm>>
    %dma_wait3A_107 = tpu.memref_slice %arg11[%dma_wait3A_102] : memref<4x!tpu.dma_semaphore, #tpu.memory_space<semaphore_mem>> -> memref<1x!tpu.dma_semaphore, #tpu.memory_space<semaphore_mem>>
    %dma_wait3A_108 = tpu.memref_squeeze %dma_wait3A_107 : memref<1x!tpu.dma_semaphore, #tpu.memory_space<semaphore_mem>> -> memref<!tpu.dma_semaphore, #tpu.memory_space<semaphore_mem>>
    %dma_wait3A_109 = arith.constant 0 : i32
    %dma_wait3A_110 = tpu.memref_slice %arg6[%dma_wait3A, %dma_wait3A_109] : memref<4x112xi32, #tpu.memory_space<vmem>> -> memref<1x112xi32, #tpu.memory_space<vmem>>
    %dma_wait3A_111 = tpu.memref_squeeze %dma_wait3A_110 : memref<1x112xi32, #tpu.memory_space<vmem>> -> memref<112xi32, #tpu.memory_space<vmem>>
    %dma_wait3A_112 = tpu.memref_slice %arg3[%add3A_101] : memref<322560xi32, #tpu.memory_space<hbm>> -> memref<112xi32, #tpu.memory_space<hbm>>
    tpu.wait_dma2 semaphore(%dma_wait3A_108 : memref<!tpu.dma_semaphore, #tpu.memory_space<semaphore_mem>>) src(%dma_wait3A_112 : memref<112xi32, #tpu.memory_space<hbm>>) dst(%dma_wait3A_111 : memref<112xi32, #tpu.memory_space<vmem>>)
    %dma_wait3A_113 = arith.constant 0 : i32
    %dma_wait3A_114 = arith.constant 0 : i32
    %dma_wait3A_115 = arith.constant 0 : i32
    %dma_wait3A_116 = tpu.memref_slice %arg7[%dma_wait3A_113, %dma_wait3A_115] : memref<4x112xi32, #tpu.memory_space<vmem>> -> memref<1x112xi32, #tpu.memory_space<vmem>>
    %dma_wait3A_117 = tpu.memref_squeeze %dma_wait3A_116 : memref<1x112xi32, #tpu.memory_space<vmem>> -> memref<112xi32, #tpu.memory_space<vmem>>
    %dma_wait3A_118 = tpu.memref_slice %arg4[%add3A_101] : memref<322560xi32, #tpu.memory_space<hbm>> -> memref<112xi32, #tpu.memory_space<hbm>>
    %dma_wait3A_119 = tpu.memref_slice %arg11[%dma_wait3A_114] : memref<4x!tpu.dma_semaphore, #tpu.memory_space<semaphore_mem>> -> memref<1x!tpu.dma_semaphore, #tpu.memory_space<semaphore_mem>>
    %dma_wait3A_120 = tpu.memref_squeeze %dma_wait3A_119 : memref<1x!tpu.dma_semaphore, #tpu.memory_space<semaphore_mem>> -> memref<!tpu.dma_semaphore, #tpu.memory_space<semaphore_mem>>
    %dma_wait3A_121 = arith.constant 0 : i32
    %dma_wait3A_122 = tpu.memref_slice %arg7[%dma_wait3A_113, %dma_wait3A_121] : memref<4x112xi32, #tpu.memory_space<vmem>> -> memref<1x112xi32, #tpu.memory_space<vmem>>
    %dma_wait3A_123 = tpu.memref_squeeze %dma_wait3A_122 : memref<1x112xi32, #tpu.memory_space<vmem>> -> memref<112xi32, #tpu.memory_space<vmem>>
    %dma_wait3A_124 = tpu.memref_slice %arg4[%add3A_101] : memref<322560xi32, #tpu.memory_space<hbm>> -> memref<112xi32, #tpu.memory_space<hbm>>
    tpu.wait_dma2 semaphore(%dma_wait3A_120 : memref<!tpu.dma_semaphore, #tpu.memory_space<semaphore_mem>>) src(%dma_wait3A_124 : memref<112xi32, #tpu.memory_space<hbm>>) dst(%dma_wait3A_123 : memref<112xi32, #tpu.memory_space<vmem>>)
    %dma_start3A_125 = arith.constant 0 : i32
    %dma_start3A_126 = arith.constant 0 : i32
    %dma_start3A_127 = arith.constant 0 : i32
    %dma_start3A_128 = arith.constant 0 : i32
    %dma_start3A_129 = arith.constant 0 : i32
    %dma_start3A_130 = tpu.memref_slice %arg8[%dma_start3A_126, %dma_start3A_128, %dma_start3A_129] : memref<3x112x128xf32, #tpu.memory_space<vmem>> -> memref<1x112x128xf32, #tpu.memory_space<vmem>>
    %dma_start3A_131 = tpu.memref_squeeze %dma_start3A_130 : memref<1x112x128xf32, #tpu.memory_space<vmem>> -> memref<112x128xf32, #tpu.memory_space<vmem>>
    %dma_start3A_132 = arith.constant 0 : i32
    %dma_start3A_133 = tpu.memref_slice %arg6[%dma_start3A_125, %dma_start3A_132] : memref<4x112xi32, #tpu.memory_space<vmem>> -> memref<1x112xi32, #tpu.memory_space<vmem>>
    %dma_start3A_134 = tpu.memref_squeeze %dma_start3A_133 : memref<1x112xi32, #tpu.memory_space<vmem>> -> memref<112xi32, #tpu.memory_space<vmem>>
    %dma_start3A_135 = arith.constant 0 : i32
    %dma_start3A_136 = arith.constant 0 : i32
    %dma_start3A_137 = tpu.memref_slice %arg2[%dma_start3A_135, %dma_start3A_136] : memref<10000x128xf32, #tpu.memory_space<hbm>> -> memref<10000x128xf32, #tpu.memory_space<hbm>>
    %dma_start3A_138 = tpu.memref_slice %arg12[%dma_start3A_127] : memref<3x!tpu.dma_semaphore, #tpu.memory_space<semaphore_mem>> -> memref<1x!tpu.dma_semaphore, #tpu.memory_space<semaphore_mem>>
    %dma_start3A_139 = tpu.memref_squeeze %dma_start3A_138 : memref<1x!tpu.dma_semaphore, #tpu.memory_space<semaphore_mem>> -> memref<!tpu.dma_semaphore, #tpu.memory_space<semaphore_mem>>
    tpu.enqueue_indirect_dma source(%dma_start3A_137 : memref<10000x128xf32, #tpu.memory_space<hbm>>) target(%dma_start3A_131 : memref<112x128xf32, #tpu.memory_space<vmem>>) offsets(%dma_start3A_134 : memref<112xi32, #tpu.memory_space<vmem>>) semaphore(%dma_start3A_139 : memref<!tpu.dma_semaphore, #tpu.memory_space<semaphore_mem>>)
    %add3A_140 = arith.constant 112 : i32
    %add3A_141 = arith.addi %select_n3A_22, %add3A_140 : i32
    %dma_wait3A_142 = arith.constant 1 : i32
    %dma_wait3A_143 = arith.constant 1 : i32
    %dma_wait3A_144 = arith.constant 0 : i32
    %dma_wait3A_145 = tpu.memref_slice %arg6[%dma_wait3A_142, %dma_wait3A_144] : memref<4x112xi32, #tpu.memory_space<vmem>> -> memref<1x112xi32, #tpu.memory_space<vmem>>
    %dma_wait3A_146 = tpu.memref_squeeze %dma_wait3A_145 : memref<1x112xi32, #tpu.memory_space<vmem>> -> memref<112xi32, #tpu.memory_space<vmem>>
    %dma_wait3A_147 = tpu.memref_slice %arg3[%add3A_141] : memref<322560xi32, #tpu.memory_space<hbm>> -> memref<112xi32, #tpu.memory_space<hbm>>
    %dma_wait3A_148 = tpu.memref_slice %arg11[%dma_wait3A_143] : memref<4x!tpu.dma_semaphore, #tpu.memory_space<semaphore_mem>> -> memref<1x!tpu.dma_semaphore, #tpu.memory_space<semaphore_mem>>
    %dma_wait3A_149 = tpu.memref_squeeze %dma_wait3A_148 : memref<1x!tpu.dma_semaphore, #tpu.memory_space<semaphore_mem>> -> memref<!tpu.dma_semaphore, #tpu.memory_space<semaphore_mem>>
    %dma_wait3A_150 = arith.constant 0 : i32
    %dma_wait3A_151 = tpu.memref_slice %arg6[%dma_wait3A_142, %dma_wait3A_150] : memref<4x112xi32, #tpu.memory_space<vmem>> -> memref<1x112xi32, #tpu.memory_space<vmem>>
    %dma_wait3A_152 = tpu.memref_squeeze %dma_wait3A_151 : memref<1x112xi32, #tpu.memory_space<vmem>> -> memref<112xi32, #tpu.memory_space<vmem>>
    %dma_wait3A_153 = tpu.memref_slice %arg3[%add3A_141] : memref<322560xi32, #tpu.memory_space<hbm>> -> memref<112xi32, #tpu.memory_space<hbm>>
    tpu.wait_dma2 semaphore(%dma_wait3A_149 : memref<!tpu.dma_semaphore, #tpu.memory_space<semaphore_mem>>) src(%dma_wait3A_153 : memref<112xi32, #tpu.memory_space<hbm>>) dst(%dma_wait3A_152 : memref<112xi32, #tpu.memory_space<vmem>>)
    %dma_wait3A_154 = arith.constant 1 : i32
    %dma_wait3A_155 = arith.constant 1 : i32
    %dma_wait3A_156 = arith.constant 0 : i32
    %dma_wait3A_157 = tpu.memref_slice %arg7[%dma_wait3A_154, %dma_wait3A_156] : memref<4x112xi32, #tpu.memory_space<vmem>> -> memref<1x112xi32, #tpu.memory_space<vmem>>
    %dma_wait3A_158 = tpu.memref_squeeze %dma_wait3A_157 : memref<1x112xi32, #tpu.memory_space<vmem>> -> memref<112xi32, #tpu.memory_space<vmem>>
    %dma_wait3A_159 = tpu.memref_slice %arg4[%add3A_141] : memref<322560xi32, #tpu.memory_space<hbm>> -> memref<112xi32, #tpu.memory_space<hbm>>
    %dma_wait3A_160 = tpu.memref_slice %arg11[%dma_wait3A_155] : memref<4x!tpu.dma_semaphore, #tpu.memory_space<semaphore_mem>> -> memref<1x!tpu.dma_semaphore, #tpu.memory_space<semaphore_mem>>
    %dma_wait3A_161 = tpu.memref_squeeze %dma_wait3A_160 : memref<1x!tpu.dma_semaphore, #tpu.memory_space<semaphore_mem>> -> memref<!tpu.dma_semaphore, #tpu.memory_space<semaphore_mem>>
    %dma_wait3A_162 = arith.constant 0 : i32
    %dma_wait3A_163 = tpu.memref_slice %arg7[%dma_wait3A_154, %dma_wait3A_162] : memref<4x112xi32, #tpu.memory_space<vmem>> -> memref<1x112xi32, #tpu.memory_space<vmem>>
    %dma_wait3A_164 = tpu.memref_squeeze %dma_wait3A_163 : memref<1x112xi32, #tpu.memory_space<vmem>> -> memref<112xi32, #tpu.memory_space<vmem>>
    %dma_wait3A_165 = tpu.memref_slice %arg4[%add3A_141] : memref<322560xi32, #tpu.memory_space<hbm>> -> memref<112xi32, #tpu.memory_space<hbm>>
    tpu.wait_dma2 semaphore(%dma_wait3A_161 : memref<!tpu.dma_semaphore, #tpu.memory_space<semaphore_mem>>) src(%dma_wait3A_165 : memref<112xi32, #tpu.memory_space<hbm>>) dst(%dma_wait3A_164 : memref<112xi32, #tpu.memory_space<vmem>>)
    %dma_start3A_166 = arith.constant 1 : i32
    %dma_start3A_167 = arith.constant 1 : i32
    %dma_start3A_168 = arith.constant 1 : i32
    %dma_start3A_169 = arith.constant 0 : i32
    %dma_start3A_170 = arith.constant 0 : i32
    %dma_start3A_171 = tpu.memref_slice %arg8[%dma_start3A_167, %dma_start3A_169, %dma_start3A_170] : memref<3x112x128xf32, #tpu.memory_space<vmem>> -> memref<1x112x128xf32, #tpu.memory_space<vmem>>
    %dma_start3A_172 = tpu.memref_squeeze %dma_start3A_171 : memref<1x112x128xf32, #tpu.memory_space<vmem>> -> memref<112x128xf32, #tpu.memory_space<vmem>>
    %dma_start3A_173 = arith.constant 0 : i32
    %dma_start3A_174 = tpu.memref_slice %arg6[%dma_start3A_166, %dma_start3A_173] : memref<4x112xi32, #tpu.memory_space<vmem>> -> memref<1x112xi32, #tpu.memory_space<vmem>>
    %dma_start3A_175 = tpu.memref_squeeze %dma_start3A_174 : memref<1x112xi32, #tpu.memory_space<vmem>> -> memref<112xi32, #tpu.memory_space<vmem>>
    %dma_start3A_176 = arith.constant 0 : i32
    %dma_start3A_177 = arith.constant 0 : i32
    %dma_start3A_178 = tpu.memref_slice %arg2[%dma_start3A_176, %dma_start3A_177] : memref<10000x128xf32, #tpu.memory_space<hbm>> -> memref<10000x128xf32, #tpu.memory_space<hbm>>
    %dma_start3A_179 = tpu.memref_slice %arg12[%dma_start3A_168] : memref<3x!tpu.dma_semaphore, #tpu.memory_space<semaphore_mem>> -> memref<1x!tpu.dma_semaphore, #tpu.memory_space<semaphore_mem>>
    %dma_start3A_180 = tpu.memref_squeeze %dma_start3A_179 : memref<1x!tpu.dma_semaphore, #tpu.memory_space<semaphore_mem>> -> memref<!tpu.dma_semaphore, #tpu.memory_space<semaphore_mem>>
    tpu.enqueue_indirect_dma source(%dma_start3A_178 : memref<10000x128xf32, #tpu.memory_space<hbm>>) target(%dma_start3A_172 : memref<112x128xf32, #tpu.memory_space<vmem>>) offsets(%dma_start3A_175 : memref<112xi32, #tpu.memory_space<vmem>>) semaphore(%dma_start3A_180 : memref<!tpu.dma_semaphore, #tpu.memory_space<semaphore_mem>>)
    %sub3A = arith.constant 0 : i32
    %sub3A_181 = arith.subi %select_n3A, %sub3A : i32
    %sub3A_182 = arith.constant 1 : i32
    %sub3A_183 = arith.constant 1 : i32
    %sub3A_184 = arith.subi %sub3A_182, %sub3A_183 : i32
    %add3A_185 = arith.addi %sub3A_181, %sub3A_184 : i32
    %div3A = arith.constant 1 : i32
    %div3A_186 = arith.divsi %add3A_185, %div3A : i32
    %while3A = arith.constant 1 : i32
    %while3A_187 = arith.constant 0 : i32
    %while3A_188 = arith.constant 0 : i32
    %while3A_189 = arith.subi %div3A_186, %while3A_188 : i32
    %while3A_190 = arith.addi %while3A_188, %while3A_189 : i32
    %while3A_191 = arith.constant 1 : i32
    %while3A_192 = arith.divsi %while3A_189, %while3A_191 : i32
    %while3A_193 = arith.muli %while3A_192, %while3A_191 : i32
    %while3A_194 = arith.addi %while3A_188, %while3A_193 : i32
    %while3A_195 = arith.constant 1 : i32
    scf.for %while3A_200 = %while3A_188 to %while3A_194 step %while3A_195  : i32 {
      %mul3A_201 = arith.muli %while3A_200, %while3A : i32
      %add3A_202 = arith.addi %while3A_187, %mul3A_201 : i32
      %jit3A_203 = arith.constant 4 : i32
      %eq3A_204 = arith.constant 0 : i32
      %eq3A_205 = arith.cmpi eq, %jit3A_203, %eq3A_204 : i32
      %jit3A_206 = arith.constant 1 : i32
      %select_n3A_207 = arith.select %eq3A_205, %jit3A_206, %jit3A_203 : i32
      %rem3A = arith.remsi %add3A_202, %select_n3A_207 : i32
      %ne3A = arith.constant 0 : i32
      %ne3A_208 = arith.cmpi ne, %rem3A, %ne3A : i32
      %lt3A = arith.constant 0 : i32
      %lt3A_209 = arith.cmpi slt, %rem3A, %lt3A : i32
      %lt3A_210 = arith.constant 0 : i32
      %lt3A_211 = arith.cmpi slt, %select_n3A_207, %lt3A_210 : i32
      %ne3A_212 = arith.xori %lt3A_209, %lt3A_211 : i1
      %and3A = arith.andi %ne3A_212, %ne3A_208 : i1
      %add3A_213 = arith.addi %rem3A, %select_n3A_207 : i32
      %select_n3A_214 = arith.select %and3A, %add3A_213, %rem3A : i32
      %jit3A_215 = arith.constant 3 : i32
      %eq3A_216 = arith.constant 0 : i32
      %eq3A_217 = arith.cmpi eq, %jit3A_215, %eq3A_216 : i32
      %jit3A_218 = arith.constant 1 : i32
      %select_n3A_219 = arith.select %eq3A_217, %jit3A_218, %jit3A_215 : i32
      %rem3A_220 = arith.remsi %add3A_202, %select_n3A_219 : i32
      %ne3A_221 = arith.constant 0 : i32
      %ne3A_222 = arith.cmpi ne, %rem3A_220, %ne3A_221 : i32
      %lt3A_223 = arith.constant 0 : i32
      %lt3A_224 = arith.cmpi slt, %rem3A_220, %lt3A_223 : i32
      %lt3A_225 = arith.constant 0 : i32
      %lt3A_226 = arith.cmpi slt, %select_n3A_219, %lt3A_225 : i32
      %ne3A_227 = arith.xori %lt3A_224, %lt3A_226 : i1
      %and3A_228 = arith.andi %ne3A_227, %ne3A_222 : i1
      %add3A_229 = arith.addi %rem3A_220, %select_n3A_219 : i32
      %select_n3A_230 = arith.select %and3A_228, %add3A_229, %rem3A_220 : i32
      %jit3A_231 = arith.constant 3 : i32
      %eq3A_232 = arith.constant 0 : i32
      %eq3A_233 = arith.cmpi eq, %jit3A_231, %eq3A_232 : i32
      %jit3A_234 = arith.constant 1 : i32
      %select_n3A_235 = arith.select %eq3A_233, %jit3A_234, %jit3A_231 : i32
      %rem3A_236 = arith.remsi %add3A_202, %select_n3A_235 : i32
      %ne3A_237 = arith.constant 0 : i32
      %ne3A_238 = arith.cmpi ne, %rem3A_236, %ne3A_237 : i32
      %lt3A_239 = arith.constant 0 : i32
      %lt3A_240 = arith.cmpi slt, %rem3A_236, %lt3A_239 : i32
      %lt3A_241 = arith.constant 0 : i32
      %lt3A_242 = arith.cmpi slt, %select_n3A_235, %lt3A_241 : i32
      %ne3A_243 = arith.xori %lt3A_240, %lt3A_242 : i1
      %and3A_244 = arith.andi %ne3A_243, %ne3A_238 : i1
      %add3A_245 = arith.addi %rem3A_236, %select_n3A_235 : i32
      %select_n3A_246 = arith.select %and3A_244, %add3A_245, %rem3A_236 : i32
      %dma_wait3A_247 = arith.constant 0 : i32
      %dma_wait3A_248 = arith.constant 0 : i32
      %dma_wait3A_249 = tpu.memref_slice %arg8[%select_n3A_230, %dma_wait3A_247, %dma_wait3A_248] : memref<3x112x128xf32, #tpu.memory_space<vmem>> -> memref<1x112x128xf32, #tpu.memory_space<vmem>>
      %dma_wait3A_250 = tpu.memref_squeeze %dma_wait3A_249 : memref<1x112x128xf32, #tpu.memory_space<vmem>> -> memref<112x128xf32, #tpu.memory_space<vmem>>
      %dma_wait3A_251 = arith.constant 0 : i32
      %dma_wait3A_252 = tpu.memref_slice %arg6[%select_n3A_214, %dma_wait3A_251] : memref<4x112xi32, #tpu.memory_space<vmem>> -> memref<1x112xi32, #tpu.memory_space<vmem>>
      %dma_wait3A_253 = tpu.memref_squeeze %dma_wait3A_252 : memref<1x112xi32, #tpu.memory_space<vmem>> -> memref<112xi32, #tpu.memory_space<vmem>>
      %dma_wait3A_254 = arith.constant 0 : i32
      %dma_wait3A_255 = arith.constant 0 : i32
      %dma_wait3A_256 = tpu.memref_slice %arg2[%dma_wait3A_254, %dma_wait3A_255] : memref<10000x128xf32, #tpu.memory_space<hbm>> -> memref<10000x128xf32, #tpu.memory_space<hbm>>
      %dma_wait3A_257 = tpu.memref_slice %arg12[%select_n3A_246] : memref<3x!tpu.dma_semaphore, #tpu.memory_space<semaphore_mem>> -> memref<1x!tpu.dma_semaphore, #tpu.memory_space<semaphore_mem>>
      %dma_wait3A_258 = tpu.memref_squeeze %dma_wait3A_257 : memref<1x!tpu.dma_semaphore, #tpu.memory_space<semaphore_mem>> -> memref<!tpu.dma_semaphore, #tpu.memory_space<semaphore_mem>>
      tpu.wait_indirect_dma semaphore(%dma_wait3A_258 : memref<!tpu.dma_semaphore, #tpu.memory_space<semaphore_mem>>) src(%dma_wait3A_256 : memref<10000x128xf32, #tpu.memory_space<hbm>>) dst(%dma_wait3A_250 : memref<112x128xf32, #tpu.memory_space<vmem>>)
      %add3A_259 = arith.constant 2 : i32
      %add3A_260 = arith.addi %add3A_202, %add3A_259 : i32
      %lt3A_261 = arith.cmpi slt, %add3A_260, %select_n3A : i32
      %convert_element_type3A = arith.extui %lt3A_261 : i1 to i32
      %cond3A = arith.constant 0 : i32
      %cond3A_262 = arith.cmpi ne, %convert_element_type3A, %cond3A : i32
      scf.if %cond3A_262 {
        %add3A_301 = arith.constant 2 : i32
        %add3A_302 = arith.addi %add3A_202, %add3A_301 : i32
        %jit3A_303 = arith.constant 4 : i32
        %eq3A_304 = arith.constant 0 : i32
        %eq3A_305 = arith.cmpi eq, %jit3A_303, %eq3A_304 : i32
        %jit3A_306 = arith.constant 1 : i32
        %select_n3A_307 = arith.select %eq3A_305, %jit3A_306, %jit3A_303 : i32
        %rem3A_308 = arith.remsi %add3A_302, %select_n3A_307 : i32
        %ne3A_309 = arith.constant 0 : i32
        %ne3A_310 = arith.cmpi ne, %rem3A_308, %ne3A_309 : i32
        %lt3A_311 = arith.constant 0 : i32
        %lt3A_312 = arith.cmpi slt, %rem3A_308, %lt3A_311 : i32
        %lt3A_313 = arith.constant 0 : i32
        %lt3A_314 = arith.cmpi slt, %select_n3A_307, %lt3A_313 : i32
        %ne3A_315 = arith.xori %lt3A_312, %lt3A_314 : i1
        %and3A_316 = arith.andi %ne3A_315, %ne3A_310 : i1
        %add3A_317 = arith.addi %rem3A_308, %select_n3A_307 : i32
        %select_n3A_318 = arith.select %and3A_316, %add3A_317, %rem3A_308 : i32
        %mul3A_319 = arith.constant 112 : i32
        %mul3A_320 = arith.muli %add3A_302, %mul3A_319 : i32
        %add3A_321 = arith.addi %select_n3A_22, %mul3A_320 : i32
        %dma_wait3A_322 = arith.constant 0 : i32
        %dma_wait3A_323 = tpu.memref_slice %arg6[%select_n3A_318, %dma_wait3A_322] : memref<4x112xi32, #tpu.memory_space<vmem>> -> memref<1x112xi32, #tpu.memory_space<vmem>>
        %dma_wait3A_324 = tpu.memref_squeeze %dma_wait3A_323 : memref<1x112xi32, #tpu.memory_space<vmem>> -> memref<112xi32, #tpu.memory_space<vmem>>
        %dma_wait3A_325 = tpu.memref_slice %arg3[%add3A_321] : memref<322560xi32, #tpu.memory_space<hbm>> -> memref<112xi32, #tpu.memory_space<hbm>>
        %dma_wait3A_326 = tpu.memref_slice %arg11[%select_n3A_318] : memref<4x!tpu.dma_semaphore, #tpu.memory_space<semaphore_mem>> -> memref<1x!tpu.dma_semaphore, #tpu.memory_space<semaphore_mem>>
        %dma_wait3A_327 = tpu.memref_squeeze %dma_wait3A_326 : memref<1x!tpu.dma_semaphore, #tpu.memory_space<semaphore_mem>> -> memref<!tpu.dma_semaphore, #tpu.memory_space<semaphore_mem>>
        %dma_wait3A_328 = arith.constant 0 : i32
        %dma_wait3A_329 = tpu.memref_slice %arg6[%select_n3A_318, %dma_wait3A_328] : memref<4x112xi32, #tpu.memory_space<vmem>> -> memref<1x112xi32, #tpu.memory_space<vmem>>
        %dma_wait3A_330 = tpu.memref_squeeze %dma_wait3A_329 : memref<1x112xi32, #tpu.memory_space<vmem>> -> memref<112xi32, #tpu.memory_space<vmem>>
        %dma_wait3A_331 = tpu.memref_slice %arg3[%add3A_321] : memref<322560xi32, #tpu.memory_space<hbm>> -> memref<112xi32, #tpu.memory_space<hbm>>
        tpu.wait_dma2 semaphore(%dma_wait3A_327 : memref<!tpu.dma_semaphore, #tpu.memory_space<semaphore_mem>>) src(%dma_wait3A_331 : memref<112xi32, #tpu.memory_space<hbm>>) dst(%dma_wait3A_330 : memref<112xi32, #tpu.memory_space<vmem>>)
        %dma_wait3A_332 = arith.constant 0 : i32
        %dma_wait3A_333 = tpu.memref_slice %arg7[%select_n3A_318, %dma_wait3A_332] : memref<4x112xi32, #tpu.memory_space<vmem>> -> memref<1x112xi32, #tpu.memory_space<vmem>>
        %dma_wait3A_334 = tpu.memref_squeeze %dma_wait3A_333 : memref<1x112xi32, #tpu.memory_space<vmem>> -> memref<112xi32, #tpu.memory_space<vmem>>
        %dma_wait3A_335 = tpu.memref_slice %arg4[%add3A_321] : memref<322560xi32, #tpu.memory_space<hbm>> -> memref<112xi32, #tpu.memory_space<hbm>>
        %dma_wait3A_336 = tpu.memref_slice %arg11[%select_n3A_318] : memref<4x!tpu.dma_semaphore, #tpu.memory_space<semaphore_mem>> -> memref<1x!tpu.dma_semaphore, #tpu.memory_space<semaphore_mem>>
        %dma_wait3A_337 = tpu.memref_squeeze %dma_wait3A_336 : memref<1x!tpu.dma_semaphore, #tpu.memory_space<semaphore_mem>> -> memref<!tpu.dma_semaphore, #tpu.memory_space<semaphore_mem>>
        %dma_wait3A_338 = arith.constant 0 : i32
        %dma_wait3A_339 = tpu.memref_slice %arg7[%select_n3A_318, %dma_wait3A_338] : memref<4x112xi32, #tpu.memory_space<vmem>> -> memref<1x112xi32, #tpu.memory_space<vmem>>
        %dma_wait3A_340 = tpu.memref_squeeze %dma_wait3A_339 : memref<1x112xi32, #tpu.memory_space<vmem>> -> memref<112xi32, #tpu.memory_space<vmem>>
        %dma_wait3A_341 = tpu.memref_slice %arg4[%add3A_321] : memref<322560xi32, #tpu.memory_space<hbm>> -> memref<112xi32, #tpu.memory_space<hbm>>
        tpu.wait_dma2 semaphore(%dma_wait3A_337 : memref<!tpu.dma_semaphore, #tpu.memory_space<semaphore_mem>>) src(%dma_wait3A_341 : memref<112xi32, #tpu.memory_space<hbm>>) dst(%dma_wait3A_340 : memref<112xi32, #tpu.memory_space<vmem>>)
        %add3A_342 = arith.constant 2 : i32
        %add3A_343 = arith.addi %add3A_202, %add3A_342 : i32
        %jit3A_344 = arith.constant 4 : i32
        %eq3A_345 = arith.constant 0 : i32
        %eq3A_346 = arith.cmpi eq, %jit3A_344, %eq3A_345 : i32
        %jit3A_347 = arith.constant 1 : i32
        %select_n3A_348 = arith.select %eq3A_346, %jit3A_347, %jit3A_344 : i32
        %rem3A_349 = arith.remsi %add3A_343, %select_n3A_348 : i32
        %ne3A_350 = arith.constant 0 : i32
        %ne3A_351 = arith.cmpi ne, %rem3A_349, %ne3A_350 : i32
        %lt3A_352 = arith.constant 0 : i32
        %lt3A_353 = arith.cmpi slt, %rem3A_349, %lt3A_352 : i32
        %lt3A_354 = arith.constant 0 : i32
        %lt3A_355 = arith.cmpi slt, %select_n3A_348, %lt3A_354 : i32
        %ne3A_356 = arith.xori %lt3A_353, %lt3A_355 : i1
        %and3A_357 = arith.andi %ne3A_356, %ne3A_351 : i1
        %add3A_358 = arith.addi %rem3A_349, %select_n3A_348 : i32
        %select_n3A_359 = arith.select %and3A_357, %add3A_358, %rem3A_349 : i32
        %jit3A_360 = arith.constant 3 : i32
        %eq3A_361 = arith.constant 0 : i32
        %eq3A_362 = arith.cmpi eq, %jit3A_360, %eq3A_361 : i32
        %jit3A_363 = arith.constant 1 : i32
        %select_n3A_364 = arith.select %eq3A_362, %jit3A_363, %jit3A_360 : i32
        %rem3A_365 = arith.remsi %add3A_343, %select_n3A_364 : i32
        %ne3A_366 = arith.constant 0 : i32
        %ne3A_367 = arith.cmpi ne, %rem3A_365, %ne3A_366 : i32
        %lt3A_368 = arith.constant 0 : i32
        %lt3A_369 = arith.cmpi slt, %rem3A_365, %lt3A_368 : i32
        %lt3A_370 = arith.constant 0 : i32
        %lt3A_371 = arith.cmpi slt, %select_n3A_364, %lt3A_370 : i32
        %ne3A_372 = arith.xori %lt3A_369, %lt3A_371 : i1
        %and3A_373 = arith.andi %ne3A_372, %ne3A_367 : i1
        %add3A_374 = arith.addi %rem3A_365, %select_n3A_364 : i32
        %select_n3A_375 = arith.select %and3A_373, %add3A_374, %rem3A_365 : i32
        %jit3A_376 = arith.constant 3 : i32
        %eq3A_377 = arith.constant 0 : i32
        %eq3A_378 = arith.cmpi eq, %jit3A_376, %eq3A_377 : i32
        %jit3A_379 = arith.constant 1 : i32
        %select_n3A_380 = arith.select %eq3A_378, %jit3A_379, %jit3A_376 : i32
        %rem3A_381 = arith.remsi %add3A_343, %select_n3A_380 : i32
        %ne3A_382 = arith.constant 0 : i32
        %ne3A_383 = arith.cmpi ne, %rem3A_381, %ne3A_382 : i32
        %lt3A_384 = arith.constant 0 : i32
        %lt3A_385 = arith.cmpi slt, %rem3A_381, %lt3A_384 : i32
        %lt3A_386 = arith.constant 0 : i32
        %lt3A_387 = arith.cmpi slt, %select_n3A_380, %lt3A_386 : i32
        %ne3A_388 = arith.xori %lt3A_385, %lt3A_387 : i1
        %and3A_389 = arith.andi %ne3A_388, %ne3A_383 : i1
        %add3A_390 = arith.addi %rem3A_381, %select_n3A_380 : i32
        %select_n3A_391 = arith.select %and3A_389, %add3A_390, %rem3A_381 : i32
        %dma_start3A_392 = arith.constant 0 : i32
        %dma_start3A_393 = arith.constant 0 : i32
        %dma_start3A_394 = tpu.memref_slice %arg8[%select_n3A_375, %dma_start3A_392, %dma_start3A_393] : memref<3x112x128xf32, #tpu.memory_space<vmem>> -> memref<1x112x128xf32, #tpu.memory_space<vmem>>
        %dma_start3A_395 = tpu.memref_squeeze %dma_start3A_394 : memref<1x112x128xf32, #tpu.memory_space<vmem>> -> memref<112x128xf32, #tpu.memory_space<vmem>>
        %dma_start3A_396 = arith.constant 0 : i32
        %dma_start3A_397 = tpu.memref_slice %arg6[%select_n3A_359, %dma_start3A_396] : memref<4x112xi32, #tpu.memory_space<vmem>> -> memref<1x112xi32, #tpu.memory_space<vmem>>
        %dma_start3A_398 = tpu.memref_squeeze %dma_start3A_397 : memref<1x112xi32, #tpu.memory_space<vmem>> -> memref<112xi32, #tpu.memory_space<vmem>>
        %dma_start3A_399 = arith.constant 0 : i32
        %dma_start3A_400 = arith.constant 0 : i32
        %dma_start3A_401 = tpu.memref_slice %arg2[%dma_start3A_399, %dma_start3A_400] : memref<10000x128xf32, #tpu.memory_space<hbm>> -> memref<10000x128xf32, #tpu.memory_space<hbm>>
        %dma_start3A_402 = tpu.memref_slice %arg12[%select_n3A_391] : memref<3x!tpu.dma_semaphore, #tpu.memory_space<semaphore_mem>> -> memref<1x!tpu.dma_semaphore, #tpu.memory_space<semaphore_mem>>
        %dma_start3A_403 = tpu.memref_squeeze %dma_start3A_402 : memref<1x!tpu.dma_semaphore, #tpu.memory_space<semaphore_mem>> -> memref<!tpu.dma_semaphore, #tpu.memory_space<semaphore_mem>>
        tpu.enqueue_indirect_dma source(%dma_start3A_401 : memref<10000x128xf32, #tpu.memory_space<hbm>>) target(%dma_start3A_395 : memref<112x128xf32, #tpu.memory_space<vmem>>) offsets(%dma_start3A_398 : memref<112xi32, #tpu.memory_space<vmem>>) semaphore(%dma_start3A_403 : memref<!tpu.dma_semaphore, #tpu.memory_space<semaphore_mem>>)
      } else {
      }
      %jit3A_263 = arith.constant 3 : i32
      %eq3A_264 = arith.constant 0 : i32
      %eq3A_265 = arith.cmpi eq, %jit3A_263, %eq3A_264 : i32
      %jit3A_266 = arith.constant 1 : i32
      %select_n3A_267 = arith.select %eq3A_265, %jit3A_266, %jit3A_263 : i32
      %rem3A_268 = arith.remsi %add3A_202, %select_n3A_267 : i32
      %ne3A_269 = arith.constant 0 : i32
      %ne3A_270 = arith.cmpi ne, %rem3A_268, %ne3A_269 : i32
      %lt3A_271 = arith.constant 0 : i32
      %lt3A_272 = arith.cmpi slt, %rem3A_268, %lt3A_271 : i32
      %lt3A_273 = arith.constant 0 : i32
      %lt3A_274 = arith.cmpi slt, %select_n3A_267, %lt3A_273 : i32
      %ne3A_275 = arith.xori %lt3A_272, %lt3A_274 : i1
      %and3A_276 = arith.andi %ne3A_275, %ne3A_270 : i1
      %add3A_277 = arith.addi %rem3A_268, %select_n3A_267 : i32
      %select_n3A_278 = arith.select %and3A_276, %add3A_277, %rem3A_268 : i32
      %jit3A_279 = arith.constant 4 : i32
      %eq3A_280 = arith.constant 0 : i32
      %eq3A_281 = arith.cmpi eq, %jit3A_279, %eq3A_280 : i32
      %jit3A_282 = arith.constant 1 : i32
      %select_n3A_283 = arith.select %eq3A_281, %jit3A_282, %jit3A_279 : i32
      %rem3A_284 = arith.remsi %add3A_202, %select_n3A_283 : i32
      %ne3A_285 = arith.constant 0 : i32
      %ne3A_286 = arith.cmpi ne, %rem3A_284, %ne3A_285 : i32
      %lt3A_287 = arith.constant 0 : i32
      %lt3A_288 = arith.cmpi slt, %rem3A_284, %lt3A_287 : i32
      %lt3A_289 = arith.constant 0 : i32
      %lt3A_290 = arith.cmpi slt, %select_n3A_283, %lt3A_289 : i32
      %ne3A_291 = arith.xori %lt3A_288, %lt3A_290 : i1
      %and3A_292 = arith.andi %ne3A_291, %ne3A_286 : i1
      %add3A_293 = arith.addi %rem3A_284, %select_n3A_283 : i32
      %select_n3A_294 = arith.select %and3A_292, %add3A_293, %rem3A_284 : i32
      "tpu.region"() ({
        %run_scoped3A = tpu.sem_alloc : memref<!tpu.dma_semaphore, #tpu.memory_space<semaphore_mem>>
        %dma_start3A_301 = arith.constant 0 : i32
        %dma_start3A_302 = arith.constant 0 : i32
        %dma_start3A_303 = tpu.memref_slice %arg8[%select_n3A_278, %dma_start3A_301, %dma_start3A_302] : memref<3x112x128xf32, #tpu.memory_space<vmem>> -> memref<1x112x128xf32, #tpu.memory_space<vmem>>
        %dma_start3A_304 = tpu.memref_squeeze %dma_start3A_303 : memref<1x112x128xf32, #tpu.memory_space<vmem>> -> memref<112x128xf32, #tpu.memory_space<vmem>>
        %dma_start3A_305 = arith.constant 0 : i32
        %dma_start3A_306 = tpu.memref_slice %arg7[%select_n3A_294, %dma_start3A_305] : memref<4x112xi32, #tpu.memory_space<vmem>> -> memref<1x112xi32, #tpu.memory_space<vmem>>
        %dma_start3A_307 = tpu.memref_squeeze %dma_start3A_306 : memref<1x112xi32, #tpu.memory_space<vmem>> -> memref<112xi32, #tpu.memory_space<vmem>>
        %dma_start3A_308 = arith.constant 0 : i32
        %dma_start3A_309 = arith.constant 0 : i32
        %dma_start3A_310 = tpu.memref_slice %arg10[%dma_start3A_308, %dma_start3A_309] : memref<10112x128xf32, #tpu.memory_space<vmem_shared>> -> memref<10112x128xf32, #tpu.memory_space<vmem_shared>>
        tpu.enqueue_indirect_dma source(%dma_start3A_304 : memref<112x128xf32, #tpu.memory_space<vmem>>) target(%dma_start3A_310 : memref<10112x128xf32, #tpu.memory_space<vmem_shared>>) offsets(%dma_start3A_307 : memref<112xi32, #tpu.memory_space<vmem>>) semaphore(%run_scoped3A : memref<!tpu.dma_semaphore, #tpu.memory_space<semaphore_mem>>) {add = true}
        %dma_wait3A_311 = arith.constant 0 : i32
        %dma_wait3A_312 = arith.constant 0 : i32
        %dma_wait3A_313 = tpu.memref_slice %arg8[%select_n3A_278, %dma_wait3A_311, %dma_wait3A_312] : memref<3x112x128xf32, #tpu.memory_space<vmem>> -> memref<1x112x128xf32, #tpu.memory_space<vmem>>
        %dma_wait3A_314 = tpu.memref_squeeze %dma_wait3A_313 : memref<1x112x128xf32, #tpu.memory_space<vmem>> -> memref<112x128xf32, #tpu.memory_space<vmem>>
        %dma_wait3A_315 = arith.constant 0 : i32
        %dma_wait3A_316 = tpu.memref_slice %arg7[%select_n3A_294, %dma_wait3A_315] : memref<4x112xi32, #tpu.memory_space<vmem>> -> memref<1x112xi32, #tpu.memory_space<vmem>>
        %dma_wait3A_317 = tpu.memref_squeeze %dma_wait3A_316 : memref<1x112xi32, #tpu.memory_space<vmem>> -> memref<112xi32, #tpu.memory_space<vmem>>
        %dma_wait3A_318 = arith.constant 0 : i32
        %dma_wait3A_319 = arith.constant 0 : i32
        %dma_wait3A_320 = tpu.memref_slice %arg10[%dma_wait3A_318, %dma_wait3A_319] : memref<10112x128xf32, #tpu.memory_space<vmem_shared>> -> memref<10112x128xf32, #tpu.memory_space<vmem_shared>>
        tpu.wait_indirect_dma semaphore(%run_scoped3A : memref<!tpu.dma_semaphore, #tpu.memory_space<semaphore_mem>>) src(%dma_wait3A_314 : memref<112x128xf32, #tpu.memory_space<vmem>>) dst(%dma_wait3A_320 : memref<10112x128xf32, #tpu.memory_space<vmem_shared>>)
        tpu.yield
      }) : () -> ()
      %add3A_295 = arith.constant 3 : i32
      %add3A_296 = arith.addi %add3A_202, %add3A_295 : i32
      %lt3A_297 = arith.cmpi slt, %add3A_296, %select_n3A : i32
      %convert_element_type3A_298 = arith.extui %lt3A_297 : i1 to i32
      %cond3A_299 = arith.constant 0 : i32
      %cond3A_300 = arith.cmpi ne, %convert_element_type3A_298, %cond3A_299 : i32
      scf.if %cond3A_300 {
        %add3A_301 = arith.constant 3 : i32
        %add3A_302 = arith.addi %add3A_202, %add3A_301 : i32
        %jit3A_303 = arith.constant 4 : i32
        %eq3A_304 = arith.constant 0 : i32
        %eq3A_305 = arith.cmpi eq, %jit3A_303, %eq3A_304 : i32
        %jit3A_306 = arith.constant 1 : i32
        %select_n3A_307 = arith.select %eq3A_305, %jit3A_306, %jit3A_303 : i32
        %rem3A_308 = arith.remsi %add3A_302, %select_n3A_307 : i32
        %ne3A_309 = arith.constant 0 : i32
        %ne3A_310 = arith.cmpi ne, %rem3A_308, %ne3A_309 : i32
        %lt3A_311 = arith.constant 0 : i32
        %lt3A_312 = arith.cmpi slt, %rem3A_308, %lt3A_311 : i32
        %lt3A_313 = arith.constant 0 : i32
        %lt3A_314 = arith.cmpi slt, %select_n3A_307, %lt3A_313 : i32
        %ne3A_315 = arith.xori %lt3A_312, %lt3A_314 : i1
        %and3A_316 = arith.andi %ne3A_315, %ne3A_310 : i1
        %add3A_317 = arith.addi %rem3A_308, %select_n3A_307 : i32
        %select_n3A_318 = arith.select %and3A_316, %add3A_317, %rem3A_308 : i32
        %mul3A_319 = arith.constant 112 : i32
        %mul3A_320 = arith.muli %add3A_302, %mul3A_319 : i32
        %add3A_321 = arith.addi %select_n3A_22, %mul3A_320 : i32
        %dma_start3A_322 = arith.constant 0 : i32
        %dma_start3A_323 = tpu.memref_slice %arg6[%select_n3A_318, %dma_start3A_322] : memref<4x112xi32, #tpu.memory_space<vmem>> -> memref<1x112xi32, #tpu.memory_space<vmem>>
        %dma_start3A_324 = tpu.memref_squeeze %dma_start3A_323 : memref<1x112xi32, #tpu.memory_space<vmem>> -> memref<112xi32, #tpu.memory_space<vmem>>
        %dma_start3A_325 = tpu.memref_slice %arg3[%add3A_321] : memref<322560xi32, #tpu.memory_space<hbm>> -> memref<112xi32, #tpu.memory_space<hbm>>
        %dma_start3A_326 = tpu.memref_slice %arg11[%select_n3A_318] : memref<4x!tpu.dma_semaphore, #tpu.memory_space<semaphore_mem>> -> memref<1x!tpu.dma_semaphore, #tpu.memory_space<semaphore_mem>>
        %dma_start3A_327 = tpu.memref_squeeze %dma_start3A_326 : memref<1x!tpu.dma_semaphore, #tpu.memory_space<semaphore_mem>> -> memref<!tpu.dma_semaphore, #tpu.memory_space<semaphore_mem>>
        %dma_start3A_328 = arith.constant 0 : i32
        %dma_start3A_329 = tpu.memref_slice %arg6[%select_n3A_318, %dma_start3A_328] : memref<4x112xi32, #tpu.memory_space<vmem>> -> memref<1x112xi32, #tpu.memory_space<vmem>>
        %dma_start3A_330 = tpu.memref_squeeze %dma_start3A_329 : memref<1x112xi32, #tpu.memory_space<vmem>> -> memref<112xi32, #tpu.memory_space<vmem>>
        %dma_start3A_331 = tpu.memref_slice %arg3[%add3A_321] : memref<322560xi32, #tpu.memory_space<hbm>> -> memref<112xi32, #tpu.memory_space<hbm>>
        tpu.enqueue_dma source(%dma_start3A_331 : memref<112xi32, #tpu.memory_space<hbm>>) target(%dma_start3A_330 : memref<112xi32, #tpu.memory_space<vmem>>) target_semaphore(%dma_start3A_327 : memref<!tpu.dma_semaphore, #tpu.memory_space<semaphore_mem>>)
        %dma_start3A_332 = arith.constant 0 : i32
        %dma_start3A_333 = tpu.memref_slice %arg7[%select_n3A_318, %dma_start3A_332] : memref<4x112xi32, #tpu.memory_space<vmem>> -> memref<1x112xi32, #tpu.memory_space<vmem>>
        %dma_start3A_334 = tpu.memref_squeeze %dma_start3A_333 : memref<1x112xi32, #tpu.memory_space<vmem>> -> memref<112xi32, #tpu.memory_space<vmem>>
        %dma_start3A_335 = tpu.memref_slice %arg4[%add3A_321] : memref<322560xi32, #tpu.memory_space<hbm>> -> memref<112xi32, #tpu.memory_space<hbm>>
        %dma_start3A_336 = tpu.memref_slice %arg11[%select_n3A_318] : memref<4x!tpu.dma_semaphore, #tpu.memory_space<semaphore_mem>> -> memref<1x!tpu.dma_semaphore, #tpu.memory_space<semaphore_mem>>
        %dma_start3A_337 = tpu.memref_squeeze %dma_start3A_336 : memref<1x!tpu.dma_semaphore, #tpu.memory_space<semaphore_mem>> -> memref<!tpu.dma_semaphore, #tpu.memory_space<semaphore_mem>>
        %dma_start3A_338 = arith.constant 0 : i32
        %dma_start3A_339 = tpu.memref_slice %arg7[%select_n3A_318, %dma_start3A_338] : memref<4x112xi32, #tpu.memory_space<vmem>> -> memref<1x112xi32, #tpu.memory_space<vmem>>
        %dma_start3A_340 = tpu.memref_squeeze %dma_start3A_339 : memref<1x112xi32, #tpu.memory_space<vmem>> -> memref<112xi32, #tpu.memory_space<vmem>>
        %dma_start3A_341 = tpu.memref_slice %arg4[%add3A_321] : memref<322560xi32, #tpu.memory_space<hbm>> -> memref<112xi32, #tpu.memory_space<hbm>>
        tpu.enqueue_dma source(%dma_start3A_341 : memref<112xi32, #tpu.memory_space<hbm>>) target(%dma_start3A_340 : memref<112xi32, #tpu.memory_space<vmem>>) target_semaphore(%dma_start3A_337 : memref<!tpu.dma_semaphore, #tpu.memory_space<semaphore_mem>>)
      } else {
      }
    }
    %while3A_196 = arith.constant 1 : i32
    scf.for %while3A_200 = %while3A_194 to %while3A_190 step %while3A_196  : i32 {
      %mul3A_201 = arith.muli %while3A_200, %while3A : i32
      %add3A_202 = arith.addi %while3A_187, %mul3A_201 : i32
      %jit3A_203 = arith.constant 4 : i32
      %eq3A_204 = arith.constant 0 : i32
      %eq3A_205 = arith.cmpi eq, %jit3A_203, %eq3A_204 : i32
      %jit3A_206 = arith.constant 1 : i32
      %select_n3A_207 = arith.select %eq3A_205, %jit3A_206, %jit3A_203 : i32
      %rem3A = arith.remsi %add3A_202, %select_n3A_207 : i32
      %ne3A = arith.constant 0 : i32
      %ne3A_208 = arith.cmpi ne, %rem3A, %ne3A : i32
      %lt3A = arith.constant 0 : i32
      %lt3A_209 = arith.cmpi slt, %rem3A, %lt3A : i32
      %lt3A_210 = arith.constant 0 : i32
      %lt3A_211 = arith.cmpi slt, %select_n3A_207, %lt3A_210 : i32
      %ne3A_212 = arith.xori %lt3A_209, %lt3A_211 : i1
      %and3A = arith.andi %ne3A_212, %ne3A_208 : i1
      %add3A_213 = arith.addi %rem3A, %select_n3A_207 : i32
      %select_n3A_214 = arith.select %and3A, %add3A_213, %rem3A : i32
      %jit3A_215 = arith.constant 3 : i32
      %eq3A_216 = arith.constant 0 : i32
      %eq3A_217 = arith.cmpi eq, %jit3A_215, %eq3A_216 : i32
      %jit3A_218 = arith.constant 1 : i32
      %select_n3A_219 = arith.select %eq3A_217, %jit3A_218, %jit3A_215 : i32
      %rem3A_220 = arith.remsi %add3A_202, %select_n3A_219 : i32
      %ne3A_221 = arith.constant 0 : i32
      %ne3A_222 = arith.cmpi ne, %rem3A_220, %ne3A_221 : i32
      %lt3A_223 = arith.constant 0 : i32
      %lt3A_224 = arith.cmpi slt, %rem3A_220, %lt3A_223 : i32
      %lt3A_225 = arith.constant 0 : i32
      %lt3A_226 = arith.cmpi slt, %select_n3A_219, %lt3A_225 : i32
      %ne3A_227 = arith.xori %lt3A_224, %lt3A_226 : i1
      %and3A_228 = arith.andi %ne3A_227, %ne3A_222 : i1
      %add3A_229 = arith.addi %rem3A_220, %select_n3A_219 : i32
      %select_n3A_230 = arith.select %and3A_228, %add3A_229, %rem3A_220 : i32
      %jit3A_231 = arith.constant 3 : i32
      %eq3A_232 = arith.constant 0 : i32
      %eq3A_233 = arith.cmpi eq, %jit3A_231, %eq3A_232 : i32
      %jit3A_234 = arith.constant 1 : i32
      %select_n3A_235 = arith.select %eq3A_233, %jit3A_234, %jit3A_231 : i32
      %rem3A_236 = arith.remsi %add3A_202, %select_n3A_235 : i32
      %ne3A_237 = arith.constant 0 : i32
      %ne3A_238 = arith.cmpi ne, %rem3A_236, %ne3A_237 : i32
      %lt3A_239 = arith.constant 0 : i32
      %lt3A_240 = arith.cmpi slt, %rem3A_236, %lt3A_239 : i32
      %lt3A_241 = arith.constant 0 : i32
      %lt3A_242 = arith.cmpi slt, %select_n3A_235, %lt3A_241 : i32
      %ne3A_243 = arith.xori %lt3A_240, %lt3A_242 : i1
      %and3A_244 = arith.andi %ne3A_243, %ne3A_238 : i1
      %add3A_245 = arith.addi %rem3A_236, %select_n3A_235 : i32
      %select_n3A_246 = arith.select %and3A_244, %add3A_245, %rem3A_236 : i32
      %dma_wait3A_247 = arith.constant 0 : i32
      %dma_wait3A_248 = arith.constant 0 : i32
      %dma_wait3A_249 = tpu.memref_slice %arg8[%select_n3A_230, %dma_wait3A_247, %dma_wait3A_248] : memref<3x112x128xf32, #tpu.memory_space<vmem>> -> memref<1x112x128xf32, #tpu.memory_space<vmem>>
      %dma_wait3A_250 = tpu.memref_squeeze %dma_wait3A_249 : memref<1x112x128xf32, #tpu.memory_space<vmem>> -> memref<112x128xf32, #tpu.memory_space<vmem>>
      %dma_wait3A_251 = arith.constant 0 : i32
      %dma_wait3A_252 = tpu.memref_slice %arg6[%select_n3A_214, %dma_wait3A_251] : memref<4x112xi32, #tpu.memory_space<vmem>> -> memref<1x112xi32, #tpu.memory_space<vmem>>
      %dma_wait3A_253 = tpu.memref_squeeze %dma_wait3A_252 : memref<1x112xi32, #tpu.memory_space<vmem>> -> memref<112xi32, #tpu.memory_space<vmem>>
      %dma_wait3A_254 = arith.constant 0 : i32
      %dma_wait3A_255 = arith.constant 0 : i32
      %dma_wait3A_256 = tpu.memref_slice %arg2[%dma_wait3A_254, %dma_wait3A_255] : memref<10000x128xf32, #tpu.memory_space<hbm>> -> memref<10000x128xf32, #tpu.memory_space<hbm>>
      %dma_wait3A_257 = tpu.memref_slice %arg12[%select_n3A_246] : memref<3x!tpu.dma_semaphore, #tpu.memory_space<semaphore_mem>> -> memref<1x!tpu.dma_semaphore, #tpu.memory_space<semaphore_mem>>
      %dma_wait3A_258 = tpu.memref_squeeze %dma_wait3A_257 : memref<1x!tpu.dma_semaphore, #tpu.memory_space<semaphore_mem>> -> memref<!tpu.dma_semaphore, #tpu.memory_space<semaphore_mem>>
      tpu.wait_indirect_dma semaphore(%dma_wait3A_258 : memref<!tpu.dma_semaphore, #tpu.memory_space<semaphore_mem>>) src(%dma_wait3A_256 : memref<10000x128xf32, #tpu.memory_space<hbm>>) dst(%dma_wait3A_250 : memref<112x128xf32, #tpu.memory_space<vmem>>)
      %add3A_259 = arith.constant 2 : i32
      %add3A_260 = arith.addi %add3A_202, %add3A_259 : i32
      %lt3A_261 = arith.cmpi slt, %add3A_260, %select_n3A : i32
      %convert_element_type3A = arith.extui %lt3A_261 : i1 to i32
      %cond3A = arith.constant 0 : i32
      %cond3A_262 = arith.cmpi ne, %convert_element_type3A, %cond3A : i32
      scf.if %cond3A_262 {
        %add3A_301 = arith.constant 2 : i32
        %add3A_302 = arith.addi %add3A_202, %add3A_301 : i32
        %jit3A_303 = arith.constant 4 : i32
        %eq3A_304 = arith.constant 0 : i32
        %eq3A_305 = arith.cmpi eq, %jit3A_303, %eq3A_304 : i32
        %jit3A_306 = arith.constant 1 : i32
        %select_n3A_307 = arith.select %eq3A_305, %jit3A_306, %jit3A_303 : i32
        %rem3A_308 = arith.remsi %add3A_302, %select_n3A_307 : i32
        %ne3A_309 = arith.constant 0 : i32
        %ne3A_310 = arith.cmpi ne, %rem3A_308, %ne3A_309 : i32
        %lt3A_311 = arith.constant 0 : i32
        %lt3A_312 = arith.cmpi slt, %rem3A_308, %lt3A_311 : i32
        %lt3A_313 = arith.constant 0 : i32
        %lt3A_314 = arith.cmpi slt, %select_n3A_307, %lt3A_313 : i32
        %ne3A_315 = arith.xori %lt3A_312, %lt3A_314 : i1
        %and3A_316 = arith.andi %ne3A_315, %ne3A_310 : i1
        %add3A_317 = arith.addi %rem3A_308, %select_n3A_307 : i32
        %select_n3A_318 = arith.select %and3A_316, %add3A_317, %rem3A_308 : i32
        %mul3A_319 = arith.constant 112 : i32
        %mul3A_320 = arith.muli %add3A_302, %mul3A_319 : i32
        %add3A_321 = arith.addi %select_n3A_22, %mul3A_320 : i32
        %dma_wait3A_322 = arith.constant 0 : i32
        %dma_wait3A_323 = tpu.memref_slice %arg6[%select_n3A_318, %dma_wait3A_322] : memref<4x112xi32, #tpu.memory_space<vmem>> -> memref<1x112xi32, #tpu.memory_space<vmem>>
        %dma_wait3A_324 = tpu.memref_squeeze %dma_wait3A_323 : memref<1x112xi32, #tpu.memory_space<vmem>> -> memref<112xi32, #tpu.memory_space<vmem>>
        %dma_wait3A_325 = tpu.memref_slice %arg3[%add3A_321] : memref<322560xi32, #tpu.memory_space<hbm>> -> memref<112xi32, #tpu.memory_space<hbm>>
        %dma_wait3A_326 = tpu.memref_slice %arg11[%select_n3A_318] : memref<4x!tpu.dma_semaphore, #tpu.memory_space<semaphore_mem>> -> memref<1x!tpu.dma_semaphore, #tpu.memory_space<semaphore_mem>>
        %dma_wait3A_327 = tpu.memref_squeeze %dma_wait3A_326 : memref<1x!tpu.dma_semaphore, #tpu.memory_space<semaphore_mem>> -> memref<!tpu.dma_semaphore, #tpu.memory_space<semaphore_mem>>
        %dma_wait3A_328 = arith.constant 0 : i32
        %dma_wait3A_329 = tpu.memref_slice %arg6[%select_n3A_318, %dma_wait3A_328] : memref<4x112xi32, #tpu.memory_space<vmem>> -> memref<1x112xi32, #tpu.memory_space<vmem>>
        %dma_wait3A_330 = tpu.memref_squeeze %dma_wait3A_329 : memref<1x112xi32, #tpu.memory_space<vmem>> -> memref<112xi32, #tpu.memory_space<vmem>>
        %dma_wait3A_331 = tpu.memref_slice %arg3[%add3A_321] : memref<322560xi32, #tpu.memory_space<hbm>> -> memref<112xi32, #tpu.memory_space<hbm>>
        tpu.wait_dma2 semaphore(%dma_wait3A_327 : memref<!tpu.dma_semaphore, #tpu.memory_space<semaphore_mem>>) src(%dma_wait3A_331 : memref<112xi32, #tpu.memory_space<hbm>>) dst(%dma_wait3A_330 : memref<112xi32, #tpu.memory_space<vmem>>)
        %dma_wait3A_332 = arith.constant 0 : i32
        %dma_wait3A_333 = tpu.memref_slice %arg7[%select_n3A_318, %dma_wait3A_332] : memref<4x112xi32, #tpu.memory_space<vmem>> -> memref<1x112xi32, #tpu.memory_space<vmem>>
        %dma_wait3A_334 = tpu.memref_squeeze %dma_wait3A_333 : memref<1x112xi32, #tpu.memory_space<vmem>> -> memref<112xi32, #tpu.memory_space<vmem>>
        %dma_wait3A_335 = tpu.memref_slice %arg4[%add3A_321] : memref<322560xi32, #tpu.memory_space<hbm>> -> memref<112xi32, #tpu.memory_space<hbm>>
        %dma_wait3A_336 = tpu.memref_slice %arg11[%select_n3A_318] : memref<4x!tpu.dma_semaphore, #tpu.memory_space<semaphore_mem>> -> memref<1x!tpu.dma_semaphore, #tpu.memory_space<semaphore_mem>>
        %dma_wait3A_337 = tpu.memref_squeeze %dma_wait3A_336 : memref<1x!tpu.dma_semaphore, #tpu.memory_space<semaphore_mem>> -> memref<!tpu.dma_semaphore, #tpu.memory_space<semaphore_mem>>
        %dma_wait3A_338 = arith.constant 0 : i32
        %dma_wait3A_339 = tpu.memref_slice %arg7[%select_n3A_318, %dma_wait3A_338] : memref<4x112xi32, #tpu.memory_space<vmem>> -> memref<1x112xi32, #tpu.memory_space<vmem>>
        %dma_wait3A_340 = tpu.memref_squeeze %dma_wait3A_339 : memref<1x112xi32, #tpu.memory_space<vmem>> -> memref<112xi32, #tpu.memory_space<vmem>>
        %dma_wait3A_341 = tpu.memref_slice %arg4[%add3A_321] : memref<322560xi32, #tpu.memory_space<hbm>> -> memref<112xi32, #tpu.memory_space<hbm>>
        tpu.wait_dma2 semaphore(%dma_wait3A_337 : memref<!tpu.dma_semaphore, #tpu.memory_space<semaphore_mem>>) src(%dma_wait3A_341 : memref<112xi32, #tpu.memory_space<hbm>>) dst(%dma_wait3A_340 : memref<112xi32, #tpu.memory_space<vmem>>)
        %add3A_342 = arith.constant 2 : i32
        %add3A_343 = arith.addi %add3A_202, %add3A_342 : i32
        %jit3A_344 = arith.constant 4 : i32
        %eq3A_345 = arith.constant 0 : i32
        %eq3A_346 = arith.cmpi eq, %jit3A_344, %eq3A_345 : i32
        %jit3A_347 = arith.constant 1 : i32
        %select_n3A_348 = arith.select %eq3A_346, %jit3A_347, %jit3A_344 : i32
        %rem3A_349 = arith.remsi %add3A_343, %select_n3A_348 : i32
        %ne3A_350 = arith.constant 0 : i32
        %ne3A_351 = arith.cmpi ne, %rem3A_349, %ne3A_350 : i32
        %lt3A_352 = arith.constant 0 : i32
        %lt3A_353 = arith.cmpi slt, %rem3A_349, %lt3A_352 : i32
        %lt3A_354 = arith.constant 0 : i32
        %lt3A_355 = arith.cmpi slt, %select_n3A_348, %lt3A_354 : i32
        %ne3A_356 = arith.xori %lt3A_353, %lt3A_355 : i1
        %and3A_357 = arith.andi %ne3A_356, %ne3A_351 : i1
        %add3A_358 = arith.addi %rem3A_349, %select_n3A_348 : i32
        %select_n3A_359 = arith.select %and3A_357, %add3A_358, %rem3A_349 : i32
        %jit3A_360 = arith.constant 3 : i32
        %eq3A_361 = arith.constant 0 : i32
        %eq3A_362 = arith.cmpi eq, %jit3A_360, %eq3A_361 : i32
        %jit3A_363 = arith.constant 1 : i32
        %select_n3A_364 = arith.select %eq3A_362, %jit3A_363, %jit3A_360 : i32
        %rem3A_365 = arith.remsi %add3A_343, %select_n3A_364 : i32
        %ne3A_366 = arith.constant 0 : i32
        %ne3A_367 = arith.cmpi ne, %rem3A_365, %ne3A_366 : i32
        %lt3A_368 = arith.constant 0 : i32
        %lt3A_369 = arith.cmpi slt, %rem3A_365, %lt3A_368 : i32
        %lt3A_370 = arith.constant 0 : i32
        %lt3A_371 = arith.cmpi slt, %select_n3A_364, %lt3A_370 : i32
        %ne3A_372 = arith.xori %lt3A_369, %lt3A_371 : i1
        %and3A_373 = arith.andi %ne3A_372, %ne3A_367 : i1
        %add3A_374 = arith.addi %rem3A_365, %select_n3A_364 : i32
        %select_n3A_375 = arith.select %and3A_373, %add3A_374, %rem3A_365 : i32
        %jit3A_376 = arith.constant 3 : i32
        %eq3A_377 = arith.constant 0 : i32
        %eq3A_378 = arith.cmpi eq, %jit3A_376, %eq3A_377 : i32
        %jit3A_379 = arith.constant 1 : i32
        %select_n3A_380 = arith.select %eq3A_378, %jit3A_379, %jit3A_376 : i32
        %rem3A_381 = arith.remsi %add3A_343, %select_n3A_380 : i32
        %ne3A_382 = arith.constant 0 : i32
        %ne3A_383 = arith.cmpi ne, %rem3A_381, %ne3A_382 : i32
        %lt3A_384 = arith.constant 0 : i32
        %lt3A_385 = arith.cmpi slt, %rem3A_381, %lt3A_384 : i32
        %lt3A_386 = arith.constant 0 : i32
        %lt3A_387 = arith.cmpi slt, %select_n3A_380, %lt3A_386 : i32
        %ne3A_388 = arith.xori %lt3A_385, %lt3A_387 : i1
        %and3A_389 = arith.andi %ne3A_388, %ne3A_383 : i1
        %add3A_390 = arith.addi %rem3A_381, %select_n3A_380 : i32
        %select_n3A_391 = arith.select %and3A_389, %add3A_390, %rem3A_381 : i32
        %dma_start3A_392 = arith.constant 0 : i32
        %dma_start3A_393 = arith.constant 0 : i32
        %dma_start3A_394 = tpu.memref_slice %arg8[%select_n3A_375, %dma_start3A_392, %dma_start3A_393] : memref<3x112x128xf32, #tpu.memory_space<vmem>> -> memref<1x112x128xf32, #tpu.memory_space<vmem>>
        %dma_start3A_395 = tpu.memref_squeeze %dma_start3A_394 : memref<1x112x128xf32, #tpu.memory_space<vmem>> -> memref<112x128xf32, #tpu.memory_space<vmem>>
        %dma_start3A_396 = arith.constant 0 : i32
        %dma_start3A_397 = tpu.memref_slice %arg6[%select_n3A_359, %dma_start3A_396] : memref<4x112xi32, #tpu.memory_space<vmem>> -> memref<1x112xi32, #tpu.memory_space<vmem>>
        %dma_start3A_398 = tpu.memref_squeeze %dma_start3A_397 : memref<1x112xi32, #tpu.memory_space<vmem>> -> memref<112xi32, #tpu.memory_space<vmem>>
        %dma_start3A_399 = arith.constant 0 : i32
        %dma_start3A_400 = arith.constant 0 : i32
        %dma_start3A_401 = tpu.memref_slice %arg2[%dma_start3A_399, %dma_start3A_400] : memref<10000x128xf32, #tpu.memory_space<hbm>> -> memref<10000x128xf32, #tpu.memory_space<hbm>>
        %dma_start3A_402 = tpu.memref_slice %arg12[%select_n3A_391] : memref<3x!tpu.dma_semaphore, #tpu.memory_space<semaphore_mem>> -> memref<1x!tpu.dma_semaphore, #tpu.memory_space<semaphore_mem>>
        %dma_start3A_403 = tpu.memref_squeeze %dma_start3A_402 : memref<1x!tpu.dma_semaphore, #tpu.memory_space<semaphore_mem>> -> memref<!tpu.dma_semaphore, #tpu.memory_space<semaphore_mem>>
        tpu.enqueue_indirect_dma source(%dma_start3A_401 : memref<10000x128xf32, #tpu.memory_space<hbm>>) target(%dma_start3A_395 : memref<112x128xf32, #tpu.memory_space<vmem>>) offsets(%dma_start3A_398 : memref<112xi32, #tpu.memory_space<vmem>>) semaphore(%dma_start3A_403 : memref<!tpu.dma_semaphore, #tpu.memory_space<semaphore_mem>>)
      } else {
      }
      %jit3A_263 = arith.constant 3 : i32
      %eq3A_264 = arith.constant 0 : i32
      %eq3A_265 = arith.cmpi eq, %jit3A_263, %eq3A_264 : i32
      %jit3A_266 = arith.constant 1 : i32
      %select_n3A_267 = arith.select %eq3A_265, %jit3A_266, %jit3A_263 : i32
      %rem3A_268 = arith.remsi %add3A_202, %select_n3A_267 : i32
      %ne3A_269 = arith.constant 0 : i32
      %ne3A_270 = arith.cmpi ne, %rem3A_268, %ne3A_269 : i32
      %lt3A_271 = arith.constant 0 : i32
      %lt3A_272 = arith.cmpi slt, %rem3A_268, %lt3A_271 : i32
      %lt3A_273 = arith.constant 0 : i32
      %lt3A_274 = arith.cmpi slt, %select_n3A_267, %lt3A_273 : i32
      %ne3A_275 = arith.xori %lt3A_272, %lt3A_274 : i1
      %and3A_276 = arith.andi %ne3A_275, %ne3A_270 : i1
      %add3A_277 = arith.addi %rem3A_268, %select_n3A_267 : i32
      %select_n3A_278 = arith.select %and3A_276, %add3A_277, %rem3A_268 : i32
      %jit3A_279 = arith.constant 4 : i32
      %eq3A_280 = arith.constant 0 : i32
      %eq3A_281 = arith.cmpi eq, %jit3A_279, %eq3A_280 : i32
      %jit3A_282 = arith.constant 1 : i32
      %select_n3A_283 = arith.select %eq3A_281, %jit3A_282, %jit3A_279 : i32
      %rem3A_284 = arith.remsi %add3A_202, %select_n3A_283 : i32
      %ne3A_285 = arith.constant 0 : i32
      %ne3A_286 = arith.cmpi ne, %rem3A_284, %ne3A_285 : i32
      %lt3A_287 = arith.constant 0 : i32
      %lt3A_288 = arith.cmpi slt, %rem3A_284, %lt3A_287 : i32
      %lt3A_289 = arith.constant 0 : i32
      %lt3A_290 = arith.cmpi slt, %select_n3A_283, %lt3A_289 : i32
      %ne3A_291 = arith.xori %lt3A_288, %lt3A_290 : i1
      %and3A_292 = arith.andi %ne3A_291, %ne3A_286 : i1
      %add3A_293 = arith.addi %rem3A_284, %select_n3A_283 : i32
      %select_n3A_294 = arith.select %and3A_292, %add3A_293, %rem3A_284 : i32
      "tpu.region"() ({
        %run_scoped3A = tpu.sem_alloc : memref<!tpu.dma_semaphore, #tpu.memory_space<semaphore_mem>>
        %dma_start3A_301 = arith.constant 0 : i32
        %dma_start3A_302 = arith.constant 0 : i32
        %dma_start3A_303 = tpu.memref_slice %arg8[%select_n3A_278, %dma_start3A_301, %dma_start3A_302] : memref<3x112x128xf32, #tpu.memory_space<vmem>> -> memref<1x112x128xf32, #tpu.memory_space<vmem>>
        %dma_start3A_304 = tpu.memref_squeeze %dma_start3A_303 : memref<1x112x128xf32, #tpu.memory_space<vmem>> -> memref<112x128xf32, #tpu.memory_space<vmem>>
        %dma_start3A_305 = arith.constant 0 : i32
        %dma_start3A_306 = tpu.memref_slice %arg7[%select_n3A_294, %dma_start3A_305] : memref<4x112xi32, #tpu.memory_space<vmem>> -> memref<1x112xi32, #tpu.memory_space<vmem>>
        %dma_start3A_307 = tpu.memref_squeeze %dma_start3A_306 : memref<1x112xi32, #tpu.memory_space<vmem>> -> memref<112xi32, #tpu.memory_space<vmem>>
        %dma_start3A_308 = arith.constant 0 : i32
        %dma_start3A_309 = arith.constant 0 : i32
        %dma_start3A_310 = tpu.memref_slice %arg10[%dma_start3A_308, %dma_start3A_309] : memref<10112x128xf32, #tpu.memory_space<vmem_shared>> -> memref<10112x128xf32, #tpu.memory_space<vmem_shared>>
        tpu.enqueue_indirect_dma source(%dma_start3A_304 : memref<112x128xf32, #tpu.memory_space<vmem>>) target(%dma_start3A_310 : memref<10112x128xf32, #tpu.memory_space<vmem_shared>>) offsets(%dma_start3A_307 : memref<112xi32, #tpu.memory_space<vmem>>) semaphore(%run_scoped3A : memref<!tpu.dma_semaphore, #tpu.memory_space<semaphore_mem>>) {add = true}
        %dma_wait3A_311 = arith.constant 0 : i32
        %dma_wait3A_312 = arith.constant 0 : i32
        %dma_wait3A_313 = tpu.memref_slice %arg8[%select_n3A_278, %dma_wait3A_311, %dma_wait3A_312] : memref<3x112x128xf32, #tpu.memory_space<vmem>> -> memref<1x112x128xf32, #tpu.memory_space<vmem>>
        %dma_wait3A_314 = tpu.memref_squeeze %dma_wait3A_313 : memref<1x112x128xf32, #tpu.memory_space<vmem>> -> memref<112x128xf32, #tpu.memory_space<vmem>>
        %dma_wait3A_315 = arith.constant 0 : i32
        %dma_wait3A_316 = tpu.memref_slice %arg7[%select_n3A_294, %dma_wait3A_315] : memref<4x112xi32, #tpu.memory_space<vmem>> -> memref<1x112xi32, #tpu.memory_space<vmem>>
        %dma_wait3A_317 = tpu.memref_squeeze %dma_wait3A_316 : memref<1x112xi32, #tpu.memory_space<vmem>> -> memref<112xi32, #tpu.memory_space<vmem>>
        %dma_wait3A_318 = arith.constant 0 : i32
        %dma_wait3A_319 = arith.constant 0 : i32
        %dma_wait3A_320 = tpu.memref_slice %arg10[%dma_wait3A_318, %dma_wait3A_319] : memref<10112x128xf32, #tpu.memory_space<vmem_shared>> -> memref<10112x128xf32, #tpu.memory_space<vmem_shared>>
        tpu.wait_indirect_dma semaphore(%run_scoped3A : memref<!tpu.dma_semaphore, #tpu.memory_space<semaphore_mem>>) src(%dma_wait3A_314 : memref<112x128xf32, #tpu.memory_space<vmem>>) dst(%dma_wait3A_320 : memref<10112x128xf32, #tpu.memory_space<vmem_shared>>)
        tpu.yield
      }) : () -> ()
      %add3A_295 = arith.constant 3 : i32
      %add3A_296 = arith.addi %add3A_202, %add3A_295 : i32
      %lt3A_297 = arith.cmpi slt, %add3A_296, %select_n3A : i32
      %convert_element_type3A_298 = arith.extui %lt3A_297 : i1 to i32
      %cond3A_299 = arith.constant 0 : i32
      %cond3A_300 = arith.cmpi ne, %convert_element_type3A_298, %cond3A_299 : i32
      scf.if %cond3A_300 {
        %add3A_301 = arith.constant 3 : i32
        %add3A_302 = arith.addi %add3A_202, %add3A_301 : i32
        %jit3A_303 = arith.constant 4 : i32
        %eq3A_304 = arith.constant 0 : i32
        %eq3A_305 = arith.cmpi eq, %jit3A_303, %eq3A_304 : i32
        %jit3A_306 = arith.constant 1 : i32
        %select_n3A_307 = arith.select %eq3A_305, %jit3A_306, %jit3A_303 : i32
        %rem3A_308 = arith.remsi %add3A_302, %select_n3A_307 : i32
        %ne3A_309 = arith.constant 0 : i32
        %ne3A_310 = arith.cmpi ne, %rem3A_308, %ne3A_309 : i32
        %lt3A_311 = arith.constant 0 : i32
        %lt3A_312 = arith.cmpi slt, %rem3A_308, %lt3A_311 : i32
        %lt3A_313 = arith.constant 0 : i32
        %lt3A_314 = arith.cmpi slt, %select_n3A_307, %lt3A_313 : i32
        %ne3A_315 = arith.xori %lt3A_312, %lt3A_314 : i1
        %and3A_316 = arith.andi %ne3A_315, %ne3A_310 : i1
        %add3A_317 = arith.addi %rem3A_308, %select_n3A_307 : i32
        %select_n3A_318 = arith.select %and3A_316, %add3A_317, %rem3A_308 : i32
        %mul3A_319 = arith.constant 112 : i32
        %mul3A_320 = arith.muli %add3A_302, %mul3A_319 : i32
        %add3A_321 = arith.addi %select_n3A_22, %mul3A_320 : i32
        %dma_start3A_322 = arith.constant 0 : i32
        %dma_start3A_323 = tpu.memref_slice %arg6[%select_n3A_318, %dma_start3A_322] : memref<4x112xi32, #tpu.memory_space<vmem>> -> memref<1x112xi32, #tpu.memory_space<vmem>>
        %dma_start3A_324 = tpu.memref_squeeze %dma_start3A_323 : memref<1x112xi32, #tpu.memory_space<vmem>> -> memref<112xi32, #tpu.memory_space<vmem>>
        %dma_start3A_325 = tpu.memref_slice %arg3[%add3A_321] : memref<322560xi32, #tpu.memory_space<hbm>> -> memref<112xi32, #tpu.memory_space<hbm>>
        %dma_start3A_326 = tpu.memref_slice %arg11[%select_n3A_318] : memref<4x!tpu.dma_semaphore, #tpu.memory_space<semaphore_mem>> -> memref<1x!tpu.dma_semaphore, #tpu.memory_space<semaphore_mem>>
        %dma_start3A_327 = tpu.memref_squeeze %dma_start3A_326 : memref<1x!tpu.dma_semaphore, #tpu.memory_space<semaphore_mem>> -> memref<!tpu.dma_semaphore, #tpu.memory_space<semaphore_mem>>
        %dma_start3A_328 = arith.constant 0 : i32
        %dma_start3A_329 = tpu.memref_slice %arg6[%select_n3A_318, %dma_start3A_328] : memref<4x112xi32, #tpu.memory_space<vmem>> -> memref<1x112xi32, #tpu.memory_space<vmem>>
        %dma_start3A_330 = tpu.memref_squeeze %dma_start3A_329 : memref<1x112xi32, #tpu.memory_space<vmem>> -> memref<112xi32, #tpu.memory_space<vmem>>
        %dma_start3A_331 = tpu.memref_slice %arg3[%add3A_321] : memref<322560xi32, #tpu.memory_space<hbm>> -> memref<112xi32, #tpu.memory_space<hbm>>
        tpu.enqueue_dma source(%dma_start3A_331 : memref<112xi32, #tpu.memory_space<hbm>>) target(%dma_start3A_330 : memref<112xi32, #tpu.memory_space<vmem>>) target_semaphore(%dma_start3A_327 : memref<!tpu.dma_semaphore, #tpu.memory_space<semaphore_mem>>)
        %dma_start3A_332 = arith.constant 0 : i32
        %dma_start3A_333 = tpu.memref_slice %arg7[%select_n3A_318, %dma_start3A_332] : memref<4x112xi32, #tpu.memory_space<vmem>> -> memref<1x112xi32, #tpu.memory_space<vmem>>
        %dma_start3A_334 = tpu.memref_squeeze %dma_start3A_333 : memref<1x112xi32, #tpu.memory_space<vmem>> -> memref<112xi32, #tpu.memory_space<vmem>>
        %dma_start3A_335 = tpu.memref_slice %arg4[%add3A_321] : memref<322560xi32, #tpu.memory_space<hbm>> -> memref<112xi32, #tpu.memory_space<hbm>>
        %dma_start3A_336 = tpu.memref_slice %arg11[%select_n3A_318] : memref<4x!tpu.dma_semaphore, #tpu.memory_space<semaphore_mem>> -> memref<1x!tpu.dma_semaphore, #tpu.memory_space<semaphore_mem>>
        %dma_start3A_337 = tpu.memref_squeeze %dma_start3A_336 : memref<1x!tpu.dma_semaphore, #tpu.memory_space<semaphore_mem>> -> memref<!tpu.dma_semaphore, #tpu.memory_space<semaphore_mem>>
        %dma_start3A_338 = arith.constant 0 : i32
        %dma_start3A_339 = tpu.memref_slice %arg7[%select_n3A_318, %dma_start3A_338] : memref<4x112xi32, #tpu.memory_space<vmem>> -> memref<1x112xi32, #tpu.memory_space<vmem>>
        %dma_start3A_340 = tpu.memref_squeeze %dma_start3A_339 : memref<1x112xi32, #tpu.memory_space<vmem>> -> memref<112xi32, #tpu.memory_space<vmem>>
        %dma_start3A_341 = tpu.memref_slice %arg4[%add3A_321] : memref<322560xi32, #tpu.memory_space<hbm>> -> memref<112xi32, #tpu.memory_space<hbm>>
        tpu.enqueue_dma source(%dma_start3A_341 : memref<112xi32, #tpu.memory_space<hbm>>) target(%dma_start3A_340 : memref<112xi32, #tpu.memory_space<vmem>>) target_semaphore(%dma_start3A_337 : memref<!tpu.dma_semaphore, #tpu.memory_space<semaphore_mem>>)
      } else {
      }
    }
    %barrier3A_197 = arith.constant 0 : index
    tpu.barrier barrier_id(%barrier3A_197)
    %mul3A_198 = arith.constant 632 : i32
    %mul3A_199 = arith.muli %arg1, %mul3A_198 : i32
    "tpu.region"() ({
      %run_scoped3A = tpu.sem_alloc : memref<!tpu.dma_semaphore, #tpu.memory_space<semaphore_mem>>
      %dma_start3A_200 = arith.constant 0 : i32
      %dma_start3A_201 = arith.constant 0 : i32
      %dma_start3A_202 = tpu.memref_slice %arg5[%arg0, %dma_start3A_200, %dma_start3A_201] : memref<2x10112x128xf32, #tpu.memory_space<hbm>> -> memref<1x10112x128xf32, #tpu.memory_space<hbm>>
      %dma_start3A_203 = tpu.memref_squeeze %dma_start3A_202 : memref<1x10112x128xf32, #tpu.memory_space<hbm>> -> memref<10112x128xf32, #tpu.memory_space<hbm>>
      %dma_start3A_204 = arith.constant 0 : i32
      %dma_start3A_205 = tpu.memref_slice %dma_start3A_203[%mul3A_199, %dma_start3A_204] : memref<10112x128xf32, #tpu.memory_space<hbm>> -> memref<632x128xf32, #tpu.memory_space<hbm>>
      %dma_start3A_206 = arith.constant 0 : i32
      %dma_start3A_207 = tpu.memref_slice %arg10[%mul3A_199, %dma_start3A_206] : memref<10112x128xf32, #tpu.memory_space<vmem_shared>> -> memref<632x128xf32, #tpu.memory_space<vmem_shared>>
      tpu.enqueue_dma source(%dma_start3A_207 : memref<632x128xf32, #tpu.memory_space<vmem_shared>>) target(%dma_start3A_205 : memref<632x128xf32, #tpu.memory_space<hbm>>) target_semaphore(%run_scoped3A : memref<!tpu.dma_semaphore, #tpu.memory_space<semaphore_mem>>)
      %dma_wait3A_208 = arith.constant 0 : i32
      %dma_wait3A_209 = arith.constant 0 : i32
      %dma_wait3A_210 = tpu.memref_slice %arg5[%arg0, %dma_wait3A_208, %dma_wait3A_209] : memref<2x10112x128xf32, #tpu.memory_space<hbm>> -> memref<1x10112x128xf32, #tpu.memory_space<hbm>>
      %dma_wait3A_211 = tpu.memref_squeeze %dma_wait3A_210 : memref<1x10112x128xf32, #tpu.memory_space<hbm>> -> memref<10112x128xf32, #tpu.memory_space<hbm>>
      %dma_wait3A_212 = arith.constant 0 : i32
      %dma_wait3A_213 = tpu.memref_slice %dma_wait3A_211[%mul3A_199, %dma_wait3A_212] : memref<10112x128xf32, #tpu.memory_space<hbm>> -> memref<632x128xf32, #tpu.memory_space<hbm>>
      %dma_wait3A_214 = arith.constant 0 : i32
      %dma_wait3A_215 = tpu.memref_slice %arg10[%mul3A_199, %dma_wait3A_214] : memref<10112x128xf32, #tpu.memory_space<vmem_shared>> -> memref<632x128xf32, #tpu.memory_space<vmem_shared>>
      tpu.wait_dma2 semaphore(%run_scoped3A : memref<!tpu.dma_semaphore, #tpu.memory_space<semaphore_mem>>) src(%dma_wait3A_215 : memref<632x128xf32, #tpu.memory_space<vmem_shared>>) dst(%dma_wait3A_213 : memref<632x128xf32, #tpu.memory_space<hbm>>)
      tpu.yield
    }) : () -> ()
    return
  }
}

module attributes {stable_mosaic.version = 14 : i64} {
  func.func @_tc2_body(%arg0: i32, %arg1: memref<2x2000x128xf32, #tpu.memory_space<vmem>>, %arg2: memref<128x128xf32, #tpu.memory_space<vmem>>, %arg3: memref<2000x128xf32, #tpu.memory_space<vmem>>) attributes {dimension_semantics = [#tpu.dimension_semantics<arbitrary>], iteration_bounds = array<i64: 5>, scalar_prefetch = 0 : i64, scratch_operands = 0 : i64, tpu.core_type = #tpu.core_type<tc>, window_params = [{transform_indices = @transform_0, window_bounds = array<i64: 2, 2000, 128>}, {pipeline_mode = #tpu.pipeline_mode<synchronous>, transform_indices = @transform_1, window_bounds = array<i64: 128, 128>}, {transform_indices = @transform_2, window_bounds = array<i64: 2000, 128>}]} {
    %get3A = arith.constant 0 : index
    %get3A_0 = arith.constant 0 : index
    %get3A_1 = arith.constant 0 : index
    %get3A_2 = vector.load %arg1[%get3A, %get3A_0, %get3A_1] : memref<2x2000x128xf32, #tpu.memory_space<vmem>>, vector<1x2000x128xf32>
    %get3A_3 = vector.shape_cast %get3A_2 : vector<1x2000x128xf32> to vector<2000x128xf32>
    %get3A_4 = arith.constant 1 : index
    %get3A_5 = arith.constant 0 : index
    %get3A_6 = arith.constant 0 : index
    %get3A_7 = vector.load %arg1[%get3A_4, %get3A_5, %get3A_6] : memref<2x2000x128xf32, #tpu.memory_space<vmem>>, vector<1x2000x128xf32>
    %get3A_8 = vector.shape_cast %get3A_7 : vector<1x2000x128xf32> to vector<2000x128xf32>
    %add3A = arith.addf %get3A_3, %get3A_8 : vector<2000x128xf32>
    %mul3A = arith.mulf %add3A, %add3A : vector<2000x128xf32>
    %reduce_sum3A = arith.constant dense<0.000000e+00> : vector<2000xf32>
    %reduce_sum3A_9 = vector.multi_reduction <add>, %mul3A, %reduce_sum3A [1] : vector<2000x128xf32> to vector<2000xf32>
    %broadcast_in_dim3A = vector.shape_cast %reduce_sum3A_9 : vector<2000xf32> to vector<2000x1xf32>
    %sqrt3A = math.sqrt %broadcast_in_dim3A : vector<2000x1xf32>
    %jit3A = arith.constant 1.000000e-15 : f32
    %max3A = vector.broadcast %jit3A : f32 to vector<2000x1xf32>
    %max3A_10 = arith.maximumf %max3A, %sqrt3A : vector<2000x1xf32>
    %min3A = arith.constant 6.10303401 : f32
    %min3A_11 = vector.broadcast %min3A : f32 to vector<2000x1xf32>
    %min3A_12 = arith.minimumf %max3A_10, %min3A_11 : vector<2000x1xf32>
    %mul3A_13 = vector.broadcast %min3A_12 : vector<2000x1xf32> to vector<2000x128xf32>
    %mul3A_14 = arith.mulf %mul3A_13, %add3A : vector<2000x128xf32>
    %div3A = vector.broadcast %max3A_10 : vector<2000x1xf32> to vector<2000x128xf32>
    %div3A_15 = arith.divf %mul3A_14, %div3A : vector<2000x128xf32>
    %tanh3A = math.tanh %div3A_15 : vector<2000x128xf32>
    %mul3A_16 = arith.mulf %tanh3A, %tanh3A : vector<2000x128xf32>
    %reduce_sum3A_17 = arith.constant dense<0.000000e+00> : vector<2000xf32>
    %reduce_sum3A_18 = vector.multi_reduction <add>, %mul3A_16, %reduce_sum3A_17 [1] : vector<2000x128xf32> to vector<2000xf32>
    %broadcast_in_dim3A_19 = vector.shape_cast %reduce_sum3A_18 : vector<2000xf32> to vector<2000x1xf32>
    %sqrt3A_20 = math.sqrt %broadcast_in_dim3A_19 : vector<2000x1xf32>
    %jit3A_21 = arith.constant 1.000000e-15 : f32
    %max3A_22 = vector.broadcast %jit3A_21 : f32 to vector<2000x1xf32>
    %max3A_23 = arith.maximumf %max3A_22, %sqrt3A_20 : vector<2000x1xf32>
    %tanh3A_24 = math.tanh %max3A_23 : vector<2000x1xf32>
    %min3A_25 = arith.constant 0.999989986 : f32
    %min3A_26 = vector.broadcast %min3A_25 : f32 to vector<2000x1xf32>
    %min3A_27 = arith.minimumf %tanh3A_24, %min3A_26 : vector<2000x1xf32>
    %mul3A_28 = vector.broadcast %min3A_27 : vector<2000x1xf32> to vector<2000x128xf32>
    %mul3A_29 = arith.mulf %mul3A_28, %tanh3A : vector<2000x128xf32>
    %div3A_30 = vector.broadcast %max3A_23 : vector<2000x1xf32> to vector<2000x128xf32>
    %div3A_31 = arith.divf %mul3A_29, %div3A_30 : vector<2000x128xf32>
    %min3A_32 = arith.constant 6.10303401 : f32
    %min3A_33 = vector.broadcast %min3A_32 : f32 to vector<2000x1xf32>
    %min3A_34 = arith.minimumf %max3A_23, %min3A_33 : vector<2000x1xf32>
    %get3A_35 = arith.constant 0 : index
    %get3A_36 = arith.constant 0 : index
    %get3A_37 = vector.load %arg2[%get3A_35, %get3A_36] : memref<128x128xf32, #tpu.memory_space<vmem>>, vector<128x128xf32>
    %dot_general3A = arith.constant dense<0.000000e+00> : vector<2000x128xf32>
    %dot_general3A_38 = tpu.matmul %div3A_31, %get3A_37, %dot_general3A {dimension_numbers = #tpu.dot_dimension_numbers<[1], [1], [0], [0], [0, 0, 1, 0], [], []>, transpose_lhs_hint = false} : vector<2000x128xf32>, vector<128x128xf32>, vector<2000x128xf32> -> vector<2000x128xf32>
    %mul3A_39 = arith.mulf %dot_general3A_38, %dot_general3A_38 : vector<2000x128xf32>
    %reduce_sum3A_40 = arith.constant dense<0.000000e+00> : vector<2000xf32>
    %reduce_sum3A_41 = vector.multi_reduction <add>, %mul3A_39, %reduce_sum3A_40 [1] : vector<2000x128xf32> to vector<2000xf32>
    %broadcast_in_dim3A_42 = vector.shape_cast %reduce_sum3A_41 : vector<2000xf32> to vector<2000x1xf32>
    %sqrt3A_43 = math.sqrt %broadcast_in_dim3A_42 : vector<2000x1xf32>
    %jit3A_44 = arith.constant 1.000000e-15 : f32
    %max3A_45 = vector.broadcast %jit3A_44 : f32 to vector<2000x1xf32>
    %max3A_46 = arith.maximumf %max3A_45, %sqrt3A_43 : vector<2000x1xf32>
    %div3A_47 = arith.divf %max3A_46, %min3A_27 : vector<2000x1xf32>
    %mul3A_48 = arith.mulf %div3A_47, %min3A_34 : vector<2000x1xf32>
    %min3A_49 = arith.constant 6.10303401 : f32
    %min3A_50 = vector.broadcast %min3A_49 : f32 to vector<2000x1xf32>
    %min3A_51 = arith.minimumf %mul3A_48, %min3A_50 : vector<2000x1xf32>
    %mul3A_52 = vector.broadcast %min3A_51 : vector<2000x1xf32> to vector<2000x128xf32>
    %mul3A_53 = arith.mulf %mul3A_52, %dot_general3A_38 : vector<2000x128xf32>
    %div3A_54 = vector.broadcast %max3A_46 : vector<2000x1xf32> to vector<2000x128xf32>
    %div3A_55 = arith.divf %mul3A_53, %div3A_54 : vector<2000x128xf32>
    %eq3A = arith.constant 0.000000e+00 : f32
    %eq3A_56 = vector.broadcast %eq3A : f32 to vector<2000x128xf32>
    %eq3A_57 = arith.cmpf oeq, %dot_general3A_38, %eq3A_56 : vector<2000x128xf32>
    %reduce_and3A = arith.constant 1.000000e+00 : f32
    %reduce_and3A_58 = arith.constant 0.000000e+00 : f32
    %reduce_and3A_59 = vector.broadcast %reduce_and3A : f32 to vector<2000x128xf32>
    %reduce_and3A_60 = vector.broadcast %reduce_and3A_58 : f32 to vector<2000x128xf32>
    %reduce_and3A_61 = arith.select %eq3A_57, %reduce_and3A_59, %reduce_and3A_60 : vector<2000x128xi1>, vector<2000x128xf32>
    %reduce_and3A_62 = arith.constant dense<0x7F800000> : vector<2000xf32>
    %reduce_and3A_63 = vector.multi_reduction <minimumf>, %reduce_and3A_61, %reduce_and3A_62 [1] : vector<2000x128xf32> to vector<2000xf32>
    %reduce_and3A_64 = arith.constant 0.000000e+00 : f32
    %reduce_and3A_65 = vector.broadcast %reduce_and3A_64 : f32 to vector<2000xf32>
    %reduce_and3A_66 = arith.cmpf ogt, %reduce_and3A_63, %reduce_and3A_65 : vector<2000xf32>
    %broadcast_in_dim3A_67 = vector.shape_cast %reduce_and3A_66 : vector<2000xi1> to vector<2000x1xi1>
    %broadcast_in_dim3A_68 = arith.constant 0.000000e+00 : f32
    %broadcast_in_dim3A_69 = vector.broadcast %broadcast_in_dim3A_68 : f32 to vector<2000x128xf32>
    %broadcast_in_dim3A_70 = vector.shape_cast %broadcast_in_dim3A_67 : vector<2000x1xi1> to vector<2000x1xi1>
    %broadcast_in_dim3A_71 = vector.broadcast %broadcast_in_dim3A_70 : vector<2000x1xi1> to vector<2000x128xi1>
    %select_n3A = arith.select %broadcast_in_dim3A_71, %broadcast_in_dim3A_69, %div3A_55 : vector<2000x128xi1>, vector<2000x128xf32>
    %swap3A = arith.constant 0 : index
    %swap3A_72 = arith.constant 0 : index
    %swap3A_73 = vector.load %arg3[%swap3A, %swap3A_72] : memref<2000x128xf32, #tpu.memory_space<vmem>>, vector<2000x128xf32>
    tpu.vector_store %arg3[%swap3A, %swap3A_72], %select_n3A {strides = array<i32>} : memref<2000x128xf32, #tpu.memory_space<vmem>>, vector<2000x128xf32>,
    return
  }
  func.func @transform_0(%arg0: i32) -> (i32, i32, i32) {
    %c0_i32 = arith.constant 0 : i32
    %c0_i32_0 = arith.constant 0 : i32
    %c0_i32_1 = arith.constant 0 : i32
    return %c0_i32, %arg0, %c0_i32_0 : i32, i32, i32
  }
  func.func @transform_1(%arg0: i32) -> (i32, i32) {
    %c0_i32 = arith.constant 0 : i32
    %c0_i32_0 = arith.constant 0 : i32
    %c0_i32_1 = arith.constant 0 : i32
    return %c0_i32, %c0_i32_0 : i32, i32
  }
  func.func @transform_2(%arg0: i32) -> (i32, i32) {
    %c0_i32 = arith.constant 0 : i32
    %c0_i32_0 = arith.constant 0 : i32
    return %arg0, %c0_i32 : i32, i32
  }
}

module attributes {stable_mosaic.version = 14 : i64} {
  func.func @_tc1_body(%arg0: i32, %arg1: memref<2000x128xf32, #tpu.memory_space<vmem>>, %arg2: memref<128x128xf32, #tpu.memory_space<vmem>>, %arg3: memref<2000x128xf32, #tpu.memory_space<vmem>>) attributes {dimension_semantics = [#tpu.dimension_semantics<arbitrary>], iteration_bounds = array<i64: 5>, scalar_prefetch = 0 : i64, scratch_operands = 0 : i64, tpu.core_type = #tpu.core_type<tc>, window_params = [{transform_indices = @transform_0, window_bounds = array<i64: 2000, 128>}, {pipeline_mode = #tpu.pipeline_mode<synchronous>, transform_indices = @transform_1, window_bounds = array<i64: 128, 128>}, {transform_indices = @transform_2, window_bounds = array<i64: 2000, 128>}]} {
    %get3A = arith.constant 0 : index
    %get3A_0 = arith.constant 0 : index
    %get3A_1 = vector.load %arg1[%get3A, %get3A_0] : memref<2000x128xf32, #tpu.memory_space<vmem>>, vector<2000x128xf32>
    %mul3A = arith.mulf %get3A_1, %get3A_1 : vector<2000x128xf32>
    %reduce_sum3A = arith.constant dense<0.000000e+00> : vector<2000xf32>
    %reduce_sum3A_2 = vector.multi_reduction <add>, %mul3A, %reduce_sum3A [1] : vector<2000x128xf32> to vector<2000xf32>
    %broadcast_in_dim3A = vector.shape_cast %reduce_sum3A_2 : vector<2000xf32> to vector<2000x1xf32>
    %sqrt3A = math.sqrt %broadcast_in_dim3A : vector<2000x1xf32>
    %jit3A = arith.constant 1.000000e-15 : f32
    %max3A = vector.broadcast %jit3A : f32 to vector<2000x1xf32>
    %max3A_3 = arith.maximumf %max3A, %sqrt3A : vector<2000x1xf32>
    %tanh3A = math.tanh %max3A_3 : vector<2000x1xf32>
    %min3A = arith.constant 0.999989986 : f32
    %min3A_4 = vector.broadcast %min3A : f32 to vector<2000x1xf32>
    %min3A_5 = arith.minimumf %tanh3A, %min3A_4 : vector<2000x1xf32>
    %mul3A_6 = vector.broadcast %min3A_5 : vector<2000x1xf32> to vector<2000x128xf32>
    %mul3A_7 = arith.mulf %mul3A_6, %get3A_1 : vector<2000x128xf32>
    %div3A = vector.broadcast %max3A_3 : vector<2000x1xf32> to vector<2000x128xf32>
    %div3A_8 = arith.divf %mul3A_7, %div3A : vector<2000x128xf32>
    %min3A_9 = arith.constant 6.10303401 : f32
    %min3A_10 = vector.broadcast %min3A_9 : f32 to vector<2000x1xf32>
    %min3A_11 = arith.minimumf %max3A_3, %min3A_10 : vector<2000x1xf32>
    %get3A_12 = arith.constant 0 : index
    %get3A_13 = arith.constant 0 : index
    %get3A_14 = vector.load %arg2[%get3A_12, %get3A_13] : memref<128x128xf32, #tpu.memory_space<vmem>>, vector<128x128xf32>
    %dot_general3A = arith.constant dense<0.000000e+00> : vector<2000x128xf32>
    %dot_general3A_15 = tpu.matmul %div3A_8, %get3A_14, %dot_general3A {dimension_numbers = #tpu.dot_dimension_numbers<[1], [1], [0], [0], [0, 0, 1, 0], [], []>, transpose_lhs_hint = false} : vector<2000x128xf32>, vector<128x128xf32>, vector<2000x128xf32> -> vector<2000x128xf32>
    %mul3A_16 = arith.mulf %dot_general3A_15, %dot_general3A_15 : vector<2000x128xf32>
    %reduce_sum3A_17 = arith.constant dense<0.000000e+00> : vector<2000xf32>
    %reduce_sum3A_18 = vector.multi_reduction <add>, %mul3A_16, %reduce_sum3A_17 [1] : vector<2000x128xf32> to vector<2000xf32>
    %broadcast_in_dim3A_19 = vector.shape_cast %reduce_sum3A_18 : vector<2000xf32> to vector<2000x1xf32>
    %sqrt3A_20 = math.sqrt %broadcast_in_dim3A_19 : vector<2000x1xf32>
    %jit3A_21 = arith.constant 1.000000e-15 : f32
    %max3A_22 = vector.broadcast %jit3A_21 : f32 to vector<2000x1xf32>
    %max3A_23 = arith.maximumf %max3A_22, %sqrt3A_20 : vector<2000x1xf32>
    %div3A_24 = arith.divf %max3A_23, %min3A_5 : vector<2000x1xf32>
    %mul3A_25 = arith.mulf %div3A_24, %min3A_11 : vector<2000x1xf32>
    %min3A_26 = arith.constant 6.10303401 : f32
    %min3A_27 = vector.broadcast %min3A_26 : f32 to vector<2000x1xf32>
    %min3A_28 = arith.minimumf %mul3A_25, %min3A_27 : vector<2000x1xf32>
    %mul3A_29 = vector.broadcast %min3A_28 : vector<2000x1xf32> to vector<2000x128xf32>
    %mul3A_30 = arith.mulf %mul3A_29, %dot_general3A_15 : vector<2000x128xf32>
    %div3A_31 = vector.broadcast %max3A_23 : vector<2000x1xf32> to vector<2000x128xf32>
    %div3A_32 = arith.divf %mul3A_30, %div3A_31 : vector<2000x128xf32>
    %eq3A = arith.constant 0.000000e+00 : f32
    %eq3A_33 = vector.broadcast %eq3A : f32 to vector<2000x128xf32>
    %eq3A_34 = arith.cmpf oeq, %dot_general3A_15, %eq3A_33 : vector<2000x128xf32>
    %reduce_and3A = arith.constant 1.000000e+00 : f32
    %reduce_and3A_35 = arith.constant 0.000000e+00 : f32
    %reduce_and3A_36 = vector.broadcast %reduce_and3A : f32 to vector<2000x128xf32>
    %reduce_and3A_37 = vector.broadcast %reduce_and3A_35 : f32 to vector<2000x128xf32>
    %reduce_and3A_38 = arith.select %eq3A_34, %reduce_and3A_36, %reduce_and3A_37 : vector<2000x128xi1>, vector<2000x128xf32>
    %reduce_and3A_39 = arith.constant dense<0x7F800000> : vector<2000xf32>
    %reduce_and3A_40 = vector.multi_reduction <minimumf>, %reduce_and3A_38, %reduce_and3A_39 [1] : vector<2000x128xf32> to vector<2000xf32>
    %reduce_and3A_41 = arith.constant 0.000000e+00 : f32
    %reduce_and3A_42 = vector.broadcast %reduce_and3A_41 : f32 to vector<2000xf32>
    %reduce_and3A_43 = arith.cmpf ogt, %reduce_and3A_40, %reduce_and3A_42 : vector<2000xf32>
    %broadcast_in_dim3A_44 = vector.shape_cast %reduce_and3A_43 : vector<2000xi1> to vector<2000x1xi1>
    %broadcast_in_dim3A_45 = arith.constant 0.000000e+00 : f32
    %broadcast_in_dim3A_46 = vector.broadcast %broadcast_in_dim3A_45 : f32 to vector<2000x128xf32>
    %broadcast_in_dim3A_47 = vector.shape_cast %broadcast_in_dim3A_44 : vector<2000x1xi1> to vector<2000x1xi1>
    %broadcast_in_dim3A_48 = vector.broadcast %broadcast_in_dim3A_47 : vector<2000x1xi1> to vector<2000x128xi1>
    %select_n3A = arith.select %broadcast_in_dim3A_48, %broadcast_in_dim3A_46, %div3A_32 : vector<2000x128xi1>, vector<2000x128xf32>
    %swap3A = arith.constant 0 : index
    %swap3A_49 = arith.constant 0 : index
    %swap3A_50 = vector.load %arg3[%swap3A, %swap3A_49] : memref<2000x128xf32, #tpu.memory_space<vmem>>, vector<2000x128xf32>
    tpu.vector_store %arg3[%swap3A, %swap3A_49], %select_n3A {strides = array<i32>} : memref<2000x128xf32, #tpu.memory_space<vmem>>, vector<2000x128xf32>,
    return
  }
  func.func @transform_0(%arg0: i32) -> (i32, i32) {
    %c0_i32 = arith.constant 0 : i32
    %c0_i32_0 = arith.constant 0 : i32
    return %arg0, %c0_i32 : i32, i32
  }
  func.func @transform_1(%arg0: i32) -> (i32, i32) {
    %c0_i32 = arith.constant 0 : i32
    %c0_i32_0 = arith.constant 0 : i32
    %c0_i32_1 = arith.constant 0 : i32
    return %c0_i32, %c0_i32_0 : i32, i32
  }
  func.func @transform_2(%arg0: i32) -> (i32, i32) {
    %c0_i32 = arith.constant 0 : i32
    %c0_i32_0 = arith.constant 0 : i32
    return %arg0, %c0_i32 : i32, i32
  }
}

module attributes {stable_mosaic.version = 14 : i64} {
  func.func @_tc3_body(%arg0: i32, %arg1: memref<2x2000x128xf32, #tpu.memory_space<vmem>>, %arg2: memref<2000x1xi32, #tpu.memory_space<vmem>>, %arg3: memref<16x128xf32, #tpu.memory_space<vmem>>, %arg4: memref<16x128xf32, #tpu.memory_space<vmem>>, %arg5: memref<16x128xf32, #tpu.memory_space<vmem>>) attributes {dimension_semantics = [#tpu.dimension_semantics<arbitrary>], iteration_bounds = array<i64: 5>, scalar_prefetch = 0 : i64, scratch_operands = 2 : i64, tpu.core_type = #tpu.core_type<tc>, window_params = [{transform_indices = @transform_0, window_bounds = array<i64: 2, 2000, 128>}, {transform_indices = @transform_1, window_bounds = array<i64: 2000, 1>}, {pipeline_mode = #tpu.pipeline_mode<synchronous>, transform_indices = @transform_2, window_bounds = array<i64: 16, 128>}]} {
    %get3A = arith.constant 0 : index
    %get3A_0 = arith.constant 0 : index
    %get3A_1 = arith.constant 0 : index
    %get3A_2 = vector.load %arg1[%get3A, %get3A_0, %get3A_1] : memref<2x2000x128xf32, #tpu.memory_space<vmem>>, vector<1x2000x128xf32>
    %get3A_3 = vector.shape_cast %get3A_2 : vector<1x2000x128xf32> to vector<2000x128xf32>
    %get3A_4 = arith.constant 1 : index
    %get3A_5 = arith.constant 0 : index
    %get3A_6 = arith.constant 0 : index
    %get3A_7 = vector.load %arg1[%get3A_4, %get3A_5, %get3A_6] : memref<2x2000x128xf32, #tpu.memory_space<vmem>>, vector<1x2000x128xf32>
    %get3A_8 = vector.shape_cast %get3A_7 : vector<1x2000x128xf32> to vector<2000x128xf32>
    %add3A = arith.addf %get3A_3, %get3A_8 : vector<2000x128xf32>
    %mul3A = arith.mulf %add3A, %add3A : vector<2000x128xf32>
    %reduce_sum3A = arith.constant dense<0.000000e+00> : vector<2000xf32>
    %reduce_sum3A_9 = vector.multi_reduction <add>, %mul3A, %reduce_sum3A [1] : vector<2000x128xf32> to vector<2000xf32>
    %broadcast_in_dim3A = vector.shape_cast %reduce_sum3A_9 : vector<2000xf32> to vector<2000x1xf32>
    %sqrt3A = math.sqrt %broadcast_in_dim3A : vector<2000x1xf32>
    %jit3A = arith.constant 1.000000e-15 : f32
    %max3A = vector.broadcast %jit3A : f32 to vector<2000x1xf32>
    %max3A_10 = arith.maximumf %max3A, %sqrt3A : vector<2000x1xf32>
    %min3A = arith.constant 6.10303401 : f32
    %min3A_11 = vector.broadcast %min3A : f32 to vector<2000x1xf32>
    %min3A_12 = arith.minimumf %max3A_10, %min3A_11 : vector<2000x1xf32>
    %mul3A_13 = vector.broadcast %min3A_12 : vector<2000x1xf32> to vector<2000x128xf32>
    %mul3A_14 = arith.mulf %mul3A_13, %add3A : vector<2000x128xf32>
    %div3A = vector.broadcast %max3A_10 : vector<2000x1xf32> to vector<2000x128xf32>
    %div3A_15 = arith.divf %mul3A_14, %div3A : vector<2000x128xf32>
    %tanh3A = math.tanh %div3A_15 : vector<2000x128xf32>
    %mul3A_16 = arith.mulf %tanh3A, %tanh3A : vector<2000x128xf32>
    %reduce_sum3A_17 = arith.constant dense<0.000000e+00> : vector<2000xf32>
    %reduce_sum3A_18 = vector.multi_reduction <add>, %mul3A_16, %reduce_sum3A_17 [1] : vector<2000x128xf32> to vector<2000xf32>
    %broadcast_in_dim3A_19 = vector.shape_cast %reduce_sum3A_18 : vector<2000xf32> to vector<2000x1xf32>
    %sqrt3A_20 = math.sqrt %broadcast_in_dim3A_19 : vector<2000x1xf32>
    %jit3A_21 = arith.constant 1.000000e-15 : f32
    %max3A_22 = vector.broadcast %jit3A_21 : f32 to vector<2000x1xf32>
    %max3A_23 = arith.maximumf %max3A_22, %sqrt3A_20 : vector<2000x1xf32>
    %min3A_24 = arith.constant 6.10303401 : f32
    %min3A_25 = vector.broadcast %min3A_24 : f32 to vector<2000x1xf32>
    %min3A_26 = arith.minimumf %max3A_23, %min3A_25 : vector<2000x1xf32>
    %mul3A_27 = vector.broadcast %min3A_26 : vector<2000x1xf32> to vector<2000x128xf32>
    %mul3A_28 = arith.mulf %mul3A_27, %tanh3A : vector<2000x128xf32>
    %div3A_29 = vector.broadcast %max3A_23 : vector<2000x1xf32> to vector<2000x128xf32>
    %div3A_30 = arith.divf %mul3A_28, %div3A_29 : vector<2000x128xf32>
    %get3A_31 = arith.constant 0 : index
    %get3A_32 = arith.constant 0 : index
    %get3A_33 = vector.load %arg2[%get3A_31, %get3A_32] : memref<2000x1xi32, #tpu.memory_space<vmem>>, vector<2000x1xi32>
    %iota3A = tpu.iota {dimensions = array<i32: 1>} : vector<2000x16xi32>
    %eq3A = vector.broadcast %get3A_33 : vector<2000x1xi32> to vector<2000x16xi32>
    %eq3A_34 = arith.cmpi eq, %eq3A, %iota3A : vector<2000x16xi32>
    %convert_element_type3A = arith.extui %eq3A_34 : vector<2000x16xi1> to vector<2000x16xi32>
    %convert_element_type3A_35 = arith.sitofp %convert_element_type3A : vector<2000x16xi32> to vector<2000x16xf32>
    %dot_general3A = arith.constant dense<0.000000e+00> : vector<16x128xf32>
    %dot_general3A_36 = tpu.matmul %convert_element_type3A_35, %div3A_30, %dot_general3A {dimension_numbers = #tpu.dot_dimension_numbers<[0], [0], [1], [1], [0, 1, 1, 1], [], []>, transpose_lhs_hint = false} : vector<2000x16xf32>, vector<2000x128xf32>, vector<16x128xf32> -> vector<16x128xf32>
    %broadcast_in_dim3A_37 = arith.constant 1.000000e+00 : f32
    %broadcast_in_dim3A_38 = vector.broadcast %broadcast_in_dim3A_37 : f32 to vector<2000x128xf32>
    %dot_general3A_39 = arith.constant dense<0.000000e+00> : vector<16x128xf32>
    %dot_general3A_40 = tpu.matmul %convert_element_type3A_35, %broadcast_in_dim3A_38, %dot_general3A_39 {dimension_numbers = #tpu.dot_dimension_numbers<[0], [0], [1], [1], [0, 1, 1, 1], [], []>, transpose_lhs_hint = false} : vector<2000x16xf32>, vector<2000x128xf32>, vector<16x128xf32> -> vector<16x128xf32>
    %eq3A_41 = arith.constant 0 : i32
    %eq3A_42 = arith.cmpi eq, %arg0, %eq3A_41 : i32
    %convert_element_type3A_43 = arith.extui %eq3A_42 : i1 to i32
    %cond3A = arith.constant 0 : i32
    %cond3A_44 = arith.cmpi ne, %convert_element_type3A_43, %cond3A : i32
    scf.if %cond3A_44 {
      %swap3A = arith.constant 0 : index
      %swap3A_54 = arith.constant 0 : index
      %swap3A_55 = vector.load %arg4[%swap3A, %swap3A_54] : memref<16x128xf32, #tpu.memory_space<vmem>>, vector<16x128xf32>
      tpu.vector_store %arg4[%swap3A, %swap3A_54], %dot_general3A_36 {strides = array<i32>} : memref<16x128xf32, #tpu.memory_space<vmem>>, vector<16x128xf32>,
      %swap3A_56 = arith.constant 0 : index
      %swap3A_57 = arith.constant 0 : index
      %swap3A_58 = vector.load %arg5[%swap3A_56, %swap3A_57] : memref<16x128xf32, #tpu.memory_space<vmem>>, vector<16x128xf32>
      tpu.vector_store %arg5[%swap3A_56, %swap3A_57], %dot_general3A_40 {strides = array<i32>} : memref<16x128xf32, #tpu.memory_space<vmem>>, vector<16x128xf32>,
    } else {
    }
    %gt3A = arith.constant 0 : i32
    %gt3A_45 = arith.cmpi sgt, %arg0, %gt3A : i32
    %convert_element_type3A_46 = arith.extui %gt3A_45 : i1 to i32
    %cond3A_47 = arith.constant 0 : i32
    %cond3A_48 = arith.cmpi ne, %convert_element_type3A_46, %cond3A_47 : i32
    scf.if %cond3A_48 {
      %get3A_54 = arith.constant 0 : index
      %get3A_55 = arith.constant 0 : index
      %get3A_56 = vector.load %arg4[%get3A_54, %get3A_55] : memref<16x128xf32, #tpu.memory_space<vmem>>, vector<16x128xf32>
      %add3A_57 = arith.addf %get3A_56, %dot_general3A_36 : vector<16x128xf32>
      %swap3A = arith.constant 0 : index
      %swap3A_58 = arith.constant 0 : index
      %swap3A_59 = vector.load %arg4[%swap3A, %swap3A_58] : memref<16x128xf32, #tpu.memory_space<vmem>>, vector<16x128xf32>
      tpu.vector_store %arg4[%swap3A, %swap3A_58], %add3A_57 {strides = array<i32>} : memref<16x128xf32, #tpu.memory_space<vmem>>, vector<16x128xf32>,
      %get3A_60 = arith.constant 0 : index
      %get3A_61 = arith.constant 0 : index
      %get3A_62 = vector.load %arg5[%get3A_60, %get3A_61] : memref<16x128xf32, #tpu.memory_space<vmem>>, vector<16x128xf32>
      %add3A_63 = arith.addf %get3A_62, %dot_general3A_40 : vector<16x128xf32>
      %swap3A_64 = arith.constant 0 : index
      %swap3A_65 = arith.constant 0 : index
      %swap3A_66 = vector.load %arg5[%swap3A_64, %swap3A_65] : memref<16x128xf32, #tpu.memory_space<vmem>>, vector<16x128xf32>
      tpu.vector_store %arg5[%swap3A_64, %swap3A_65], %add3A_63 {strides = array<i32>} : memref<16x128xf32, #tpu.memory_space<vmem>>, vector<16x128xf32>,
    } else {
    }
    %eq3A_49 = arith.constant 4 : i32
    %eq3A_50 = arith.cmpi eq, %arg0, %eq3A_49 : i32
    %convert_element_type3A_51 = arith.extui %eq3A_50 : i1 to i32
    %cond3A_52 = arith.constant 0 : i32
    %cond3A_53 = arith.cmpi ne, %convert_element_type3A_51, %cond3A_52 : i32
    scf.if %cond3A_53 {
      %get3A_54 = arith.constant 0 : index
      %get3A_55 = arith.constant 0 : index
      %get3A_56 = vector.load %arg4[%get3A_54, %get3A_55] : memref<16x128xf32, #tpu.memory_space<vmem>>, vector<16x128xf32>
      %get3A_57 = arith.constant 0 : index
      %get3A_58 = arith.constant 0 : index
      %get3A_59 = vector.load %arg5[%get3A_57, %get3A_58] : memref<16x128xf32, #tpu.memory_space<vmem>>, vector<16x128xf32>
      %jit3A_60 = arith.constant 1.000000e+00 : f32
      %max3A_61 = vector.broadcast %jit3A_60 : f32 to vector<16x128xf32>
      %max3A_62 = arith.maximumf %max3A_61, %get3A_59 : vector<16x128xf32>
      %div3A_63 = arith.divf %get3A_56, %max3A_62 : vector<16x128xf32>
      %mul3A_64 = arith.mulf %div3A_63, %div3A_63 : vector<16x128xf32>
      %reduce_sum3A_65 = arith.constant dense<0.000000e+00> : vector<16xf32>
      %reduce_sum3A_66 = vector.multi_reduction <add>, %mul3A_64, %reduce_sum3A_65 [1] : vector<16x128xf32> to vector<16xf32>
      %broadcast_in_dim3A_67 = vector.shape_cast %reduce_sum3A_66 : vector<16xf32> to vector<16x1xf32>
      %sqrt3A_68 = math.sqrt %broadcast_in_dim3A_67 : vector<16x1xf32>
      %jit3A_69 = arith.constant 1.000000e-15 : f32
      %max3A_70 = vector.broadcast %jit3A_69 : f32 to vector<16x1xf32>
      %max3A_71 = arith.maximumf %max3A_70, %sqrt3A_68 : vector<16x1xf32>
      %tanh3A_72 = math.tanh %max3A_71 : vector<16x1xf32>
      %mul3A_73 = vector.broadcast %tanh3A_72 : vector<16x1xf32> to vector<16x128xf32>
      %mul3A_74 = arith.mulf %mul3A_73, %div3A_63 : vector<16x128xf32>
      %div3A_75 = vector.broadcast %max3A_71 : vector<16x1xf32> to vector<16x128xf32>
      %div3A_76 = arith.divf %mul3A_74, %div3A_75 : vector<16x128xf32>
      %mul3A_77 = arith.mulf %div3A_76, %div3A_76 : vector<16x128xf32>
      %reduce_sum3A_78 = arith.constant dense<0.000000e+00> : vector<16xf32>
      %reduce_sum3A_79 = vector.multi_reduction <add>, %mul3A_77, %reduce_sum3A_78 [1] : vector<16x128xf32> to vector<16xf32>
      %broadcast_in_dim3A_80 = vector.shape_cast %reduce_sum3A_79 : vector<16xf32> to vector<16x1xf32>
      %sqrt3A_81 = math.sqrt %broadcast_in_dim3A_80 : vector<16x1xf32>
      %jit3A_82 = arith.constant 1.000000e-15 : f32
      %max3A_83 = vector.broadcast %jit3A_82 : f32 to vector<16x1xf32>
      %max3A_84 = arith.maximumf %max3A_83, %sqrt3A_81 : vector<16x1xf32>
      %gt3A_85 = arith.constant 0.999989986 : f32
      %gt3A_86 = vector.broadcast %gt3A_85 : f32 to vector<16x1xf32>
      %gt3A_87 = arith.cmpf ogt, %max3A_84, %gt3A_86 : vector<16x1xf32>
      %div3A_88 = vector.broadcast %max3A_84 : vector<16x1xf32> to vector<16x128xf32>
      %div3A_89 = arith.divf %div3A_76, %div3A_88 : vector<16x128xf32>
      %mul3A_90 = arith.constant 0.999989986 : f32
      %mul3A_91 = vector.broadcast %mul3A_90 : f32 to vector<16x128xf32>
      %mul3A_92 = arith.mulf %div3A_89, %mul3A_91 : vector<16x128xf32>
      %broadcast_in_dim3A_93 = vector.shape_cast %gt3A_87 : vector<16x1xi1> to vector<16x1xi1>
      %broadcast_in_dim3A_94 = vector.broadcast %broadcast_in_dim3A_93 : vector<16x1xi1> to vector<16x128xi1>
      %select_n3A = arith.select %broadcast_in_dim3A_94, %mul3A_92, %div3A_76 : vector<16x128xi1>, vector<16x128xf32>
      %swap3A = arith.constant 0 : index
      %swap3A_95 = arith.constant 0 : index
      %swap3A_96 = vector.load %arg3[%swap3A, %swap3A_95] : memref<16x128xf32, #tpu.memory_space<vmem>>, vector<16x128xf32>
      tpu.vector_store %arg3[%swap3A, %swap3A_95], %select_n3A {strides = array<i32>} : memref<16x128xf32, #tpu.memory_space<vmem>>, vector<16x128xf32>,
    } else {
    }
    return
  }
  func.func @transform_0(%arg0: i32) -> (i32, i32, i32) {
    %c0_i32 = arith.constant 0 : i32
    %c0_i32_0 = arith.constant 0 : i32
    %c0_i32_1 = arith.constant 0 : i32
    return %c0_i32, %arg0, %c0_i32_0 : i32, i32, i32
  }
  func.func @transform_1(%arg0: i32) -> (i32, i32) {
    %c0_i32 = arith.constant 0 : i32
    %c0_i32_0 = arith.constant 0 : i32
    return %arg0, %c0_i32 : i32, i32
  }
  func.func @transform_2(%arg0: i32) -> (i32, i32) {
    %c0_i32 = arith.constant 0 : i32
    %c0_i32_0 = arith.constant 0 : i32
    %c0_i32_1 = arith.constant 0 : i32
    return %c0_i32, %c0_i32_0 : i32, i32
  }
}

</mosaic_0001>

<sc_bundles>
// kernel: kernel.10.cloned.1.call-start
scs
__scs_entry_jumppad:
0x0: {  	(pc) =	sbr.rel $0x88, $3  }
0x1: {  	(tag) =	ssettag $0x0;
	lr =	simm.s32 $0x1  }
0x2: {  	[smem:$0x3F9C] =	sst lr;
	_ =	strace $0xD0000000  }
0x3: {  	_ = 	snop  }
0x4: {  	_ = 	snop  }
0x5: {  	_ = 	snop  }
0x6: {  	_ = 	snop  }
0x7: {  	_ = 	snop  }
__scs_overlays_trampoline_lowered:
0x8: {  	[smem:$0x3FAB] =	sst s0  }
0x9: {  	[smem:$0x3FAC] =	sst s1  }
0xa: {  	[smem:$0x3FAD] =	sst s2  }
0xb: {  	[smem:$0x3FAE] =	sst s3  }
0xc: {  	[smem:$0x3FAF] =	sst s4  }
0xd: {  	[smem:$0x3FB0] =	sst s5  }
0xe: {  	[smem:$0x3FB1] =	sst s6  }
0xf: {  	[smem:$0x3FB2] =	sst s7  }
0x10: {  	[smem:$0x3FB3] =	sst s8  }
0x11: {  	[smem:$0x3FB4] =	sst s9;
	s0 =	simm.s32 @!p0 $0x0  }
0x12: {  	s1 =	sld [smem:$0x3F9A];
	s0 =	simm.s32 @p0 $0x1  }
0x13: {  	[smem:$0x3FB5] =	sst s0;
	s0 =	simm.s32 @!p1 $0x0  }
0x14: {  	s2 =	sld [smem:$0x3F99];
	s0 =	simm.s32 @p1 $0x1  }
0x15: {  	[smem:$0x3FB6] =	sst s0;
	s0 =	simm.s32 @!p2 $0x0  }
0x16: {  	s3 =	sld [smem:$0x3FDB];
	s0 =	simm.s32 @p2 $0x1  }
0x17: {  	s4 =	simm.s32 $0x1BF5;
	[smem:$0x3FB8] =	sst s0  }
0x18: {  	s0 =	sld [smem:$0x3F9B];
	_ =	swait.ge [sflag:s4], $0x0  }
0x19: {  	s7 =	sld [smem:$0x3F9C]  }
0x1a: {  	s8 =	sadd.s32 $0xFFFFE003, lr  }
0x1b: {  	s9 =	sadd.s32 $0xFFFFFEF7, lr;
	s5 =	simm.s32 $0xFFFFFFFF;
	p2 =	slt.u32 s8, $0xFFFFF086  }
0x1c: {  	p1 =	slt.u32 s9, $0xF7A;
	s5 =	simm.s32 @!p2 $0x0  }
0x1d: {  	s5 =	simm.s32 @p1 $0x1;
	p0 =	seq.s32 s7, s2  }
0x1e: {  	s7 =	smul.u32 @!p0 $0xF7A, s2;
	p2 =	seq.s32 @!p0 s5, $0x0  }
0x1f: {  	s9 =	smul.u32 $0xF7A, s1;
	s8 =	simm.s32 @!p0 $0x1BF5;
	p2 =	por !p2, p0  }
0x20: {  	[sflag:s8] =	ssyncset.s32 @!p0 $0xFFFFF086;
	s6 =	sadd.s32 @!p0 s3, s7;
	s7 =	simm.s32 @!p0 $0x108  }
0x21: {  	s3 =	sadd.s32 s3, s9;
	s6 =	sadd.s32 @!p0 $0x88, s6;
	s7 =	simm.s32 @p2 $0x1082  }
0x22: {  	[simem:s7], [sflag:s8] =	dma.local @!p0 [hbm:s6], $0xF7A  }
0x23: {  	s9 =	sor.u32 $0xD0000000, s2;
	s6 =	simm.s32 $0x108;
	_ =	swait.ge @!p0 [sflag:s8], $0x0  }
0x24: {  	s3 =	sadd.s32 $0x88, s3;
	s6 =	simm.s32 @!p1 $0x1082;
	[sflag:s4] =	ssyncset.s32 $0xFFFFF086  }
0x25: {  	[simem:s6], [sflag:s4] =	dma.local [hbm:s3], $0xF7A  }
0x26: {  	[smem:$0x3F9C] =	sst s1;
	(tag) =	ssettag s2;
	_ =	strace s9  }
0x27: {  	s1 =	sld [smem:$0x3FAC]  }
0x28: {  	s2 =	sld [smem:$0x3FAD]  }
0x29: {  	s4 =	sld [smem:$0x3FAF]  }
0x2a: {  	p0 =	seq.s32 s5, $0x0;
	s5 =	sld [smem:$0x3FB0]  }
0x2b: {  	s6 =	sld [smem:$0x3FB1]  }
0x2c: {  	s7 =	sld [smem:$0x3FB2]  }
0x2d: {  	s3 =	simm.s32 $0x108;
	s8 =	sld [smem:$0x3FB3]  }
0x2e: {  	s3 =	simm.s32 @!p0 $0x1082;
	s9 =	sld [smem:$0x3FB4]  }
0x2f: {  	lr =	sadd.s32 s0, s3;
	s0 =	sld [smem:$0x3FAB]  }
0x30: {  	s3 =	sld [smem:$0x3FAE]  }
0x31: {  	[smem:$0x3FB7] =	sst s10  }
0x32: {  	s10 =	sld [smem:$0x3FB5];
	_ =	sdelay $0x3  }
0x33: {  	p0 =	seq.s32 s10, $0x1;
	s10 =	sld [smem:$0x3FB7];
	_ =	sdelay $0x3  }
0x34: {  	[smem:$0x3FB7] =	sst s10  }
0x35: {  	s10 =	sld [smem:$0x3FB6];
	_ =	sdelay $0x3  }
0x36: {  	p1 =	seq.s32 s10, $0x1;
	s10 =	sld [smem:$0x3FB7];
	_ =	sdelay $0x3  }
0x37: {  	[smem:$0x3FB7] =	sst s10  }
0x38: {  	s10 =	sld [smem:$0x3FB8]  }
0x39: {  	_ = 	snop;
	(pc) =	sbr.ind lr, $3  }
0x3a: {  	_ = 	snop  }
0x3b: {  	_ = 	snop  }
0x3c: {  	p2 =	seq.s32 s10, $0x1;
	s10 =	sld [smem:$0x3FB7]  }
0x3d: {  	_ =	shalt  }
0x3e: {  	_ =	shalt  }
0x3f: {  	_ =	shalt  }
0x40: {  	_ =	shalt  }
0x41: {  	_ =	shalt  }
0x42: {  	_ =	shalt  }
0x43: {  	_ =	shalt  }
0x44: {  	_ =	shalt  }
0x45: {  	_ =	shalt  }
0x46: {  	_ =	shalt  }
0x47: {  	_ =	shalt  }
0x48: {  	_ =	shalt  }
0x49: {  	_ =	shalt  }
0x4a: {  	_ =	shalt  }
0x4b: {  	_ =	shalt  }
0x4c: {  	_ =	shalt  }
0x4d: {  	_ =	shalt  }
0x4e: {  	_ =	shalt  }
0x4f: {  	_ =	shalt  }
0x50: {  	_ =	shalt  }
0x51: {  	_ =	shalt  }
0x52: {  	_ =	shalt  }
0x53: {  	_ =	shalt  }
0x54: {  	_ =	shalt  }
0x55: {  	_ =	shalt  }
0x56: {  	_ =	shalt  }
0x57: {  	_ =	shalt  }
0x58: {  	_ =	shalt  }
0x59: {  	_ =	shalt  }
0x5a: {  	_ =	shalt  }
0x5b: {  	_ =	shalt  }
0x5c: {  	_ =	shalt  }
0x5d: {  	_ =	shalt  }
0x5e: {  	_ =	shalt  }
0x5f: {  	_ =	shalt  }
0x60: {  	_ =	shalt  }
0x61: {  	_ =	shalt  }
0x62: {  	_ =	shalt  }
0x63: {  	_ =	shalt  }
0x64: {  	_ =	shalt  }
0x65: {  	_ =	shalt  }
0x66: {  	_ =	shalt  }
0x67: {  	_ =	shalt  }
0x68: {  	_ =	shalt  }
0x69: {  	_ =	shalt  }
0x6a: {  	_ =	shalt  }
0x6b: {  	_ =	shalt  }
0x6c: {  	_ =	shalt  }
0x6d: {  	_ =	shalt  }
0x6e: {  	_ =	shalt  }
0x6f: {  	_ =	shalt  }
0x70: {  	_ =	shalt  }
0x71: {  	_ =	shalt  }
0x72: {  	_ =	shalt  }
0x73: {  	_ =	shalt  }
0x74: {  	_ =	shalt  }
0x75: {  	_ =	shalt  }
0x76: {  	_ =	shalt  }
0x77: {  	_ =	shalt  }
0x78: {  	_ =	shalt  }
0x79: {  	_ =	shalt  }
0x7a: {  	_ =	shalt  }
0x7b: {  	_ =	shalt  }
0x7c: {  	_ =	shalt  }
0x7d: {  	_ =	shalt  }
0x7e: {  	_ =	shalt  }
0x7f: {  	_ =	shalt  }
0x80: {  	_ =	shalt  }
0x81: {  	_ =	shalt  }
0x82: {  	_ =	shalt  }
0x83: {  	_ =	shalt  }
0x84: {  	_ =	shalt  }
0x85: {  	_ =	shalt  }
0x86: {  	_ =	shalt  }
0x87: {  	_ =	shalt  }
.Lfunc_end0:
.L_simem_size_0:
called_computation.1_lowered:
.L_overlay_start_0:
0x88: {  	s2 =	sld [smem:$0x3FD9]  }
0x89: {  	s3 =	sld [smem:$0x3FFE];
	_ =	sdelay $0x1  }
0x8a: {  	s1 =	srdreg.scid  }
0x8b: {  	s0 =	sand.u32 $0x1, s1  }
0x8c: {  	s16 =	sshll.u32 s0, $0xA;
	s2 =	sadd.s32 s3, s2  }
0x8d: {  	s2 =	sadd.s32 s2, s16  }
0x8e: {  	[smem:$0x3FC3] =	sst s2  }
0x8f: {  	_ = 	snop  }
0x90: {  	(tm) =	ssettm $0x1  }
0x91: {  	s17 =	sld [smem:$0x3FFB];
	_ =	sdelay $0x3  }
0x92: {  	_ =	strace s17  }
0x93: {  	s2 =	sld [smem:$0x3FFC];
	_ =	sdelay $0x3  }
0x94: {  	_ =	strace s2  }
0x95: {  	s2 =	sld [smem:$0x3FFD];
	_ =	sdelay $0x3  }
0x96: {  	_ =	strace s2  }
0x97: {  	_ =	strace $0x8FFFFFFF  }
0x98: {  	s18 =	sld [smem:$0x3FDB];
	_ =	sdelay $0x1  }
0x99: {  	s19 =	simm.s32 $_scs_section_size  }
0x9a: {  	s4 =	simm.s32 $_size__tile_overlayer_lowered;
	s5 =	simm.s32 $_tile_overlayer_lowered  }
0x9b: {  	s22 =	simm.s32 $0x1BFF;
	s21 =	sshll.u32 s5, $0x1;
	s2 =	sadd.s32 s19, s18  }
0x9c: {  	s6 =	simm.s32 $0x0;
	s20 =	sshll.u32 s4, $0x1;
	s4 =	sadd.s32 s21, s2  }
0x9d: {  	[timem:s6], [sflag:s22] =	dma.local [hbm:s4], s20  }
0x9e: {  	_ =	swait.ge [sflag:s22], s20  }
0x9f: {  	s3 =	ssub.s32 $0x0, s20;
	[sflag:s22] =	ssyncset.done $0x0  }
0xa0: {  	[sflag:s22] =	ssyncadd.s32 s3;
	_ =	sdelay $0x1  }
0xa1: {  	s23 =	simm.s32 $0x1B8B  }
0xa2: {  	_ =	swait.ge [sflag:s23], $0x1  }
0xa3: {  	[sflag:s23] =	ssyncset.done $0x0  }
0xa4: {  	s25 =	simm.s32 $0x1B8E;
	s24 =	sld [smem:$0x3FFE];
	[sflag:s23] =	ssyncadd.s32 $0xFFFFFFFF  }
0xa5: {  	s26 =	simm.s32 $execute0_lowered;
	[smem:$0x3FD2] =	sst s25  }
0xa6: {  	s4 =	sshll.u32 s26, $0x1;
	_ =	strace $0x80000049;
	[dreg:$0x1] =	wrdreg $0xFFFFFFFF  }
0xa7: {  	s28 =	simm.s32 $_size_execute0_lowered;
	s2 =	sadd.s32 s2, s4;
	[dreg:$0x0] =	wrdreg $0x0  }
0xa8: {  	s4 =	sshll.u32 s28, $0x1;
	[dreg:$0x2] =	wrdreg s2  }
0xa9: {  	[dreg:$0x3] =	wrdreg s4  }
0xaa: {  	[dreg:$0x4] =	wrdreg $0xC0  }
0xab: {  	_ =	task [dreg:s6], $0x5FFFF  }
0xac: {  	[dreg:$0x1] =	wrdreg $0xFFFFFFFF  }
0xad: {  	[dreg:$0x0] =	wrdreg $0x60  }
0xae: {  	[dreg:$0x2] =	wrdreg s24  }
0xaf: {  	[dreg:$0x3] =	wrdreg $0xB0000  }
0xb0: {  	[dreg:$0x4] =	wrdreg $0x9  }
0xb1: {  	_ =	task.clear_ibuf [dreg:s6], $0x5FFFF;
	_ =	strace $0x90000049  }
0xb2: {  	s29 =	simm.s32 $0x9;
	_ =	strace $0x8000004B  }
0xb3: {  	_ =	swait.ge [sflag:s29], $0x1  }
0xb4: {  	[sflag:s29] =	ssyncadd.s32 $0xFFFFFFFF  }
0xb5: {  	_ =	strace $0x9000004B  }
0xb6: {  	_ =	sfence  }
0xb7: {  	s30 =	sld [smem:$0x0];
	_ =	sdelay $0x2  }
0xb8: {  	s31 =	sshll.u32 s1, $0xD;
	s1 =	sshrl.u32 s1, $0x2  }
0xb9: {  	s3 =	sand.u32 $0x4000, s31;
	s1 =	sadd.s32 s1, s30  }
0xba: {  	s0 =	sor.u32 s3, s0;
	s1 =	sshll.u32 s1, $0x11  }
0xbb: {  	s0 =	sor.u32 s1, s0  }
0xbc: {  	s0 =	sadd.s32 $0x8F2B, s0  }
0xbd: {  	[sflag:s0] =	ssyncadd.remote.s32 $0x1  }
0xbe: {  	_ =	sfence.sel $0xFFFF  }
0xbf: {  	[dreg:$0x0] =	wrdreg $0xFFFFFFFF;
	(pc) =	sbr.abs _section_cstart, $3  }
0xc0: {  	[dreg:$0x1] =	wrdreg $0xFFFFFFFF  }
0xc1: {  	_ =	task.clear_ibuf [dreg:s6], $0x2FFFF;
	_ =	strace $0x9FFFFFFF  }
0xc2: {  	(tm) =	ssettm $0x7FFFFFFF  }
0xc3: {  	_ =	shalt  }
tec
execute0_lowered:
.L_overlay_start_1:
0x0: {  	(tag) =	ssettag $0x1  }
0x1: {  	s0 =	rddreg [dreg:$0x0]  }
0x2: {  	s1 =	rddreg [dreg:$0x1];
	s2 =	simm.s32 $0x0;
	s11 =	stileid.u32  }
0x3: {  	s3 =	srdreg.scid;
	s17 =	simm.s32 $0x8;
	s7 =	smul.u32 $0xA80, s11  }
0x4: {  	s19 =	simm.s32 $0x80;
	s28 =	simm.s32 $0x9;
	s9 =	smul.u32 $0x4440, s11  }
0x5: {  	[smem:$0x7FF] =	sst s2;
	s3 =	sand.u32 $0x1, s3;
	s10 =	smul.u32 $0x4F000, s11  }
0x6: {  	s4 =	sadd.s32 $0x14C00, s0;
	s14 =	sadd.s32 $0x1000, s0;
	s18 =	smul.u32 $0x2780, s11  }
0x7: {  	s15 =	sadd.s32 $0xAE00, s0;
	s5 =	smul.u32 $0x27800, s3;
	s6 =	ssub.s32 $0x2, s3  }
0x8: {  	_ =	strace $0x8000004A;
	p0 =	seq.s32 s3, $0x0;
	s8 =	sshrl.u32 s6, $0x1  }
0x9: {  	s3 =	sadd.s32 $0x44400, s7;
	s23 =	sshrl.u32 s10, $0x2;
	s0 =	sadd.s32 s5, s0  }
0xa: {  	s13 =	ssub.s32 s6, s8;
	s3 =	smov.u32 @p0 s9;
	s5 =	simm.s32 $0x9C  }
0xb: {  	s6 =	sadd.s32 s23, s1;
	s23 =	simm.s32 $0x1;
	s3 =	sshrl.u32 s3, $0x3  }
0xc: {  	s5 =	simm.s32 @!p0 $0x18;
	s0 =	sadd.s32 $0x3BE00, s0;
	s13 =	smax.u32 s13, $0x1  }
0xd: {  	s24 =	sadd.s32 s14, s3;
	s25 =	sadd.s32 s15, s3;
	s26 =	sadd.s32 $0xE, s3  }
0xe: {  	s12 =	sadd.s32 $0x1C, s3;
	s16 =	ssub.s32 $0x0, s5;
	[dreg:$0x4] =	wrdreg s24  }
0xf: {  	s3 =	sadd.s32 $0x2A, s3;
	[dreg:$0x5] =	wrdreg s25;
	s29 =	sadd.s32 s14, s26  }
0x10: {  	s30 =	sadd.s32 s15, s26;
	s31 =	sadd.s32 s14, s12;
	[dreg:$0x3] =	wrdreg s16  }
0x11: {  	s12 =	sadd.s32 s15, s12;
	s22 =	sadd.s32 s3, s15;
	[dreg:$0x6] =	wrdreg s29  }
0x12: {  	s21 =	sadd.s32 s3, s14;
	s16 =	simm.s32 $0xAC00;
	[dreg:$0x7] =	wrdreg s30  }
0x13: {  	v0 =	vimm.f32 $0.0e+00;
	s24 =	sadd.s32 s18, s0;
	s25 =	simm.s32 $0x70;
	[dreg:$0x8] =	wrdreg s31  }
.LBB2_1:
0x14: {  	s0 =	simm.s32 $0x0;
	s3 =	simm.s32 $0x0  }
.LBB2_2:
0x15: {  	p0 =	sne.s32 s3, $0xFC0  }
.Ltmp0:
0x16: {  	_ = 	snop;
	(pc) =	sbr.rel @p0 .LBB2_2-.Ltmp0, $4  }
0x17: {  	s14 =	sand.u32 $0xE00, s3  }
0x18: {  	s15 =	sand.u32 $0x70, s0;
	s14 =	sshrl.u32 s14, $0x2  }
0x19: {  	s14 =	sor.u32 s15, s14  }
0x1a: {  	s0 =	sadd.s32 $0x10, s0;
	s3 =	sadd.s32 $0x40, s3;
	[tilespmem:s14+$0xAC00] =	vst v0  }
0x1b: {  	s0 =	simm.s32 $0x0  }
.LBB2_4:
0x1c: {  	p0 =	sne.s32 s0, $0x4E000  }
.Ltmp1:
0x1d: {  	_ = 	snop;
	(pc) =	sbr.rel @p0 .LBB2_4-.Ltmp1, $4  }
0x1e: {  	_ = 	snop  }
0x1f: {  	s3 =	sshra.s32 s0, $0x2  }
0x20: {  	s0 =	sadd.s32 $0x1000, s0;
	s3 =	sadd.s32 s3, s6  }
0x21: {  	[spmem:s3] =	stream.linear.scatter [tilespmem:s16], [sflag:$0x8], $0x400, $0x38;
	[tilespmem:$0x1EC00] =	vst v63  }
0x22: {  	_ =	swait.ge [sflag:s17], $0x400  }
0x23: {  	s0 =	simm.s32 $0x4E;
	[sflag:s17] =	ssyncset.done $0x0  }
.LBB2_6:
0x24: {  	p0 =	sne.s32 s0, $0x1;
	s0 =	sadd.s32 $0xFFFFFFFF, s0;
	[sflag:s17] =	ssyncadd.s32 $0xFFFFFC00  }
.Ltmp2:
0x25: {  	(pc) =	sbr.rel @p0 .LBB2_6-.Ltmp2, $3  }
0x26: {  	_ =	sdelay $0x1  }
0x27: {  	_ =	swait.ge [sflag:s17], $0x400  }
0x28: {  	[sflag:s17] =	ssyncset.done $0x0  }
0x29: {  	[sflag:s17] =	ssyncadd.s32 $0xFFFFFC00  }
0x2a: {  	[bflag:$0x0] =	sbarrier.arrive $0xFFFF  }
0x2b: {  	s29 =	simm.s32 $0x0;
	s0 =	rddreg [dreg:$0x4]  }
0x2c: {  	[tilespmem:s29], [sflag:$0x1] =	stream.linear.gather [hbm4b:s0+s29], $0x70, $0x38;
	[tilespmem:$0x1EC00] =	vst v63  }
0x2d: {  	s3 =	simm.s32 $0x200;
	s9 =	rddreg [dreg:$0x5]  }
0x2e: {  	[tilespmem:s3], [sflag:$0x1] =	stream.linear.gather [hbm4b:s9+s29], $0x70, $0x38;
	[tilespmem:$0x1EC00] =	vst v63  }
0x2f: {  	s10 =	rddreg [dreg:$0x6]  }
0x30: {  	[tilespmem:s19], [sflag:$0x2] =	stream.linear.gather [hbm4b:s10+s29], $0x70, $0x38;
	[tilespmem:$0x1EC00] =	vst v63  }
0x31: {  	s14 =	simm.s32 $0x280;
	s11 =	rddreg [dreg:$0x7]  }
0x32: {  	[tilespmem:s14], [sflag:$0x2] =	stream.linear.gather [hbm4b:s11+s29], $0x70, $0x38;
	[tilespmem:$0x1EC00] =	vst v63  }
0x33: {  	s18 =	simm.s32 $0x100;
	s15 =	rddreg [dreg:$0x8]  }
0x34: {  	[tilespmem:s18], [sflag:$0x3] =	stream.linear.gather [hbm4b:s15+s29], $0x70, $0x38;
	[tilespmem:$0x1EC00] =	vst v63  }
0x35: {  	s20 =	simm.s32 $0x300  }
0x36: {  	[tilespmem:s20], [sflag:$0x3] =	stream.linear.gather [hbm4b:s12+s29], $0x70, $0x38;
	[tilespmem:$0x1EC00] =	vst v63  }
0x37: {  	_ =	swait.ge [sflag:s23], $0x70  }
0x38: {  	[sflag:s23] =	ssyncset.done $0x0  }
0x39: {  	[sflag:s23] =	ssyncadd.s32 $0xFFFFFF90  }
0x3a: {  	_ =	swait.ge [sflag:s23], $0x70  }
0x3b: {  	[sflag:s23] =	ssyncset.done $0x0  }
0x3c: {  	s30 =	simm.s32 $0x400;
	s31 =	simm.s32 $0x2;
	[sflag:s23] =	ssyncadd.s32 $0xFFFFFF90  }
0x3d: {  	[tilespmem:s30], [sflag:$0x5] =	stream.indirect.gather [hbm4b:s4+s25], $0x80, s29, s25, $0xb8;
	[tilespmem:$0x1EC00] =	vst v63  }
0x3e: {  	_ =	swait.ge [sflag:s31], $0x70  }
0x3f: {  	[sflag:s31] =	ssyncset.done $0x0  }
0x40: {  	[sflag:s31] =	ssyncadd.s32 $0xFFFFFF90  }
0x41: {  	s26 =	simm.s32 $0x3C00;
	_ =	swait.ge [sflag:s31], $0x70  }
0x42: {  	s0 =	simm.s32 $0x3;
	s3 =	simm.s32 $0x7;
	[sflag:s31] =	ssyncset.done $0x0  }
0x43: {  	s14 =	smov.u32 s22;
	s18 =	simm.s32 $0x7400;
	[sflag:s31] =	ssyncadd.s32 $0xFFFFFF90  }
0x44: {  	[tilespmem:s26], [sflag:$0x6] =	stream.indirect.gather [hbm4b:s4+s25], $0x80, s19, s25, $0xb8;
	[tilespmem:$0x1EC00] =	vst v63  }
0x45: {  	s15 =	smov.u32 s21;
	s20 =	simm.s32 $0x5;
	s26 =	simm.s32 $0x0  }
.LBB2_8:
0x46: {  	s7 =	smulhi.u32 $0xAAAAAAAB, s26;
	_ =	sdelay $0x1  }
0x47: {  	s7 =	sshrl.u32 s7, $0x1  }
0x48: {  	s8 =	smul.u32 $0xFFFFFFF4, s7;
	_ =	sdelay $0x1  }
0x49: {  	s8 =	sshra.s32 s8, $0x2  }
0x4a: {  	s9 =	sadd.s32 $0xFFFFFFFF, s0;
	s8 =	sadd.s32 s8, s20  }
0x4b: {  	s10 =	smulhi.u32 $0xAAAAAAAB, s31;
	p0 =	sge.u32 s9, s5;
	_ =	swait.ge [sflag:s8], $0x3800  }
0x4c: {  	s9 =	sand.u32 @!p0 $0x3, s9;
	[sflag:s8] =	ssyncset.done $0x0  }
0x4d: {  	s10 =	sshrl.u32 s10, $0x1;
	[sflag:s8] =	ssyncadd.s32 $0xFFFFC800;
	s8 =	sadd.s32 @!p0 $0x1, s9  }
0x4e: {  	s11 =	smul.u32 $0xFFFFFFF4, s10;
	_ =	swait.ge @!p0 [sflag:s8], $0x70  }
0x4f: {  	s10 =	smul.u32 $0xFFFD6000, s10;
	[sflag:s8] =	ssyncset.done @!p0 $0x0  }
0x50: {  	s7 =	smul.u32 $0xFFFD6000, s7;
	[sflag:s8] =	ssyncadd.s32 @!p0 $0xFFFFFF90  }
0x51: {  	s11 =	sshra.s32 s11, $0x2;
	s10 =	sshra.s32 s10, $0x2;
	_ =	swait.ge @!p0 [sflag:s8], $0x70  }
0x52: {  	s11 =	sadd.s32 s11, s3;
	s10 =	sadd.s32 s10, s18;
	[sflag:s8] =	ssyncset.done @!p0 $0x0  }
0x53: {  	s9 =	sshll.u32 @!p0 s9, $0x7;
	[sflag:s8] =	ssyncadd.s32 @!p0 $0xFFFFFF90;
	s8 =	simm.s32 @!p0 $0x70  }
0x54: {  	[tilespmem:s10], [sflag:s11] =	stream.indirect.gather @!p0 [hbm4b:s4+s8], $0x80, s9, s8, $0xb8;
	[tilespmem:$0x1EC00] =	vst v63  }
0x55: {  	s7 =	sshra.s32 s7, $0x2;
	s10 =	sand.u32 $0x180, s29  }
0x56: {  	s7 =	sadd.s32 s7, s30;
	p0 =	sge.u32 s0, s5;
	s8 =	sor.u32 $0x200, s10  }
0x57: {  	[spmem:s1] =	stream.indirect.scatter.add.f32 [tilespmem:s7], [sflag:$0x9], $0x80, s8, s25, $0xb8;
	[tilespmem:$0x1EC00] =	vst v63  }
0x58: {  	s9 =	simm.s32 @!p0 $0x0;
	s7 =	sand.u32 @!p0 $0x3, s0;
	_ =	swait.ge [sflag:s28], $0x3800  }
0x59: {  	s0 =	sadd.s32 $0x1, s0;
	s8 =	sadd.s32 @!p0 $0x1, s7;
	[sflag:s28] =	ssyncset.done $0x0  }
0x5a: {  	s7 =	sshll.u32 @!p0 s7, $0x7;
	s11 =	rddreg [dreg:$0x3];
	[sflag:s28] =	ssyncadd.s32 $0xFFFFC800  }
0x5b: {  	[tilespmem:s7], [sflag:s8] =	stream.linear.gather @!p0 [hbm4b:s15+s9], $0x70, $0x38;
	[tilespmem:$0x1EC00] =	vst v63  }
0x5c: {  	s11 =	sadd.s32 s0, s11;
	s7 =	sor.u32 @!p0 $0x200, s7  }
0x5d: {  	[tilespmem:s7], [sflag:s8] =	stream.linear.gather @!p0 [hbm4b:s14+s9], $0x70, $0x38;
	[tilespmem:$0x1EC00] =	vst v63  }
0x5e: {  	p0 =	sne.s32 s11, $0x3  }
.Ltmp3:
0x5f: {  	_ = 	snop;
	(pc) =	sbr.rel @p0 .LBB2_8-.Ltmp3, $4  }
0x60: {  	_ = 	snop  }
0x61: {  	s26 =	sadd.s32 $0x1, s26;
	s31 =	sadd.s32 $0x1, s31;
	s3 =	sadd.s32 $0x1, s3  }
0x62: {  	s18 =	sadd.s32 $0x3800, s18;
	s20 =	sadd.s32 $0x1, s20;
	s30 =	sadd.s32 $0x3800, s30  }
0x63: {  	s29 =	sadd.s32 $0x80, s29;
	s15 =	sadd.s32 $0xE, s15;
	s14 =	sadd.s32 $0xE, s14  }
0x64: {  	s0 =	stileid.u32;
	s2 =	sadd.s32 $0x1, s2  }
0x65: {  	[bflag:$0x0] =	sbarrier.arrive $0xFFFF;
	s0 =	sshll.u32 s0, $0x6;
	p0 =	sne.s32 s2, s13  }
.Ltmp4:
0x66: {  	s3 =	sshrl.u32 s6, $0x3;
	s0 =	sor.u32 $0x1C09, s0;
	(pc) =	sbr.rel @p0 .LBB2_1-.Ltmp4, $4  }
0x67: {  	[hbm:s24], [sflag:s0] =	dma.local [spmem:s3], $0x2780  }
0x68: {  	_ =	swait.ge [sflag:s28], $0x2780  }
0x69: {  	[sflag:s28] =	ssyncset.done $0x0  }
0x6a: {  	[sflag:s28] =	ssyncadd.s32 $0xFFFFD880  }
0x6b: {  	_ =	sfence.sel $0x180000  }
0x6c: {  	[bflag:$0x0] =	sbarrier.arrive $0xFFFF  }
0x6d: {  	_ =	strace $0x9000004A  }
0x6e: {  	s0 =	stileid.u32;
	[bflag:$0x2] =	sbarrier.arrive $0xFFFF  }
0x6f: {  	p0 =	sne.s32 s0, $0x0;
	s0 =	rddreg [dreg:$0x2]  }
0x70: {  	s0 =	sadd.s32 @!p0 $0x100000, s0  }
0x71: {  	[sflag:s0] =	ssyncadd.tile.s32 @!p0 $0x1;
	_ =	shalt  }
.Lfunc_end2:
_tile_overlayer_lowered:
.L_overlay_start_2:
0x72: {  	(tag) =	ssettag $0x2  }
0x73: {  	s0 =	rddreg [dreg:$0x0];
	s2 =	stileid.u32  }
0x74: {  	s1 =	rddreg [dreg:$0x1];
	p0 =	sne.s32 s2, $0x0  }
0x75: {  	s3 =	rddreg [dreg:$0x2];
	[bflag:$0x3] =	sbarrier.arrive $0xFFFF;
	s2 =	simm.s32 @!p0 $0x1C09  }
0x76: {  	[timem:s3], [sflag:s2] =	dma.local @!p0 [hbm:s0], s1  }
0x77: {  	s0 =	simm.s32 @!p0 $0x9  }
0x78: {  	_ =	swait.ge @!p0 [sflag:s0], s1  }
0x79: {  	s1 =	ssub.s32 @!p0 $0x0, s1;
	[sflag:s0] =	ssyncset.done @!p0 $0x0  }
0x7a: {  	[sflag:s0] =	ssyncadd.s32 @!p0 s1  }
0x7b: {  	[bflag:$0x3] =	sbarrier.arrive $0xFFFF  }
0x7c: {  	_ =	shalt  }

// kernel: kernel.7.cloned.1.call-start
scs
__scs_entry_jumppad:
0x0: {  	(pc) =	sbr.rel $0x88, $3  }
0x1: {  	(tag) =	ssettag $0x0;
	lr =	simm.s32 $0x1  }
0x2: {  	[smem:$0x3F9C] =	sst lr;
	_ =	strace $0xD0000000  }
0x3: {  	_ = 	snop  }
0x4: {  	_ = 	snop  }
0x5: {  	_ = 	snop  }
0x6: {  	_ = 	snop  }
0x7: {  	_ = 	snop  }
__scs_overlays_trampoline_lowered:
0x8: {  	[smem:$0x3FAB] =	sst s0  }
0x9: {  	[smem:$0x3FAC] =	sst s1  }
0xa: {  	[smem:$0x3FAD] =	sst s2  }
0xb: {  	[smem:$0x3FAE] =	sst s3  }
0xc: {  	[smem:$0x3FAF] =	sst s4  }
0xd: {  	[smem:$0x3FB0] =	sst s5  }
0xe: {  	[smem:$0x3FB1] =	sst s6  }
0xf: {  	[smem:$0x3FB2] =	sst s7  }
0x10: {  	[smem:$0x3FB3] =	sst s8  }
0x11: {  	[smem:$0x3FB4] =	sst s9;
	s0 =	simm.s32 @!p0 $0x0  }
0x12: {  	s1 =	sld [smem:$0x3F9A];
	s0 =	simm.s32 @p0 $0x1  }
0x13: {  	[smem:$0x3FB5] =	sst s0;
	s0 =	simm.s32 @!p1 $0x0  }
0x14: {  	s2 =	sld [smem:$0x3F99];
	s0 =	simm.s32 @p1 $0x1  }
0x15: {  	[smem:$0x3FB6] =	sst s0;
	s0 =	simm.s32 @!p2 $0x0  }
0x16: {  	s3 =	sld [smem:$0x3FDB];
	s0 =	simm.s32 @p2 $0x1  }
0x17: {  	s4 =	simm.s32 $0x1BF5;
	[smem:$0x3FB8] =	sst s0  }
0x18: {  	s0 =	sld [smem:$0x3F9B];
	_ =	swait.ge [sflag:s4], $0x0  }
0x19: {  	s7 =	sld [smem:$0x3F9C]  }
0x1a: {  	s8 =	sadd.s32 $0xFFFFE003, lr  }
0x1b: {  	s9 =	sadd.s32 $0xFFFFFEF7, lr;
	s5 =	simm.s32 $0xFFFFFFFF;
	p2 =	slt.u32 s8, $0xFFFFF086  }
0x1c: {  	p1 =	slt.u32 s9, $0xF7A;
	s5 =	simm.s32 @!p2 $0x0  }
0x1d: {  	s5 =	simm.s32 @p1 $0x1;
	p0 =	seq.s32 s7, s2  }
0x1e: {  	s7 =	smul.u32 @!p0 $0xF7A, s2;
	p2 =	seq.s32 @!p0 s5, $0x0  }
0x1f: {  	s9 =	smul.u32 $0xF7A, s1;
	s8 =	simm.s32 @!p0 $0x1BF5;
	p2 =	por !p2, p0  }
0x20: {  	[sflag:s8] =	ssyncset.s32 @!p0 $0xFFFFF086;
	s6 =	sadd.s32 @!p0 s3, s7;
	s7 =	simm.s32 @!p0 $0x108  }
0x21: {  	s3 =	sadd.s32 s3, s9;
	s6 =	sadd.s32 @!p0 $0x88, s6;
	s7 =	simm.s32 @p2 $0x1082  }
0x22: {  	[simem:s7], [sflag:s8] =	dma.local @!p0 [hbm:s6], $0xF7A  }
0x23: {  	s9 =	sor.u32 $0xD0000000, s2;
	s6 =	simm.s32 $0x108;
	_ =	swait.ge @!p0 [sflag:s8], $0x0  }
0x24: {  	s3 =	sadd.s32 $0x88, s3;
	s6 =	simm.s32 @!p1 $0x1082;
	[sflag:s4] =	ssyncset.s32 $0xFFFFF086  }
0x25: {  	[simem:s6], [sflag:s4] =	dma.local [hbm:s3], $0xF7A  }
0x26: {  	[smem:$0x3F9C] =	sst s1;
	(tag) =	ssettag s2;
	_ =	strace s9  }
0x27: {  	s1 =	sld [smem:$0x3FAC]  }
0x28: {  	s2 =	sld [smem:$0x3FAD]  }
0x29: {  	s4 =	sld [smem:$0x3FAF]  }
0x2a: {  	p0 =	seq.s32 s5, $0x0;
	s5 =	sld [smem:$0x3FB0]  }
0x2b: {  	s6 =	sld [smem:$0x3FB1]  }
0x2c: {  	s7 =	sld [smem:$0x3FB2]  }
0x2d: {  	s3 =	simm.s32 $0x108;
	s8 =	sld [smem:$0x3FB3]  }
0x2e: {  	s3 =	simm.s32 @!p0 $0x1082;
	s9 =	sld [smem:$0x3FB4]  }
0x2f: {  	lr =	sadd.s32 s0, s3;
	s0 =	sld [smem:$0x3FAB]  }
0x30: {  	s3 =	sld [smem:$0x3FAE]  }
0x31: {  	[smem:$0x3FB7] =	sst s10  }
0x32: {  	s10 =	sld [smem:$0x3FB5];
	_ =	sdelay $0x3  }
0x33: {  	p0 =	seq.s32 s10, $0x1;
	s10 =	sld [smem:$0x3FB7];
	_ =	sdelay $0x3  }
0x34: {  	[smem:$0x3FB7] =	sst s10  }
0x35: {  	s10 =	sld [smem:$0x3FB6];
	_ =	sdelay $0x3  }
0x36: {  	p1 =	seq.s32 s10, $0x1;
	s10 =	sld [smem:$0x3FB7];
	_ =	sdelay $0x3  }
0x37: {  	[smem:$0x3FB7] =	sst s10  }
0x38: {  	s10 =	sld [smem:$0x3FB8]  }
0x39: {  	_ = 	snop;
	(pc) =	sbr.ind lr, $3  }
0x3a: {  	_ = 	snop  }
0x3b: {  	_ = 	snop  }
0x3c: {  	p2 =	seq.s32 s10, $0x1;
	s10 =	sld [smem:$0x3FB7]  }
0x3d: {  	_ =	shalt  }
0x3e: {  	_ =	shalt  }
0x3f: {  	_ =	shalt  }
0x40: {  	_ =	shalt  }
0x41: {  	_ =	shalt  }
0x42: {  	_ =	shalt  }
0x43: {  	_ =	shalt  }
0x44: {  	_ =	shalt  }
0x45: {  	_ =	shalt  }
0x46: {  	_ =	shalt  }
0x47: {  	_ =	shalt  }
0x48: {  	_ =	shalt  }
0x49: {  	_ =	shalt  }
0x4a: {  	_ =	shalt  }
0x4b: {  	_ =	shalt  }
0x4c: {  	_ =	shalt  }
0x4d: {  	_ =	shalt  }
0x4e: {  	_ =	shalt  }
0x4f: {  	_ =	shalt  }
0x50: {  	_ =	shalt  }
0x51: {  	_ =	shalt  }
0x52: {  	_ =	shalt  }
0x53: {  	_ =	shalt  }
0x54: {  	_ =	shalt  }
0x55: {  	_ =	shalt  }
0x56: {  	_ =	shalt  }
0x57: {  	_ =	shalt  }
0x58: {  	_ =	shalt  }
0x59: {  	_ =	shalt  }
0x5a: {  	_ =	shalt  }
0x5b: {  	_ =	shalt  }
0x5c: {  	_ =	shalt  }
0x5d: {  	_ =	shalt  }
0x5e: {  	_ =	shalt  }
0x5f: {  	_ =	shalt  }
0x60: {  	_ =	shalt  }
0x61: {  	_ =	shalt  }
0x62: {  	_ =	shalt  }
0x63: {  	_ =	shalt  }
0x64: {  	_ =	shalt  }
0x65: {  	_ =	shalt  }
0x66: {  	_ =	shalt  }
0x67: {  	_ =	shalt  }
0x68: {  	_ =	shalt  }
0x69: {  	_ =	shalt  }
0x6a: {  	_ =	shalt  }
0x6b: {  	_ =	shalt  }
0x6c: {  	_ =	shalt  }
0x6d: {  	_ =	shalt  }
0x6e: {  	_ =	shalt  }
0x6f: {  	_ =	shalt  }
0x70: {  	_ =	shalt  }
0x71: {  	_ =	shalt  }
0x72: {  	_ =	shalt  }
0x73: {  	_ =	shalt  }
0x74: {  	_ =	shalt  }
0x75: {  	_ =	shalt  }
0x76: {  	_ =	shalt  }
0x77: {  	_ =	shalt  }
0x78: {  	_ =	shalt  }
0x79: {  	_ =	shalt  }
0x7a: {  	_ =	shalt  }
0x7b: {  	_ =	shalt  }
0x7c: {  	_ =	shalt  }
0x7d: {  	_ =	shalt  }
0x7e: {  	_ =	shalt  }
0x7f: {  	_ =	shalt  }
0x80: {  	_ =	shalt  }
0x81: {  	_ =	shalt  }
0x82: {  	_ =	shalt  }
0x83: {  	_ =	shalt  }
0x84: {  	_ =	shalt  }
0x85: {  	_ =	shalt  }
0x86: {  	_ =	shalt  }
0x87: {  	_ =	shalt  }
.Lfunc_end0:
.L_simem_size_0:
called_computation_lowered:
.L_overlay_start_0:
0x88: {  	s2 =	sld [smem:$0x3FD9]  }
0x89: {  	s3 =	sld [smem:$0x3FFE];
	_ =	sdelay $0x1  }
0x8a: {  	s1 =	srdreg.scid  }
0x8b: {  	s0 =	sand.u32 $0x1, s1  }
0x8c: {  	s16 =	sshll.u32 s0, $0xA;
	s2 =	sadd.s32 s3, s2  }
0x8d: {  	s2 =	sadd.s32 s2, s16  }
0x8e: {  	[smem:$0x3FC3] =	sst s2  }
0x8f: {  	_ = 	snop  }
0x90: {  	(tm) =	ssettm $0x1  }
0x91: {  	s17 =	sld [smem:$0x3FFB];
	_ =	sdelay $0x3  }
0x92: {  	_ =	strace s17  }
0x93: {  	s2 =	sld [smem:$0x3FFC];
	_ =	sdelay $0x3  }
0x94: {  	_ =	strace s2  }
0x95: {  	s2 =	sld [smem:$0x3FFD];
	_ =	sdelay $0x3  }
0x96: {  	_ =	strace s2  }
0x97: {  	_ =	strace $0x8FFFFFFF  }
0x98: {  	s18 =	sld [smem:$0x3FDB];
	_ =	sdelay $0x1  }
0x99: {  	s19 =	simm.s32 $_scs_section_size  }
0x9a: {  	s4 =	simm.s32 $_size__tile_overlayer_lowered;
	s5 =	simm.s32 $_tile_overlayer_lowered  }
0x9b: {  	s22 =	simm.s32 $0x1BFF;
	s21 =	sshll.u32 s5, $0x1;
	s2 =	sadd.s32 s19, s18  }
0x9c: {  	s6 =	simm.s32 $0x0;
	s20 =	sshll.u32 s4, $0x1;
	s4 =	sadd.s32 s21, s2  }
0x9d: {  	[timem:s6], [sflag:s22] =	dma.local [hbm:s4], s20  }
0x9e: {  	_ =	swait.ge [sflag:s22], s20  }
0x9f: {  	s3 =	ssub.s32 $0x0, s20;
	[sflag:s22] =	ssyncset.done $0x0  }
0xa0: {  	[sflag:s22] =	ssyncadd.s32 s3;
	_ =	sdelay $0x1  }
0xa1: {  	s23 =	simm.s32 $0x1B8B  }
0xa2: {  	_ =	swait.ge [sflag:s23], $0x1  }
0xa3: {  	[sflag:s23] =	ssyncset.done $0x0  }
0xa4: {  	s25 =	simm.s32 $0x1B8E;
	s24 =	sld [smem:$0x3FFE];
	[sflag:s23] =	ssyncadd.s32 $0xFFFFFFFF  }
0xa5: {  	s26 =	simm.s32 $execute0_lowered;
	[smem:$0x3FD2] =	sst s25  }
0xa6: {  	s4 =	sshll.u32 s26, $0x1;
	_ =	strace $0x80000046;
	[dreg:$0x1] =	wrdreg $0xFFFFFFFF  }
0xa7: {  	s28 =	simm.s32 $_size_execute0_lowered;
	s2 =	sadd.s32 s2, s4;
	[dreg:$0x0] =	wrdreg $0x0  }
0xa8: {  	s4 =	sshll.u32 s28, $0x1;
	[dreg:$0x2] =	wrdreg s2  }
0xa9: {  	[dreg:$0x3] =	wrdreg s4  }
0xaa: {  	[dreg:$0x4] =	wrdreg $0xC0  }
0xab: {  	_ =	task [dreg:s6], $0x5FFFF  }
0xac: {  	[dreg:$0x1] =	wrdreg $0xFFFFFFFF  }
0xad: {  	[dreg:$0x0] =	wrdreg $0x60  }
0xae: {  	[dreg:$0x2] =	wrdreg s24  }
0xaf: {  	[dreg:$0x3] =	wrdreg $0xB0000  }
0xb0: {  	[dreg:$0x4] =	wrdreg $0x9  }
0xb1: {  	_ =	task.clear_ibuf [dreg:s6], $0x5FFFF;
	_ =	strace $0x90000046  }
0xb2: {  	s29 =	simm.s32 $0x9;
	_ =	strace $0x80000048  }
0xb3: {  	_ =	swait.ge [sflag:s29], $0x1  }
0xb4: {  	[sflag:s29] =	ssyncadd.s32 $0xFFFFFFFF  }
0xb5: {  	_ =	strace $0x90000048  }
0xb6: {  	_ =	sfence  }
0xb7: {  	s30 =	sld [smem:$0x0];
	_ =	sdelay $0x2  }
0xb8: {  	s31 =	sshll.u32 s1, $0xD;
	s1 =	sshrl.u32 s1, $0x2  }
0xb9: {  	s3 =	sand.u32 $0x4000, s31;
	s1 =	sadd.s32 s1, s30  }
0xba: {  	s0 =	sor.u32 s3, s0;
	s1 =	sshll.u32 s1, $0x11  }
0xbb: {  	s0 =	sor.u32 s1, s0  }
0xbc: {  	s0 =	sadd.s32 $0x8F2B, s0  }
0xbd: {  	[sflag:s0] =	ssyncadd.remote.s32 $0x1  }
0xbe: {  	_ =	sfence.sel $0xFFFF  }
0xbf: {  	[dreg:$0x0] =	wrdreg $0xFFFFFFFF;
	(pc) =	sbr.abs _section_cstart, $3  }
0xc0: {  	[dreg:$0x1] =	wrdreg $0xFFFFFFFF  }
0xc1: {  	_ =	task.clear_ibuf [dreg:s6], $0x2FFFF;
	_ =	strace $0x9FFFFFFF  }
0xc2: {  	(tm) =	ssettm $0x7FFFFFFF  }
0xc3: {  	_ =	shalt  }
tec
execute0_lowered:
.L_overlay_start_1:
0x0: {  	(tag) =	ssettag $0x1  }
0x1: {  	s0 =	rddreg [dreg:$0x0]  }
0x2: {  	s1 =	rddreg [dreg:$0x1];
	s2 =	simm.s32 $0x0;
	s11 =	stileid.u32  }
0x3: {  	s3 =	srdreg.scid;
	s17 =	simm.s32 $0x8;
	s7 =	smul.u32 $0xA80, s11  }
0x4: {  	s19 =	simm.s32 $0x80;
	s28 =	simm.s32 $0x9;
	s9 =	smul.u32 $0x4440, s11  }
0x5: {  	[smem:$0x7FF] =	sst s2;
	s3 =	sand.u32 $0x1, s3;
	s10 =	smul.u32 $0x4F000, s11  }
0x6: {  	s4 =	sadd.s32 $0x14C00, s0;
	s14 =	sadd.s32 $0x1000, s0;
	s18 =	smul.u32 $0x2780, s11  }
0x7: {  	s15 =	sadd.s32 $0xAE00, s0;
	s5 =	smul.u32 $0x27800, s3;
	s6 =	ssub.s32 $0x2, s3  }
0x8: {  	_ =	strace $0x80000047;
	p0 =	seq.s32 s3, $0x0;
	s8 =	sshrl.u32 s6, $0x1  }
0x9: {  	s3 =	sadd.s32 $0x44400, s7;
	s23 =	sshrl.u32 s10, $0x2;
	s0 =	sadd.s32 s5, s0  }
0xa: {  	s13 =	ssub.s32 s6, s8;
	s3 =	smov.u32 @p0 s9;
	s5 =	simm.s32 $0x9C  }
0xb: {  	s6 =	sadd.s32 s23, s1;
	s23 =	simm.s32 $0x1;
	s3 =	sshrl.u32 s3, $0x3  }
0xc: {  	s5 =	simm.s32 @!p0 $0x18;
	s0 =	sadd.s32 $0x3BE00, s0;
	s13 =	smax.u32 s13, $0x1  }
0xd: {  	s24 =	sadd.s32 s14, s3;
	s25 =	sadd.s32 s15, s3;
	s26 =	sadd.s32 $0xE, s3  }
0xe: {  	s12 =	sadd.s32 $0x1C, s3;
	s16 =	ssub.s32 $0x0, s5;
	[dreg:$0x4] =	wrdreg s24  }
0xf: {  	s3 =	sadd.s32 $0x2A, s3;
	[dreg:$0x5] =	wrdreg s25;
	s29 =	sadd.s32 s14, s26  }
0x10: {  	s30 =	sadd.s32 s15, s26;
	s31 =	sadd.s32 s14, s12;
	[dreg:$0x3] =	wrdreg s16  }
0x11: {  	s12 =	sadd.s32 s15, s12;
	s22 =	sadd.s32 s3, s15;
	[dreg:$0x6] =	wrdreg s29  }
0x12: {  	s21 =	sadd.s32 s3, s14;
	s16 =	simm.s32 $0xAC00;
	[dreg:$0x7] =	wrdreg s30  }
0x13: {  	v0 =	vimm.f32 $0.0e+00;
	s24 =	sadd.s32 s18, s0;
	s25 =	simm.s32 $0x70;
	[dreg:$0x8] =	wrdreg s31  }
.LBB2_1:
0x14: {  	s0 =	simm.s32 $0x0;
	s3 =	simm.s32 $0x0  }
.LBB2_2:
0x15: {  	p0 =	sne.s32 s3, $0xFC0  }
.Ltmp0:
0x16: {  	_ = 	snop;
	(pc) =	sbr.rel @p0 .LBB2_2-.Ltmp0, $4  }
0x17: {  	s14 =	sand.u32 $0xE00, s3  }
0x18: {  	s15 =	sand.u32 $0x70, s0;
	s14 =	sshrl.u32 s14, $0x2  }
0x19: {  	s14 =	sor.u32 s15, s14  }
0x1a: {  	s0 =	sadd.s32 $0x10, s0;
	s3 =	sadd.s32 $0x40, s3;
	[tilespmem:s14+$0xAC00] =	vst v0  }
0x1b: {  	s0 =	simm.s32 $0x0  }
.LBB2_4:
0x1c: {  	p0 =	sne.s32 s0, $0x4E000  }
.Ltmp1:
0x1d: {  	_ = 	snop;
	(pc) =	sbr.rel @p0 .LBB2_4-.Ltmp1, $4  }
0x1e: {  	_ = 	snop  }
0x1f: {  	s3 =	sshra.s32 s0, $0x2  }
0x20: {  	s0 =	sadd.s32 $0x1000, s0;
	s3 =	sadd.s32 s3, s6  }
0x21: {  	[spmem:s3] =	stream.linear.scatter [tilespmem:s16], [sflag:$0x8], $0x400, $0x38;
	[tilespmem:$0x1EC00] =	vst v63  }
0x22: {  	_ =	swait.ge [sflag:s17], $0x400  }
0x23: {  	s0 =	simm.s32 $0x4E;
	[sflag:s17] =	ssyncset.done $0x0  }
.LBB2_6:
0x24: {  	p0 =	sne.s32 s0, $0x1;
	s0 =	sadd.s32 $0xFFFFFFFF, s0;
	[sflag:s17] =	ssyncadd.s32 $0xFFFFFC00  }
.Ltmp2:
0x25: {  	(pc) =	sbr.rel @p0 .LBB2_6-.Ltmp2, $3  }
0x26: {  	_ =	sdelay $0x1  }
0x27: {  	_ =	swait.ge [sflag:s17], $0x400  }
0x28: {  	[sflag:s17] =	ssyncset.done $0x0  }
0x29: {  	[sflag:s17] =	ssyncadd.s32 $0xFFFFFC00  }
0x2a: {  	[bflag:$0x0] =	sbarrier.arrive $0xFFFF  }
0x2b: {  	s29 =	simm.s32 $0x0;
	s0 =	rddreg [dreg:$0x4]  }
0x2c: {  	[tilespmem:s29], [sflag:$0x1] =	stream.linear.gather [hbm4b:s0+s29], $0x70, $0x38;
	[tilespmem:$0x1EC00] =	vst v63  }
0x2d: {  	s3 =	simm.s32 $0x200;
	s9 =	rddreg [dreg:$0x5]  }
0x2e: {  	[tilespmem:s3], [sflag:$0x1] =	stream.linear.gather [hbm4b:s9+s29], $0x70, $0x38;
	[tilespmem:$0x1EC00] =	vst v63  }
0x2f: {  	s10 =	rddreg [dreg:$0x6]  }
0x30: {  	[tilespmem:s19], [sflag:$0x2] =	stream.linear.gather [hbm4b:s10+s29], $0x70, $0x38;
	[tilespmem:$0x1EC00] =	vst v63  }
0x31: {  	s14 =	simm.s32 $0x280;
	s11 =	rddreg [dreg:$0x7]  }
0x32: {  	[tilespmem:s14], [sflag:$0x2] =	stream.linear.gather [hbm4b:s11+s29], $0x70, $0x38;
	[tilespmem:$0x1EC00] =	vst v63  }
0x33: {  	s18 =	simm.s32 $0x100;
	s15 =	rddreg [dreg:$0x8]  }
0x34: {  	[tilespmem:s18], [sflag:$0x3] =	stream.linear.gather [hbm4b:s15+s29], $0x70, $0x38;
	[tilespmem:$0x1EC00] =	vst v63  }
0x35: {  	s20 =	simm.s32 $0x300  }
0x36: {  	[tilespmem:s20], [sflag:$0x3] =	stream.linear.gather [hbm4b:s12+s29], $0x70, $0x38;
	[tilespmem:$0x1EC00] =	vst v63  }
0x37: {  	_ =	swait.ge [sflag:s23], $0x70  }
0x38: {  	[sflag:s23] =	ssyncset.done $0x0  }
0x39: {  	[sflag:s23] =	ssyncadd.s32 $0xFFFFFF90  }
0x3a: {  	_ =	swait.ge [sflag:s23], $0x70  }
0x3b: {  	[sflag:s23] =	ssyncset.done $0x0  }
0x3c: {  	s30 =	simm.s32 $0x400;
	s31 =	simm.s32 $0x2;
	[sflag:s23] =	ssyncadd.s32 $0xFFFFFF90  }
0x3d: {  	[tilespmem:s30], [sflag:$0x5] =	stream.indirect.gather [hbm4b:s4+s25], $0x80, s29, s25, $0xb8;
	[tilespmem:$0x1EC00] =	vst v63  }
0x3e: {  	_ =	swait.ge [sflag:s31], $0x70  }
0x3f: {  	[sflag:s31] =	ssyncset.done $0x0  }
0x40: {  	[sflag:s31] =	ssyncadd.s32 $0xFFFFFF90  }
0x41: {  	s26 =	simm.s32 $0x3C00;
	_ =	swait.ge [sflag:s31], $0x70  }
0x42: {  	s0 =	simm.s32 $0x3;
	s3 =	simm.s32 $0x7;
	[sflag:s31] =	ssyncset.done $0x0  }
0x43: {  	s14 =	smov.u32 s22;
	s18 =	simm.s32 $0x7400;
	[sflag:s31] =	ssyncadd.s32 $0xFFFFFF90  }
0x44: {  	[tilespmem:s26], [sflag:$0x6] =	stream.indirect.gather [hbm4b:s4+s25], $0x80, s19, s25, $0xb8;
	[tilespmem:$0x1EC00] =	vst v63  }
0x45: {  	s15 =	smov.u32 s21;
	s20 =	simm.s32 $0x5;
	s26 =	simm.s32 $0x0  }
.LBB2_8:
0x46: {  	s7 =	smulhi.u32 $0xAAAAAAAB, s26;
	_ =	sdelay $0x1  }
0x47: {  	s7 =	sshrl.u32 s7, $0x1  }
0x48: {  	s8 =	smul.u32 $0xFFFFFFF4, s7;
	_ =	sdelay $0x1  }
0x49: {  	s8 =	sshra.s32 s8, $0x2  }
0x4a: {  	s9 =	sadd.s32 $0xFFFFFFFF, s0;
	s8 =	sadd.s32 s8, s20  }
0x4b: {  	s10 =	smulhi.u32 $0xAAAAAAAB, s31;
	p0 =	sge.u32 s9, s5;
	_ =	swait.ge [sflag:s8], $0x3800  }
0x4c: {  	s9 =	sand.u32 @!p0 $0x3, s9;
	[sflag:s8] =	ssyncset.done $0x0  }
0x4d: {  	s10 =	sshrl.u32 s10, $0x1;
	[sflag:s8] =	ssyncadd.s32 $0xFFFFC800;
	s8 =	sadd.s32 @!p0 $0x1, s9  }
0x4e: {  	s11 =	smul.u32 $0xFFFFFFF4, s10;
	_ =	swait.ge @!p0 [sflag:s8], $0x70  }
0x4f: {  	s10 =	smul.u32 $0xFFFD6000, s10;
	[sflag:s8] =	ssyncset.done @!p0 $0x0  }
0x50: {  	s7 =	smul.u32 $0xFFFD6000, s7;
	[sflag:s8] =	ssyncadd.s32 @!p0 $0xFFFFFF90  }
0x51: {  	s11 =	sshra.s32 s11, $0x2;
	s10 =	sshra.s32 s10, $0x2;
	_ =	swait.ge @!p0 [sflag:s8], $0x70  }
0x52: {  	s11 =	sadd.s32 s11, s3;
	s10 =	sadd.s32 s10, s18;
	[sflag:s8] =	ssyncset.done @!p0 $0x0  }
0x53: {  	s9 =	sshll.u32 @!p0 s9, $0x7;
	[sflag:s8] =	ssyncadd.s32 @!p0 $0xFFFFFF90;
	s8 =	simm.s32 @!p0 $0x70  }
0x54: {  	[tilespmem:s10], [sflag:s11] =	stream.indirect.gather @!p0 [hbm4b:s4+s8], $0x80, s9, s8, $0xb8;
	[tilespmem:$0x1EC00] =	vst v63  }
0x55: {  	s7 =	sshra.s32 s7, $0x2;
	s10 =	sand.u32 $0x180, s29  }
0x56: {  	s7 =	sadd.s32 s7, s30;
	p0 =	sge.u32 s0, s5;
	s8 =	sor.u32 $0x200, s10  }
0x57: {  	[spmem:s1] =	stream.indirect.scatter.add.f32 [tilespmem:s7], [sflag:$0x9], $0x80, s8, s25, $0xb8;
	[tilespmem:$0x1EC00] =	vst v63  }
0x58: {  	s9 =	simm.s32 @!p0 $0x0;
	s7 =	sand.u32 @!p0 $0x3, s0;
	_ =	swait.ge [sflag:s28], $0x3800  }
0x59: {  	s0 =	sadd.s32 $0x1, s0;
	s8 =	sadd.s32 @!p0 $0x1, s7;
	[sflag:s28] =	ssyncset.done $0x0  }
0x5a: {  	s7 =	sshll.u32 @!p0 s7, $0x7;
	s11 =	rddreg [dreg:$0x3];
	[sflag:s28] =	ssyncadd.s32 $0xFFFFC800  }
0x5b: {  	[tilespmem:s7], [sflag:s8] =	stream.linear.gather @!p0 [hbm4b:s15+s9], $0x70, $0x38;
	[tilespmem:$0x1EC00] =	vst v63  }
0x5c: {  	s11 =	sadd.s32 s0, s11;
	s7 =	sor.u32 @!p0 $0x200, s7  }
0x5d: {  	[tilespmem:s7], [sflag:s8] =	stream.linear.gather @!p0 [hbm4b:s14+s9], $0x70, $0x38;
	[tilespmem:$0x1EC00] =	vst v63  }
0x5e: {  	p0 =	sne.s32 s11, $0x3  }
.Ltmp3:
0x5f: {  	_ = 	snop;
	(pc) =	sbr.rel @p0 .LBB2_8-.Ltmp3, $4  }
0x60: {  	_ = 	snop  }
0x61: {  	s26 =	sadd.s32 $0x1, s26;
	s31 =	sadd.s32 $0x1, s31;
	s3 =	sadd.s32 $0x1, s3  }
0x62: {  	s18 =	sadd.s32 $0x3800, s18;
	s20 =	sadd.s32 $0x1, s20;
	s30 =	sadd.s32 $0x3800, s30  }
0x63: {  	s29 =	sadd.s32 $0x80, s29;
	s15 =	sadd.s32 $0xE, s15;
	s14 =	sadd.s32 $0xE, s14  }
0x64: {  	s0 =	stileid.u32;
	s2 =	sadd.s32 $0x1, s2  }
0x65: {  	[bflag:$0x0] =	sbarrier.arrive $0xFFFF;
	s0 =	sshll.u32 s0, $0x6;
	p0 =	sne.s32 s2, s13  }
.Ltmp4:
0x66: {  	s3 =	sshrl.u32 s6, $0x3;
	s0 =	sor.u32 $0x1C09, s0;
	(pc) =	sbr.rel @p0 .LBB2_1-.Ltmp4, $4  }
0x67: {  	[hbm:s24], [sflag:s0] =	dma.local [spmem:s3], $0x2780  }
0x68: {  	_ =	swait.ge [sflag:s28], $0x2780  }
0x69: {  	[sflag:s28] =	ssyncset.done $0x0  }
0x6a: {  	[sflag:s28] =	ssyncadd.s32 $0xFFFFD880  }
0x6b: {  	_ =	sfence.sel $0x180000  }
0x6c: {  	[bflag:$0x0] =	sbarrier.arrive $0xFFFF  }
0x6d: {  	_ =	strace $0x90000047  }
0x6e: {  	s0 =	stileid.u32;
	[bflag:$0x2] =	sbarrier.arrive $0xFFFF  }
0x6f: {  	p0 =	sne.s32 s0, $0x0;
	s0 =	rddreg [dreg:$0x2]  }
0x70: {  	s0 =	sadd.s32 @!p0 $0x100000, s0  }
0x71: {  	[sflag:s0] =	ssyncadd.tile.s32 @!p0 $0x1;
	_ =	shalt  }
.Lfunc_end2:
_tile_overlayer_lowered:
.L_overlay_start_2:
0x72: {  	(tag) =	ssettag $0x2  }
0x73: {  	s0 =	rddreg [dreg:$0x0];
	s2 =	stileid.u32  }
0x74: {  	s1 =	rddreg [dreg:$0x1];
	p0 =	sne.s32 s2, $0x0  }
0x75: {  	s3 =	rddreg [dreg:$0x2];
	[bflag:$0x3] =	sbarrier.arrive $0xFFFF;
	s2 =	simm.s32 @!p0 $0x1C09  }
0x76: {  	[timem:s3], [sflag:s2] =	dma.local @!p0 [hbm:s0], s1  }
0x77: {  	s0 =	simm.s32 @!p0 $0x9  }
0x78: {  	_ =	swait.ge @!p0 [sflag:s0], s1  }
0x79: {  	s1 =	ssub.s32 @!p0 $0x0, s1;
	[sflag:s0] =	ssyncset.done @!p0 $0x0  }
0x7a: {  	[sflag:s0] =	ssyncadd.s32 @!p0 s1  }
0x7b: {  	[bflag:$0x3] =	sbarrier.arrive $0xFFFF  }
0x7c: {  	_ =	shalt  }

</sc_bundles>
